<compile_context>
chip_gen: v7x
topology: tpu7x:2x2x1
jax: 0.10.2.dev20260603
libtpu: 0.0.44.dev20260713+nightly
codegen_flags: <defaults>
</compile_context>

<pallas_src>
import jax
import jax.numpy as jnp
from jax import lax
from jax.experimental import pallas as pl
from jax.experimental.pallas import tpu as pltpu
from jax.experimental.pallas import tpu_sc as plsc

N = 10000
E = 320000
IN_DIM = 128
HIDDEN = 64
NUM_GRAPHS = 64

NC = 2
NS = 16
NW = NC * NS
CH = 80
CPW = 125
NPAD = 10240
RPS = NPAD // NS
RB = 2000
NBLK = N // RB


def _sc_mesh():
    return plsc.VectorSubcoreMesh(core_axis_name="c", subcore_axis_name="s")


def _deg_body(dst_hbm, out_hbm, idx_v, ones_v, zrow_v, acc_sh, sem, sem2):
    c = lax.axis_index("c")
    s = lax.axis_index("s")
    w = c * NS + s

    @pl.loop(0, CH)
    def _fill(i):
        ones_v[i] = jnp.ones((16,), jnp.float32)
        zrow_v[i] = jnp.zeros((16,), jnp.float32)

    for t in range(RPS // CH):
        pltpu.sync_copy(zrow_v, acc_sh.at[pl.ds(s * RPS + t * CH, CH)])
    pltpu.sync_copy(dst_hbm.at[w], idx_v)
    plsc.subcore_barrier()

    pltpu.async_copy(ones_v, acc_sh.at[idx_v.at[0]], sem, add=True)
    pltpu.async_copy(ones_v, acc_sh.at[idx_v.at[1]], sem2, add=True)

    @pl.loop(0, CPW - 2)
    def _scat(k):
        even = k % 2 == 0

        @pl.when(even)
        def _():
            pltpu.make_async_copy(ones_v, acc_sh.at[idx_v.at[k]], sem).wait()
            pltpu.async_copy(ones_v, acc_sh.at[idx_v.at[k + 2]], sem,
                             add=True)

        @pl.when(jnp.logical_not(even))
        def _():
            pltpu.make_async_copy(ones_v, acc_sh.at[idx_v.at[k]], sem2).wait()
            pltpu.async_copy(ones_v, acc_sh.at[idx_v.at[k + 2]], sem2,
                             add=True)

    lp = (CPW - 2) % 2
    if lp == 0:
        pltpu.make_async_copy(ones_v, acc_sh.at[idx_v.at[CPW - 2]],
                              sem).wait()
        pltpu.make_async_copy(ones_v, acc_sh.at[idx_v.at[CPW - 1]],
                              sem2).wait()
    else:
        pltpu.make_async_copy(ones_v, acc_sh.at[idx_v.at[CPW - 2]],
                              sem2).wait()
        pltpu.make_async_copy(ones_v, acc_sh.at[idx_v.at[CPW - 1]],
                              sem).wait()

    plsc.subcore_barrier()
    pltpu.sync_copy(acc_sh.at[pl.ds(s * RPS, RPS)],
                    out_hbm.at[c, pl.ds(s * RPS, RPS)])


def _deg_partials(dst3d):
    kern = pl.kernel(
        _deg_body,
        out_type=jax.ShapeDtypeStruct((NC, NPAD, 16), jnp.float32),
        mesh=_sc_mesh(),
        scratch_types=[
            pltpu.VMEM((CPW, CH), jnp.int32),
            pltpu.VMEM((CH, 16), jnp.float32),
            pltpu.VMEM((CH, 16), jnp.float32),
            pltpu.VMEM_SHARED((NPAD, 16), jnp.float32),
            pltpu.SemaphoreType.DMA,
            pltpu.SemaphoreType.DMA,
        ],
        compiler_params=pltpu.CompilerParams(use_tc_tiling_on_sc=False),
    )
    return kern(dst3d)


NBUF = 5


def _scatter_body(table_hbm, src_hbm, dst_hbm, out_hbm,
                  srcv, dstv, zbuf, b0, b1, b2, b3, b4, acc_sh,
                  ga, gb, gc, gd, ge, sa, sb, sc, sd, se):
    bufs = (b0, b1, b2, b3, b4)
    gsem = (ga, gb, gc, gd, ge)
    ssem = (sa, sb, sc, sd, se)
    c = lax.axis_index("c")
    s = lax.axis_index("s")
    w = c * NS + s

    pltpu.sync_copy(src_hbm.at[w], srcv)
    pltpu.sync_copy(dst_hbm.at[w], dstv)
    for k in range(3):
        pltpu.async_copy(table_hbm.at[srcv.at[k]], bufs[k], gsem[k])

    @pl.loop(0, CH)
    def _fill(i):
        for j in range(HIDDEN // 16):
            zbuf[i, pl.ds(j * 16, 16)] = jnp.zeros((16,), jnp.float32)

    for t in range(RPS // CH):
        pltpu.sync_copy(zbuf, acc_sh.at[pl.ds(s * RPS + t * CH, CH)])
    plsc.subcore_barrier()

    @pl.loop(0, CPW // NBUF)
    def _outer(ko):
        for b in range(NBUF):
            k = ko * NBUF + b
            nb = (b + 3) % NBUF

            @pl.when(k >= 2)
            def _():
                pltpu.make_async_copy(bufs[nb], acc_sh.at[dstv.at[k - 2]],
                                      ssem[nb]).wait()

            @pl.when(k + 3 < CPW)
            def _():
                pltpu.async_copy(table_hbm.at[srcv.at[k + 3]], bufs[nb],
                                 gsem[nb])

            pltpu.make_async_copy(table_hbm.at[srcv.at[k]], bufs[b],
                                  gsem[b]).wait()
            pltpu.async_copy(bufs[b], acc_sh.at[dstv.at[k]], ssem[b],
                             add=True)

    for k in (CPW - 2, CPW - 1):
        pltpu.make_async_copy(bufs[k % NBUF], acc_sh.at[dstv.at[k]],
                              ssem[k % NBUF]).wait()

    plsc.subcore_barrier()
    pltpu.sync_copy(acc_sh.at[pl.ds(s * RPS, RPS)],
                    out_hbm.at[c, pl.ds(s * RPS, RPS)])


def _edge_scatter(table, src3d, dst3d):
    kern = pl.kernel(
        _scatter_body,
        out_type=jax.ShapeDtypeStruct((NC, NPAD, HIDDEN), jnp.float32),
        mesh=_sc_mesh(),
        scratch_types=(
            [pltpu.VMEM((CPW, CH), jnp.int32)] * 2
            + [pltpu.VMEM((CH, HIDDEN), jnp.float32)] * (NBUF + 1)
            + [pltpu.VMEM_SHARED((NPAD, HIDDEN), jnp.float32)]
            + [pltpu.SemaphoreType.DMA] * (2 * NBUF)
        ),
        compiler_params=pltpu.CompilerParams(use_tc_tiling_on_sc=False),
    )
    return kern(table, src3d, dst3d)


def _mm1_body(x_ref, w1_ref, batch_ref, h_ref, cinv_ref, cacc):
    i = pl.program_id(0)

    @pl.when(i == 0)
    def _():
        cacc[...] = jnp.zeros_like(cacc)

    h_ref[...] = jnp.dot(x_ref[...], w1_ref[...],
                         preferred_element_type=jnp.float32)
    onehot = (batch_ref[...] ==
              lax.broadcasted_iota(jnp.int32, (1, NUM_GRAPHS), 1)
              ).astype(jnp.float32)
    dn = (((0,), (0,)), ((), ()))
    cacc[...] += lax.dot_general(onehot, jnp.ones((RB, HIDDEN), jnp.float32),
                                 dn, preferred_element_type=jnp.float32)

    @pl.when(i == NBLK - 1)
    def _():
        cinv_ref[...] = 1.0 / jnp.maximum(cacc[...], 1.0)


def _tc_mm1(x, W1, batch2d):
    return pl.pallas_call(
        _mm1_body,
        grid=(NBLK,),
        in_specs=[
            pl.BlockSpec((RB, IN_DIM), lambda i: (i, 0)),
            pl.BlockSpec((IN_DIM, HIDDEN), lambda i: (0, 0)),
            pl.BlockSpec((RB, 1), lambda i: (i, 0)),
        ],
        out_specs=[
            pl.BlockSpec((RB, HIDDEN), lambda i: (i, 0)),
            pl.BlockSpec((NUM_GRAPHS, HIDDEN), lambda i: (0, 0)),
        ],
        out_shape=[
            jax.ShapeDtypeStruct((N, HIDDEN), jnp.float32),
            jax.ShapeDtypeStruct((NUM_GRAPHS, HIDDEN), jnp.float32),
        ],
        scratch_shapes=[pltpu.VMEM((NUM_GRAPHS, HIDDEN), jnp.float32)],
    )(x, W1, batch2d)


def _scale_body(dp_ref, h_ref, g1_ref, dis_ref):
    dp = dp_ref[...]
    deg = dp[0, :, 0:1] + dp[1, :, 0:1] + 1.0
    dis = 1.0 / jnp.sqrt(deg)
    g1_ref[...] = h_ref[...] * dis
    dis_ref[...] = dis


def _tc_scale(dp, h1raw):
    return pl.pallas_call(
        _scale_body,
        grid=(NBLK,),
        in_specs=[
            pl.BlockSpec((NC, RB, 16), lambda i: (0, i, 0)),
            pl.BlockSpec((RB, HIDDEN), lambda i: (i, 0)),
        ],
        out_specs=[
            pl.BlockSpec((RB, HIDDEN), lambda i: (i, 0)),
            pl.BlockSpec((RB, 1), lambda i: (i, 0)),
        ],
        out_shape=[
            jax.ShapeDtypeStruct((N, HIDDEN), jnp.float32),
            jax.ShapeDtypeStruct((N, 1), jnp.float32),
        ],
    )(dp, h1raw)


def _mid_body(p_ref, g1_ref, dis_ref, b1_ref, w2_ref, g2_ref):
    p = p_ref[...]
    dis = dis_ref[...]
    h1 = jnp.maximum((p[0] + p[1] + g1_ref[...]) * dis + b1_ref[...], 0.0)
    g2_ref[...] = jnp.dot(h1, w2_ref[...],
                          preferred_element_type=jnp.float32) * dis


def _tc_mid(P, g1, dis, b1r, W2):
    return pl.pallas_call(
        _mid_body,
        grid=(NBLK,),
        in_specs=[
            pl.BlockSpec((NC, RB, HIDDEN), lambda i: (0, i, 0)),
            pl.BlockSpec((RB, HIDDEN), lambda i: (i, 0)),
            pl.BlockSpec((RB, 1), lambda i: (i, 0)),
            pl.BlockSpec((1, HIDDEN), lambda i: (0, 0)),
            pl.BlockSpec((HIDDEN, HIDDEN), lambda i: (0, 0)),
        ],
        out_specs=pl.BlockSpec((RB, HIDDEN), lambda i: (i, 0)),
        out_shape=jax.ShapeDtypeStruct((N, HIDDEN), jnp.float32),
    )(P, g1, dis, b1r, W2)


def _pool_body(q_ref, g2_ref, dis_ref, b2_ref, batch_ref, cinv_ref, out_ref,
               acc):
    i = pl.program_id(0)

    @pl.when(i == 0)
    def _():
        acc[...] = jnp.zeros_like(acc)

    q = q_ref[...]
    h2 = jnp.maximum((q[0] + q[1] + g2_ref[...]) * dis_ref[...] + b2_ref[...],
                     0.0)
    onehot = (batch_ref[...] ==
              lax.broadcasted_iota(jnp.int32, (1, NUM_GRAPHS), 1)
              ).astype(jnp.float32)
    dn = (((0,), (0,)), ((), ()))
    acc[...] += lax.dot_general(onehot, h2, dn,
                                preferred_element_type=jnp.float32)

    @pl.when(i == NBLK - 1)
    def _():
        out_ref[...] = acc[...] * cinv_ref[...]


def _tc_pool(Q, g2, dis, b2r, batch2d, cinv):
    return pl.pallas_call(
        _pool_body,
        grid=(NBLK,),
        in_specs=[
            pl.BlockSpec((NC, RB, HIDDEN), lambda i: (0, i, 0)),
            pl.BlockSpec((RB, HIDDEN), lambda i: (i, 0)),
            pl.BlockSpec((RB, 1), lambda i: (i, 0)),
            pl.BlockSpec((1, HIDDEN), lambda i: (0, 0)),
            pl.BlockSpec((RB, 1), lambda i: (i, 0)),
            pl.BlockSpec((NUM_GRAPHS, HIDDEN), lambda i: (0, 0)),
        ],
        out_specs=pl.BlockSpec((NUM_GRAPHS, HIDDEN), lambda i: (0, 0)),
        out_shape=jax.ShapeDtypeStruct((NUM_GRAPHS, HIDDEN), jnp.float32),
        scratch_shapes=[
            pltpu.VMEM((NUM_GRAPHS, HIDDEN), jnp.float32),
        ],
    )(Q, g2, dis, b2r, batch2d, cinv)


@jax.jit
def kernel(x, edge_index, batch, W1, b1, W2, b2):
    src3d = edge_index[0].reshape(NW, CPW, CH)
    dst3d = edge_index[1].reshape(NW, CPW, CH)
    batch2d = batch.reshape(N, 1)
    b1r = b1.reshape(1, HIDDEN)
    b2r = b2.reshape(1, HIDDEN)

    dp = _deg_partials(dst3d)
    h1raw, cinv = _tc_mm1(x, W1, batch2d)
    g1, dis = _tc_scale(dp, h1raw)
    P = _edge_scatter(g1, src3d, dst3d)
    g2 = _tc_mid(P, g1, dis, b1r, W2)
    Q = _edge_scatter(g2, src3d, dst3d)
    return _tc_pool(Q, g2, dis, b2r, batch2d, cinv)

# --- scband reference (transcript-rebuilt; emitter-appended) ---
"""Pipeline reference for scband-symbolic-graph-encoder-38543036514920 (READ-ONLY COPY).

The authoritative reference and input builder live on the scoring server;
editing this copy changes nothing except your own understanding.
"""

import jax, jax.numpy as jnp
import numpy as np

N = 10000
E = 320000
IN_DIM = 128
HIDDEN = 64
NUM_GRAPHS = 64


def setup_inputs(seed: int = 0) -> dict:
    key = jax.random.key(seed)
    k1, k2, k3, k4, k5 = jax.random.split(key, 5)
    x = jax.random.normal(k1, (N, IN_DIM), dtype=jnp.float32)
    edge_index = jax.random.randint(k2, (2, E), 0, N, dtype=jnp.int32)
    batch = jnp.sort(jax.random.randint(k3, (N,), 0, NUM_GRAPHS, dtype=jnp.int32))
    W1 = jax.random.normal(k4, (IN_DIM, HIDDEN), dtype=jnp.float32) * (1.0 / np.sqrt(IN_DIM))
    b1 = jnp.zeros((HIDDEN,), dtype=jnp.float32)
    W2 = jax.random.normal(k5, (HIDDEN, HIDDEN), dtype=jnp.float32) * (1.0 / np.sqrt(HIDDEN))
    b2 = jnp.zeros((HIDDEN,), dtype=jnp.float32)
    return {"x": x, "edge_index": edge_index, "batch": batch, "W1": W1, "b1": b1, "W2": W2, "b2": b2}


def _gcn_conv(x, W, b, src, dst):
    # PyG GCNConv: add self-loops, symmetric deg^{-1/2} normalization, x @ W, scatter-add, bias
    num_nodes = x.shape[0]
    loop = jnp.arange(num_nodes, dtype=src.dtype)
    s = jnp.concatenate([src, loop])
    d = jnp.concatenate([dst, loop])
    deg = jax.ops.segment_sum(jnp.ones_like(s, dtype=x.dtype), d, num_segments=num_nodes)
    deg_inv_sqrt = jnp.where(deg > 0, 1.0 / jnp.sqrt(deg), 0.0)
    norm = deg_inv_sqrt[s] * deg_inv_sqrt[d]
    h = x @ W
    msgs = h[s] * norm[:, None]
    out = jax.ops.segment_sum(msgs, d, num_segments=num_nodes)
    return out + b


def _global_mean_pool(x, batch, num_graphs):
    sums = jax.ops.segment_sum(x, batch, num_segments=num_graphs)
    cnt = jax.ops.segment_sum(jnp.ones((x.shape[0],), dtype=x.dtype), batch, num_segments=num_graphs)
    return sums / jnp.clip(cnt, 1.0)[:, None]


def reference(x, edge_index, batch, W1, b1, W2, b2):
    src = edge_index[0]
    dst = edge_index[1]
    h = jax.nn.relu(_gcn_conv(x, W1, b1, src, dst))
    h = jax.nn.relu(_gcn_conv(h, W2, b2, src, dst))
    return _global_mean_pool(h, batch, NUM_GRAPHS)

if __name__ == "__main__":
    import jax
    _d = setup_inputs()
    print(jax.jit(kernel)(*tuple(_d.values())))

</pallas_src>

<mosaic_0001>
#map = affine_map<(d0, d1) -> (0, 0, 0)>
module attributes {stable_mosaic.version = 14 : i64} {
  func.func @_deg_body(%arg0: i32, %arg1: i32, %arg2: memref<32x125x80xi32, #tpu.memory_space<hbm>>, %arg3: memref<2x10240x16xf32, #tpu.memory_space<hbm>>, %arg4: memref<125x80xi32, #tpu.memory_space<vmem>>, %arg5: memref<80x16xf32, #tpu.memory_space<vmem>>, %arg6: memref<80x16xf32, #tpu.memory_space<vmem>>, %arg7: memref<10240x16xf32, #tpu.memory_space<vmem_shared>>, %arg8: memref<!tpu.dma_semaphore, #tpu.memory_space<semaphore_mem>>, %arg9: memref<!tpu.dma_semaphore, #tpu.memory_space<semaphore_mem>>) attributes {dimension_semantics = [#tpu.dimension_semantics<core_parallel>, #tpu.dimension_semantics<subcore_parallel>], iteration_bounds = array<i64: 2, 16>, scalar_prefetch = 0 : i64, scratch_operands = 6 : i64, tpu.core_type = #tpu.core_type<sc_vector_subcore>, window_params = [{transform_indices = #map}, {transform_indices = #map}]} {
    %mul3A = arith.constant 16 : i32
    %mul3A_0 = arith.muli %arg0, %mul3A : i32
    %add3A = arith.addi %mul3A_0, %arg1 : i32
    %scan3A = arith.constant 0 : i32
    %scan3A_1 = arith.constant 80 : i32
    %scan3A_2 = arith.addi %scan3A, %scan3A_1 : i32
    %scan3A_3 = arith.constant 1 : i32
    scf.for %scan3A_73 = %scan3A to %scan3A_2 step %scan3A_3  : i32 {
      %mul3A_74 = arith.constant 1 : i32
      %mul3A_75 = arith.muli %scan3A_73, %mul3A_74 : i32
      %add3A_76 = arith.constant 0 : i32
      %add3A_77 = arith.addi %add3A_76, %mul3A_75 : i32
      %broadcast_in_dim3A = arith.constant 1.000000e+00 : f32
      %broadcast_in_dim3A_78 = vector.broadcast %broadcast_in_dim3A : f32 to vector<16xf32>
      %swap3A = arith.index_cast %add3A_77 : i32 to index
      %swap3A_79 = arith.constant 0 : index
      %swap3A_80 = tpu.vector_load %arg5[%swap3A, %swap3A_79] {strides = array<i32>} : memref<80x16xf32, #tpu.memory_space<vmem>>, vector<1x16xf32>,
      %swap3A_81 = vector.shape_cast %swap3A_80 : vector<1x16xf32> to vector<16xf32>
      %swap3A_82 = vector.shape_cast %broadcast_in_dim3A_78 : vector<16xf32> to vector<1x16xf32>
      tpu.vector_store %arg5[%swap3A, %swap3A_79], %swap3A_82 {strides = array<i32>} : memref<80x16xf32, #tpu.memory_space<vmem>>, vector<1x16xf32>,
      %broadcast_in_dim3A_83 = arith.constant 0.000000e+00 : f32
      %broadcast_in_dim3A_84 = vector.broadcast %broadcast_in_dim3A_83 : f32 to vector<16xf32>
      %swap3A_85 = arith.index_cast %add3A_77 : i32 to index
      %swap3A_86 = arith.constant 0 : index
      %swap3A_87 = tpu.vector_load %arg6[%swap3A_85, %swap3A_86] {strides = array<i32>} : memref<80x16xf32, #tpu.memory_space<vmem>>, vector<1x16xf32>,
      %swap3A_88 = vector.shape_cast %swap3A_87 : vector<1x16xf32> to vector<16xf32>
      %swap3A_89 = vector.shape_cast %broadcast_in_dim3A_84 : vector<16xf32> to vector<1x16xf32>
      tpu.vector_store %arg6[%swap3A_85, %swap3A_86], %swap3A_89 {strides = array<i32>} : memref<80x16xf32, #tpu.memory_space<vmem>>, vector<1x16xf32>,
    }
    %scan3A_4 = arith.constant 80 : i32
    %mul3A_5 = arith.constant 640 : i32
    %mul3A_6 = arith.muli %arg1, %mul3A_5 : i32
    %add3A_7 = arith.constant 0 : i32
    %add3A_8 = arith.addi %mul3A_6, %add3A_7 : i32
    "tpu.region"() ({
      %run_scoped3A = tpu.sem_alloc : memref<!tpu.dma_semaphore, #tpu.memory_space<semaphore_mem>>
      %dma_start3A_73 = arith.constant 0 : i32
      %dma_start3A_74 = tpu.memref_slice %arg7[%add3A_8, %dma_start3A_73] : memref<10240x16xf32, #tpu.memory_space<vmem_shared>> -> memref<80x16xf32, #tpu.memory_space<vmem_shared>>
      %dma_start3A_75 = arith.constant 0 : i32
      %dma_start3A_76 = tpu.memref_slice %arg7[%add3A_8, %dma_start3A_75] : memref<10240x16xf32, #tpu.memory_space<vmem_shared>> -> memref<80x16xf32, #tpu.memory_space<vmem_shared>>
      tpu.enqueue_dma source(%arg6 : memref<80x16xf32, #tpu.memory_space<vmem>>) target(%dma_start3A_76 : memref<80x16xf32, #tpu.memory_space<vmem_shared>>) target_semaphore(%run_scoped3A : memref<!tpu.dma_semaphore, #tpu.memory_space<semaphore_mem>>)
      %dma_wait3A_77 = arith.constant 0 : i32
      %dma_wait3A_78 = tpu.memref_slice %arg7[%add3A_8, %dma_wait3A_77] : memref<10240x16xf32, #tpu.memory_space<vmem_shared>> -> memref<80x16xf32, #tpu.memory_space<vmem_shared>>
      %dma_wait3A_79 = arith.constant 0 : i32
      %dma_wait3A_80 = tpu.memref_slice %arg7[%add3A_8, %dma_wait3A_79] : memref<10240x16xf32, #tpu.memory_space<vmem_shared>> -> memref<80x16xf32, #tpu.memory_space<vmem_shared>>
      tpu.wait_dma2 semaphore(%run_scoped3A : memref<!tpu.dma_semaphore, #tpu.memory_space<semaphore_mem>>) src(%arg6 : memref<80x16xf32, #tpu.memory_space<vmem>>) dst(%dma_wait3A_80 : memref<80x16xf32, #tpu.memory_space<vmem_shared>>)
      tpu.yield
    }) : () -> ()
    %mul3A_9 = arith.constant 640 : i32
    %mul3A_10 = arith.muli %arg1, %mul3A_9 : i32
    %add3A_11 = arith.constant 80 : i32
    %add3A_12 = arith.addi %mul3A_10, %add3A_11 : i32
    "tpu.region"() ({
      %run_scoped3A = tpu.sem_alloc : memref<!tpu.dma_semaphore, #tpu.memory_space<semaphore_mem>>
      %dma_start3A_73 = arith.constant 0 : i32
      %dma_start3A_74 = tpu.memref_slice %arg7[%add3A_12, %dma_start3A_73] : memref<10240x16xf32, #tpu.memory_space<vmem_shared>> -> memref<80x16xf32, #tpu.memory_space<vmem_shared>>
      %dma_start3A_75 = arith.constant 0 : i32
      %dma_start3A_76 = tpu.memref_slice %arg7[%add3A_12, %dma_start3A_75] : memref<10240x16xf32, #tpu.memory_space<vmem_shared>> -> memref<80x16xf32, #tpu.memory_space<vmem_shared>>
      tpu.enqueue_dma source(%arg6 : memref<80x16xf32, #tpu.memory_space<vmem>>) target(%dma_start3A_76 : memref<80x16xf32, #tpu.memory_space<vmem_shared>>) target_semaphore(%run_scoped3A : memref<!tpu.dma_semaphore, #tpu.memory_space<semaphore_mem>>)
      %dma_wait3A_77 = arith.constant 0 : i32
      %dma_wait3A_78 = tpu.memref_slice %arg7[%add3A_12, %dma_wait3A_77] : memref<10240x16xf32, #tpu.memory_space<vmem_shared>> -> memref<80x16xf32, #tpu.memory_space<vmem_shared>>
      %dma_wait3A_79 = arith.constant 0 : i32
      %dma_wait3A_80 = tpu.memref_slice %arg7[%add3A_12, %dma_wait3A_79] : memref<10240x16xf32, #tpu.memory_space<vmem_shared>> -> memref<80x16xf32, #tpu.memory_space<vmem_shared>>
      tpu.wait_dma2 semaphore(%run_scoped3A : memref<!tpu.dma_semaphore, #tpu.memory_space<semaphore_mem>>) src(%arg6 : memref<80x16xf32, #tpu.memory_space<vmem>>) dst(%dma_wait3A_80 : memref<80x16xf32, #tpu.memory_space<vmem_shared>>)
      tpu.yield
    }) : () -> ()
    %mul3A_13 = arith.constant 640 : i32
    %mul3A_14 = arith.muli %arg1, %mul3A_13 : i32
    %add3A_15 = arith.constant 160 : i32
    %add3A_16 = arith.addi %mul3A_14, %add3A_15 : i32
    "tpu.region"() ({
      %run_scoped3A = tpu.sem_alloc : memref<!tpu.dma_semaphore, #tpu.memory_space<semaphore_mem>>
      %dma_start3A_73 = arith.constant 0 : i32
      %dma_start3A_74 = tpu.memref_slice %arg7[%add3A_16, %dma_start3A_73] : memref<10240x16xf32, #tpu.memory_space<vmem_shared>> -> memref<80x16xf32, #tpu.memory_space<vmem_shared>>
      %dma_start3A_75 = arith.constant 0 : i32
      %dma_start3A_76 = tpu.memref_slice %arg7[%add3A_16, %dma_start3A_75] : memref<10240x16xf32, #tpu.memory_space<vmem_shared>> -> memref<80x16xf32, #tpu.memory_space<vmem_shared>>
      tpu.enqueue_dma source(%arg6 : memref<80x16xf32, #tpu.memory_space<vmem>>) target(%dma_start3A_76 : memref<80x16xf32, #tpu.memory_space<vmem_shared>>) target_semaphore(%run_scoped3A : memref<!tpu.dma_semaphore, #tpu.memory_space<semaphore_mem>>)
      %dma_wait3A_77 = arith.constant 0 : i32
      %dma_wait3A_78 = tpu.memref_slice %arg7[%add3A_16, %dma_wait3A_77] : memref<10240x16xf32, #tpu.memory_space<vmem_shared>> -> memref<80x16xf32, #tpu.memory_space<vmem_shared>>
      %dma_wait3A_79 = arith.constant 0 : i32
      %dma_wait3A_80 = tpu.memref_slice %arg7[%add3A_16, %dma_wait3A_79] : memref<10240x16xf32, #tpu.memory_space<vmem_shared>> -> memref<80x16xf32, #tpu.memory_space<vmem_shared>>
      tpu.wait_dma2 semaphore(%run_scoped3A : memref<!tpu.dma_semaphore, #tpu.memory_space<semaphore_mem>>) src(%arg6 : memref<80x16xf32, #tpu.memory_space<vmem>>) dst(%dma_wait3A_80 : memref<80x16xf32, #tpu.memory_space<vmem_shared>>)
      tpu.yield
    }) : () -> ()
    %mul3A_17 = arith.constant 640 : i32
    %mul3A_18 = arith.muli %arg1, %mul3A_17 : i32
    %add3A_19 = arith.constant 240 : i32
    %add3A_20 = arith.addi %mul3A_18, %add3A_19 : i32
    "tpu.region"() ({
      %run_scoped3A = tpu.sem_alloc : memref<!tpu.dma_semaphore, #tpu.memory_space<semaphore_mem>>
      %dma_start3A_73 = arith.constant 0 : i32
      %dma_start3A_74 = tpu.memref_slice %arg7[%add3A_20, %dma_start3A_73] : memref<10240x16xf32, #tpu.memory_space<vmem_shared>> -> memref<80x16xf32, #tpu.memory_space<vmem_shared>>
      %dma_start3A_75 = arith.constant 0 : i32
      %dma_start3A_76 = tpu.memref_slice %arg7[%add3A_20, %dma_start3A_75] : memref<10240x16xf32, #tpu.memory_space<vmem_shared>> -> memref<80x16xf32, #tpu.memory_space<vmem_shared>>
      tpu.enqueue_dma source(%arg6 : memref<80x16xf32, #tpu.memory_space<vmem>>) target(%dma_start3A_76 : memref<80x16xf32, #tpu.memory_space<vmem_shared>>) target_semaphore(%run_scoped3A : memref<!tpu.dma_semaphore, #tpu.memory_space<semaphore_mem>>)
      %dma_wait3A_77 = arith.constant 0 : i32
      %dma_wait3A_78 = tpu.memref_slice %arg7[%add3A_20, %dma_wait3A_77] : memref<10240x16xf32, #tpu.memory_space<vmem_shared>> -> memref<80x16xf32, #tpu.memory_space<vmem_shared>>
      %dma_wait3A_79 = arith.constant 0 : i32
      %dma_wait3A_80 = tpu.memref_slice %arg7[%add3A_20, %dma_wait3A_79] : memref<10240x16xf32, #tpu.memory_space<vmem_shared>> -> memref<80x16xf32, #tpu.memory_space<vmem_shared>>
      tpu.wait_dma2 semaphore(%run_scoped3A : memref<!tpu.dma_semaphore, #tpu.memory_space<semaphore_mem>>) src(%arg6 : memref<80x16xf32, #tpu.memory_space<vmem>>) dst(%dma_wait3A_80 : memref<80x16xf32, #tpu.memory_space<vmem_shared>>)
      tpu.yield
    }) : () -> ()
    %mul3A_21 = arith.constant 640 : i32
    %mul3A_22 = arith.muli %arg1, %mul3A_21 : i32
    %add3A_23 = arith.constant 320 : i32
    %add3A_24 = arith.addi %mul3A_22, %add3A_23 : i32
    "tpu.region"() ({
      %run_scoped3A = tpu.sem_alloc : memref<!tpu.dma_semaphore, #tpu.memory_space<semaphore_mem>>
      %dma_start3A_73 = arith.constant 0 : i32
      %dma_start3A_74 = tpu.memref_slice %arg7[%add3A_24, %dma_start3A_73] : memref<10240x16xf32, #tpu.memory_space<vmem_shared>> -> memref<80x16xf32, #tpu.memory_space<vmem_shared>>
      %dma_start3A_75 = arith.constant 0 : i32
      %dma_start3A_76 = tpu.memref_slice %arg7[%add3A_24, %dma_start3A_75] : memref<10240x16xf32, #tpu.memory_space<vmem_shared>> -> memref<80x16xf32, #tpu.memory_space<vmem_shared>>
      tpu.enqueue_dma source(%arg6 : memref<80x16xf32, #tpu.memory_space<vmem>>) target(%dma_start3A_76 : memref<80x16xf32, #tpu.memory_space<vmem_shared>>) target_semaphore(%run_scoped3A : memref<!tpu.dma_semaphore, #tpu.memory_space<semaphore_mem>>)
      %dma_wait3A_77 = arith.constant 0 : i32
      %dma_wait3A_78 = tpu.memref_slice %arg7[%add3A_24, %dma_wait3A_77] : memref<10240x16xf32, #tpu.memory_space<vmem_shared>> -> memref<80x16xf32, #tpu.memory_space<vmem_shared>>
      %dma_wait3A_79 = arith.constant 0 : i32
      %dma_wait3A_80 = tpu.memref_slice %arg7[%add3A_24, %dma_wait3A_79] : memref<10240x16xf32, #tpu.memory_space<vmem_shared>> -> memref<80x16xf32, #tpu.memory_space<vmem_shared>>
      tpu.wait_dma2 semaphore(%run_scoped3A : memref<!tpu.dma_semaphore, #tpu.memory_space<semaphore_mem>>) src(%arg6 : memref<80x16xf32, #tpu.memory_space<vmem>>) dst(%dma_wait3A_80 : memref<80x16xf32, #tpu.memory_space<vmem_shared>>)
      tpu.yield
    }) : () -> ()
    %mul3A_25 = arith.constant 640 : i32
    %mul3A_26 = arith.muli %arg1, %mul3A_25 : i32
    %add3A_27 = arith.constant 400 : i32
    %add3A_28 = arith.addi %mul3A_26, %add3A_27 : i32
    "tpu.region"() ({
      %run_scoped3A = tpu.sem_alloc : memref<!tpu.dma_semaphore, #tpu.memory_space<semaphore_mem>>
      %dma_start3A_73 = arith.constant 0 : i32
      %dma_start3A_74 = tpu.memref_slice %arg7[%add3A_28, %dma_start3A_73] : memref<10240x16xf32, #tpu.memory_space<vmem_shared>> -> memref<80x16xf32, #tpu.memory_space<vmem_shared>>
      %dma_start3A_75 = arith.constant 0 : i32
      %dma_start3A_76 = tpu.memref_slice %arg7[%add3A_28, %dma_start3A_75] : memref<10240x16xf32, #tpu.memory_space<vmem_shared>> -> memref<80x16xf32, #tpu.memory_space<vmem_shared>>
      tpu.enqueue_dma source(%arg6 : memref<80x16xf32, #tpu.memory_space<vmem>>) target(%dma_start3A_76 : memref<80x16xf32, #tpu.memory_space<vmem_shared>>) target_semaphore(%run_scoped3A : memref<!tpu.dma_semaphore, #tpu.memory_space<semaphore_mem>>)
      %dma_wait3A_77 = arith.constant 0 : i32
      %dma_wait3A_78 = tpu.memref_slice %arg7[%add3A_28, %dma_wait3A_77] : memref<10240x16xf32, #tpu.memory_space<vmem_shared>> -> memref<80x16xf32, #tpu.memory_space<vmem_shared>>
      %dma_wait3A_79 = arith.constant 0 : i32
      %dma_wait3A_80 = tpu.memref_slice %arg7[%add3A_28, %dma_wait3A_79] : memref<10240x16xf32, #tpu.memory_space<vmem_shared>> -> memref<80x16xf32, #tpu.memory_space<vmem_shared>>
      tpu.wait_dma2 semaphore(%run_scoped3A : memref<!tpu.dma_semaphore, #tpu.memory_space<semaphore_mem>>) src(%arg6 : memref<80x16xf32, #tpu.memory_space<vmem>>) dst(%dma_wait3A_80 : memref<80x16xf32, #tpu.memory_space<vmem_shared>>)
      tpu.yield
    }) : () -> ()
    %mul3A_29 = arith.constant 640 : i32
    %mul3A_30 = arith.muli %arg1, %mul3A_29 : i32
    %add3A_31 = arith.constant 480 : i32
    %add3A_32 = arith.addi %mul3A_30, %add3A_31 : i32
    "tpu.region"() ({
      %run_scoped3A = tpu.sem_alloc : memref<!tpu.dma_semaphore, #tpu.memory_space<semaphore_mem>>
      %dma_start3A_73 = arith.constant 0 : i32
      %dma_start3A_74 = tpu.memref_slice %arg7[%add3A_32, %dma_start3A_73] : memref<10240x16xf32, #tpu.memory_space<vmem_shared>> -> memref<80x16xf32, #tpu.memory_space<vmem_shared>>
      %dma_start3A_75 = arith.constant 0 : i32
      %dma_start3A_76 = tpu.memref_slice %arg7[%add3A_32, %dma_start3A_75] : memref<10240x16xf32, #tpu.memory_space<vmem_shared>> -> memref<80x16xf32, #tpu.memory_space<vmem_shared>>
      tpu.enqueue_dma source(%arg6 : memref<80x16xf32, #tpu.memory_space<vmem>>) target(%dma_start3A_76 : memref<80x16xf32, #tpu.memory_space<vmem_shared>>) target_semaphore(%run_scoped3A : memref<!tpu.dma_semaphore, #tpu.memory_space<semaphore_mem>>)
      %dma_wait3A_77 = arith.constant 0 : i32
      %dma_wait3A_78 = tpu.memref_slice %arg7[%add3A_32, %dma_wait3A_77] : memref<10240x16xf32, #tpu.memory_space<vmem_shared>> -> memref<80x16xf32, #tpu.memory_space<vmem_shared>>
      %dma_wait3A_79 = arith.constant 0 : i32
      %dma_wait3A_80 = tpu.memref_slice %arg7[%add3A_32, %dma_wait3A_79] : memref<10240x16xf32, #tpu.memory_space<vmem_shared>> -> memref<80x16xf32, #tpu.memory_space<vmem_shared>>
      tpu.wait_dma2 semaphore(%run_scoped3A : memref<!tpu.dma_semaphore, #tpu.memory_space<semaphore_mem>>) src(%arg6 : memref<80x16xf32, #tpu.memory_space<vmem>>) dst(%dma_wait3A_80 : memref<80x16xf32, #tpu.memory_space<vmem_shared>>)
      tpu.yield
    }) : () -> ()
    %mul3A_33 = arith.constant 640 : i32
    %mul3A_34 = arith.muli %arg1, %mul3A_33 : i32
    %add3A_35 = arith.constant 560 : i32
    %add3A_36 = arith.addi %mul3A_34, %add3A_35 : i32
    "tpu.region"() ({
      %run_scoped3A = tpu.sem_alloc : memref<!tpu.dma_semaphore, #tpu.memory_space<semaphore_mem>>
      %dma_start3A_73 = arith.constant 0 : i32
      %dma_start3A_74 = tpu.memref_slice %arg7[%add3A_36, %dma_start3A_73] : memref<10240x16xf32, #tpu.memory_space<vmem_shared>> -> memref<80x16xf32, #tpu.memory_space<vmem_shared>>
      %dma_start3A_75 = arith.constant 0 : i32
      %dma_start3A_76 = tpu.memref_slice %arg7[%add3A_36, %dma_start3A_75] : memref<10240x16xf32, #tpu.memory_space<vmem_shared>> -> memref<80x16xf32, #tpu.memory_space<vmem_shared>>
      tpu.enqueue_dma source(%arg6 : memref<80x16xf32, #tpu.memory_space<vmem>>) target(%dma_start3A_76 : memref<80x16xf32, #tpu.memory_space<vmem_shared>>) target_semaphore(%run_scoped3A : memref<!tpu.dma_semaphore, #tpu.memory_space<semaphore_mem>>)
      %dma_wait3A_77 = arith.constant 0 : i32
      %dma_wait3A_78 = tpu.memref_slice %arg7[%add3A_36, %dma_wait3A_77] : memref<10240x16xf32, #tpu.memory_space<vmem_shared>> -> memref<80x16xf32, #tpu.memory_space<vmem_shared>>
      %dma_wait3A_79 = arith.constant 0 : i32
      %dma_wait3A_80 = tpu.memref_slice %arg7[%add3A_36, %dma_wait3A_79] : memref<10240x16xf32, #tpu.memory_space<vmem_shared>> -> memref<80x16xf32, #tpu.memory_space<vmem_shared>>
      tpu.wait_dma2 semaphore(%run_scoped3A : memref<!tpu.dma_semaphore, #tpu.memory_space<semaphore_mem>>) src(%arg6 : memref<80x16xf32, #tpu.memory_space<vmem>>) dst(%dma_wait3A_80 : memref<80x16xf32, #tpu.memory_space<vmem_shared>>)
      tpu.yield
    }) : () -> ()
    "tpu.region"() ({
      %run_scoped3A = tpu.sem_alloc : memref<!tpu.dma_semaphore, #tpu.memory_space<semaphore_mem>>
      %dma_start3A_73 = arith.constant 0 : i32
      %dma_start3A_74 = arith.constant 0 : i32
      %dma_start3A_75 = tpu.memref_slice %arg2[%add3A, %dma_start3A_73, %dma_start3A_74] : memref<32x125x80xi32, #tpu.memory_space<hbm>> -> memref<1x125x80xi32, #tpu.memory_space<hbm>>
      %dma_start3A_76 = tpu.memref_squeeze %dma_start3A_75 : memref<1x125x80xi32, #tpu.memory_space<hbm>> -> memref<125x80xi32, #tpu.memory_space<hbm>>
      %dma_start3A_77 = arith.constant 0 : i32
      %dma_start3A_78 = arith.constant 0 : i32
      %dma_start3A_79 = tpu.memref_slice %arg2[%add3A, %dma_start3A_77, %dma_start3A_78] : memref<32x125x80xi32, #tpu.memory_space<hbm>> -> memref<1x125x80xi32, #tpu.memory_space<hbm>>
      %dma_start3A_80 = tpu.memref_squeeze %dma_start3A_79 : memref<1x125x80xi32, #tpu.memory_space<hbm>> -> memref<125x80xi32, #tpu.memory_space<hbm>>
      tpu.enqueue_dma source(%dma_start3A_80 : memref<125x80xi32, #tpu.memory_space<hbm>>) target(%arg4 : memref<125x80xi32, #tpu.memory_space<vmem>>) target_semaphore(%run_scoped3A : memref<!tpu.dma_semaphore, #tpu.memory_space<semaphore_mem>>)
      %dma_wait3A_81 = arith.constant 0 : i32
      %dma_wait3A_82 = arith.constant 0 : i32
      %dma_wait3A_83 = tpu.memref_slice %arg2[%add3A, %dma_wait3A_81, %dma_wait3A_82] : memref<32x125x80xi32, #tpu.memory_space<hbm>> -> memref<1x125x80xi32, #tpu.memory_space<hbm>>
      %dma_wait3A_84 = tpu.memref_squeeze %dma_wait3A_83 : memref<1x125x80xi32, #tpu.memory_space<hbm>> -> memref<125x80xi32, #tpu.memory_space<hbm>>
      %dma_wait3A_85 = arith.constant 0 : i32
      %dma_wait3A_86 = arith.constant 0 : i32
      %dma_wait3A_87 = tpu.memref_slice %arg2[%add3A, %dma_wait3A_85, %dma_wait3A_86] : memref<32x125x80xi32, #tpu.memory_space<hbm>> -> memref<1x125x80xi32, #tpu.memory_space<hbm>>
      %dma_wait3A_88 = tpu.memref_squeeze %dma_wait3A_87 : memref<1x125x80xi32, #tpu.memory_space<hbm>> -> memref<125x80xi32, #tpu.memory_space<hbm>>
      tpu.wait_dma2 semaphore(%run_scoped3A : memref<!tpu.dma_semaphore, #tpu.memory_space<semaphore_mem>>) src(%dma_wait3A_88 : memref<125x80xi32, #tpu.memory_space<hbm>>) dst(%arg4 : memref<125x80xi32, #tpu.memory_space<vmem>>)
      tpu.yield
    }) : () -> ()
    %barrier3A = arith.constant 0 : index
    tpu.barrier barrier_id(%barrier3A)
    %dma_start3A = arith.constant 0 : i32
    %dma_start3A_37 = arith.constant 0 : i32
    %dma_start3A_38 = tpu.memref_slice %arg4[%dma_start3A, %dma_start3A_37] : memref<125x80xi32, #tpu.memory_space<vmem>> -> memref<1x80xi32, #tpu.memory_space<vmem>>
    %dma_start3A_39 = tpu.memref_squeeze %dma_start3A_38 : memref<1x80xi32, #tpu.memory_space<vmem>> -> memref<80xi32, #tpu.memory_space<vmem>>
    %dma_start3A_40 = arith.constant 0 : i32
    %dma_start3A_41 = arith.constant 0 : i32
    %dma_start3A_42 = tpu.memref_slice %arg7[%dma_start3A_40, %dma_start3A_41] : memref<10240x16xf32, #tpu.memory_space<vmem_shared>> -> memref<10240x16xf32, #tpu.memory_space<vmem_shared>>
    tpu.enqueue_indirect_dma source(%arg5 : memref<80x16xf32, #tpu.memory_space<vmem>>) target(%dma_start3A_42 : memref<10240x16xf32, #tpu.memory_space<vmem_shared>>) offsets(%dma_start3A_39 : memref<80xi32, #tpu.memory_space<vmem>>) semaphore(%arg8 : memref<!tpu.dma_semaphore, #tpu.memory_space<semaphore_mem>>) {add = true}
    %dma_start3A_43 = arith.constant 1 : i32
    %dma_start3A_44 = arith.constant 0 : i32
    %dma_start3A_45 = tpu.memref_slice %arg4[%dma_start3A_43, %dma_start3A_44] : memref<125x80xi32, #tpu.memory_space<vmem>> -> memref<1x80xi32, #tpu.memory_space<vmem>>
    %dma_start3A_46 = tpu.memref_squeeze %dma_start3A_45 : memref<1x80xi32, #tpu.memory_space<vmem>> -> memref<80xi32, #tpu.memory_space<vmem>>
    %dma_start3A_47 = arith.constant 0 : i32
    %dma_start3A_48 = arith.constant 0 : i32
    %dma_start3A_49 = tpu.memref_slice %arg7[%dma_start3A_47, %dma_start3A_48] : memref<10240x16xf32, #tpu.memory_space<vmem_shared>> -> memref<10240x16xf32, #tpu.memory_space<vmem_shared>>
    tpu.enqueue_indirect_dma source(%arg5 : memref<80x16xf32, #tpu.memory_space<vmem>>) target(%dma_start3A_49 : memref<10240x16xf32, #tpu.memory_space<vmem_shared>>) offsets(%dma_start3A_46 : memref<80xi32, #tpu.memory_space<vmem>>) semaphore(%arg9 : memref<!tpu.dma_semaphore, #tpu.memory_space<semaphore_mem>>) {add = true}
    %scan3A_50 = arith.constant 0 : i32
    %scan3A_51 = arith.constant 123 : i32
    %scan3A_52 = arith.addi %scan3A_50, %scan3A_51 : i32
    %scan3A_53 = arith.constant 1 : i32
    scf.for %scan3A_73 = %scan3A_50 to %scan3A_52 step %scan3A_53  : i32 {
      %mul3A_74 = arith.constant 1 : i32
      %mul3A_75 = arith.muli %scan3A_73, %mul3A_74 : i32
      %add3A_76 = arith.constant 0 : i32
      %add3A_77 = arith.addi %add3A_76, %mul3A_75 : i32
      %jit3A = arith.constant 2 : i32
      %eq3A = arith.constant 0 : i32
      %eq3A_78 = arith.cmpi eq, %jit3A, %eq3A : i32
      %jit3A_79 = arith.constant 1 : i32
      %select_n3A = arith.select %eq3A_78, %jit3A_79, %jit3A : i32
      %rem3A = arith.remsi %add3A_77, %select_n3A : i32
      %ne3A = arith.constant 0 : i32
      %ne3A_80 = arith.cmpi ne, %rem3A, %ne3A : i32
      %lt3A = arith.constant 0 : i32
      %lt3A_81 = arith.cmpi slt, %rem3A, %lt3A : i32
      %lt3A_82 = arith.constant 0 : i32
      %lt3A_83 = arith.cmpi slt, %select_n3A, %lt3A_82 : i32
      %ne3A_84 = arith.xori %lt3A_81, %lt3A_83 : i1
      %and3A = arith.andi %ne3A_84, %ne3A_80 : i1
      %add3A_85 = arith.addi %rem3A, %select_n3A : i32
      %select_n3A_86 = arith.select %and3A, %add3A_85, %rem3A : i32
      %eq3A_87 = arith.constant 0 : i32
      %eq3A_88 = arith.cmpi eq, %select_n3A_86, %eq3A_87 : i32
      %convert_element_type3A = arith.extui %eq3A_88 : i1 to i32
      %cond3A = arith.constant 0 : i32
      %cond3A_89 = arith.cmpi ne, %convert_element_type3A, %cond3A : i32
      scf.if %cond3A_89 {
        %dma_wait3A_94 = arith.constant 0 : i32
        %dma_wait3A_95 = tpu.memref_slice %arg4[%add3A_77, %dma_wait3A_94] : memref<125x80xi32, #tpu.memory_space<vmem>> -> memref<1x80xi32, #tpu.memory_space<vmem>>
        %dma_wait3A_96 = tpu.memref_squeeze %dma_wait3A_95 : memref<1x80xi32, #tpu.memory_space<vmem>> -> memref<80xi32, #tpu.memory_space<vmem>>
        %dma_wait3A_97 = arith.constant 0 : i32
        %dma_wait3A_98 = arith.constant 0 : i32
        %dma_wait3A_99 = tpu.memref_slice %arg7[%dma_wait3A_97, %dma_wait3A_98] : memref<10240x16xf32, #tpu.memory_space<vmem_shared>> -> memref<10240x16xf32, #tpu.memory_space<vmem_shared>>
        tpu.wait_indirect_dma semaphore(%arg8 : memref<!tpu.dma_semaphore, #tpu.memory_space<semaphore_mem>>) src(%arg5 : memref<80x16xf32, #tpu.memory_space<vmem>>) dst(%dma_wait3A_99 : memref<10240x16xf32, #tpu.memory_space<vmem_shared>>)
        %add3A_100 = arith.constant 2 : i32
        %add3A_101 = arith.addi %add3A_77, %add3A_100 : i32
        %dma_start3A_102 = arith.constant 0 : i32
        %dma_start3A_103 = tpu.memref_slice %arg4[%add3A_101, %dma_start3A_102] : memref<125x80xi32, #tpu.memory_space<vmem>> -> memref<1x80xi32, #tpu.memory_space<vmem>>
        %dma_start3A_104 = tpu.memref_squeeze %dma_start3A_103 : memref<1x80xi32, #tpu.memory_space<vmem>> -> memref<80xi32, #tpu.memory_space<vmem>>
        %dma_start3A_105 = arith.constant 0 : i32
        %dma_start3A_106 = arith.constant 0 : i32
        %dma_start3A_107 = tpu.memref_slice %arg7[%dma_start3A_105, %dma_start3A_106] : memref<10240x16xf32, #tpu.memory_space<vmem_shared>> -> memref<10240x16xf32, #tpu.memory_space<vmem_shared>>
        tpu.enqueue_indirect_dma source(%arg5 : memref<80x16xf32, #tpu.memory_space<vmem>>) target(%dma_start3A_107 : memref<10240x16xf32, #tpu.memory_space<vmem_shared>>) offsets(%dma_start3A_104 : memref<80xi32, #tpu.memory_space<vmem>>) semaphore(%arg8 : memref<!tpu.dma_semaphore, #tpu.memory_space<semaphore_mem>>) {add = true}
      } else {
      }
      %not3A = arith.constant true
      %not3A_90 = arith.xori %eq3A_88, %not3A : i1
      %convert_element_type3A_91 = arith.extui %not3A_90 : i1 to i32
      %cond3A_92 = arith.constant 0 : i32
      %cond3A_93 = arith.cmpi ne, %convert_element_type3A_91, %cond3A_92 : i32
      scf.if %cond3A_93 {
        %dma_wait3A_94 = arith.constant 0 : i32
        %dma_wait3A_95 = tpu.memref_slice %arg4[%add3A_77, %dma_wait3A_94] : memref<125x80xi32, #tpu.memory_space<vmem>> -> memref<1x80xi32, #tpu.memory_space<vmem>>
        %dma_wait3A_96 = tpu.memref_squeeze %dma_wait3A_95 : memref<1x80xi32, #tpu.memory_space<vmem>> -> memref<80xi32, #tpu.memory_space<vmem>>
        %dma_wait3A_97 = arith.constant 0 : i32
        %dma_wait3A_98 = arith.constant 0 : i32
        %dma_wait3A_99 = tpu.memref_slice %arg7[%dma_wait3A_97, %dma_wait3A_98] : memref<10240x16xf32, #tpu.memory_space<vmem_shared>> -> memref<10240x16xf32, #tpu.memory_space<vmem_shared>>
        tpu.wait_indirect_dma semaphore(%arg9 : memref<!tpu.dma_semaphore, #tpu.memory_space<semaphore_mem>>) src(%arg5 : memref<80x16xf32, #tpu.memory_space<vmem>>) dst(%dma_wait3A_99 : memref<10240x16xf32, #tpu.memory_space<vmem_shared>>)
        %add3A_100 = arith.constant 2 : i32
        %add3A_101 = arith.addi %add3A_77, %add3A_100 : i32
        %dma_start3A_102 = arith.constant 0 : i32
        %dma_start3A_103 = tpu.memref_slice %arg4[%add3A_101, %dma_start3A_102] : memref<125x80xi32, #tpu.memory_space<vmem>> -> memref<1x80xi32, #tpu.memory_space<vmem>>
        %dma_start3A_104 = tpu.memref_squeeze %dma_start3A_103 : memref<1x80xi32, #tpu.memory_space<vmem>> -> memref<80xi32, #tpu.memory_space<vmem>>
        %dma_start3A_105 = arith.constant 0 : i32
        %dma_start3A_106 = arith.constant 0 : i32
        %dma_start3A_107 = tpu.memref_slice %arg7[%dma_start3A_105, %dma_start3A_106] : memref<10240x16xf32, #tpu.memory_space<vmem_shared>> -> memref<10240x16xf32, #tpu.memory_space<vmem_shared>>
        tpu.enqueue_indirect_dma source(%arg5 : memref<80x16xf32, #tpu.memory_space<vmem>>) target(%dma_start3A_107 : memref<10240x16xf32, #tpu.memory_space<vmem_shared>>) offsets(%dma_start3A_104 : memref<80xi32, #tpu.memory_space<vmem>>) semaphore(%arg9 : memref<!tpu.dma_semaphore, #tpu.memory_space<semaphore_mem>>) {add = true}
      } else {
      }
    }
    %scan3A_54 = arith.constant 123 : i32
    %dma_wait3A = arith.constant 123 : i32
    %dma_wait3A_55 = arith.constant 0 : i32
    %dma_wait3A_56 = tpu.memref_slice %arg4[%dma_wait3A, %dma_wait3A_55] : memref<125x80xi32, #tpu.memory_space<vmem>> -> memref<1x80xi32, #tpu.memory_space<vmem>>
    %dma_wait3A_57 = tpu.memref_squeeze %dma_wait3A_56 : memref<1x80xi32, #tpu.memory_space<vmem>> -> memref<80xi32, #tpu.memory_space<vmem>>
    %dma_wait3A_58 = arith.constant 0 : i32
    %dma_wait3A_59 = arith.constant 0 : i32
    %dma_wait3A_60 = tpu.memref_slice %arg7[%dma_wait3A_58, %dma_wait3A_59] : memref<10240x16xf32, #tpu.memory_space<vmem_shared>> -> memref<10240x16xf32, #tpu.memory_space<vmem_shared>>
    tpu.wait_indirect_dma semaphore(%arg9 : memref<!tpu.dma_semaphore, #tpu.memory_space<semaphore_mem>>) src(%arg5 : memref<80x16xf32, #tpu.memory_space<vmem>>) dst(%dma_wait3A_60 : memref<10240x16xf32, #tpu.memory_space<vmem_shared>>)
    %dma_wait3A_61 = arith.constant 124 : i32
    %dma_wait3A_62 = arith.constant 0 : i32
    %dma_wait3A_63 = tpu.memref_slice %arg4[%dma_wait3A_61, %dma_wait3A_62] : memref<125x80xi32, #tpu.memory_space<vmem>> -> memref<1x80xi32, #tpu.memory_space<vmem>>
    %dma_wait3A_64 = tpu.memref_squeeze %dma_wait3A_63 : memref<1x80xi32, #tpu.memory_space<vmem>> -> memref<80xi32, #tpu.memory_space<vmem>>
    %dma_wait3A_65 = arith.constant 0 : i32
    %dma_wait3A_66 = arith.constant 0 : i32
    %dma_wait3A_67 = tpu.memref_slice %arg7[%dma_wait3A_65, %dma_wait3A_66] : memref<10240x16xf32, #tpu.memory_space<vmem_shared>> -> memref<10240x16xf32, #tpu.memory_space<vmem_shared>>
    tpu.wait_indirect_dma semaphore(%arg8 : memref<!tpu.dma_semaphore, #tpu.memory_space<semaphore_mem>>) src(%arg5 : memref<80x16xf32, #tpu.memory_space<vmem>>) dst(%dma_wait3A_67 : memref<10240x16xf32, #tpu.memory_space<vmem_shared>>)
    %barrier3A_68 = arith.constant 0 : index
    tpu.barrier barrier_id(%barrier3A_68)
    %mul3A_69 = arith.constant 640 : i32
    %mul3A_70 = arith.muli %arg1, %mul3A_69 : i32
    %mul3A_71 = arith.constant 640 : i32
    %mul3A_72 = arith.muli %arg1, %mul3A_71 : i32
    "tpu.region"() ({
      %run_scoped3A = tpu.sem_alloc : memref<!tpu.dma_semaphore, #tpu.memory_space<semaphore_mem>>
      %dma_start3A_73 = arith.constant 0 : i32
      %dma_start3A_74 = tpu.memref_slice %arg3[%arg0, %mul3A_72, %dma_start3A_73] : memref<2x10240x16xf32, #tpu.memory_space<hbm>> -> memref<1x640x16xf32, #tpu.memory_space<hbm>>
      %dma_start3A_75 = tpu.memref_squeeze %dma_start3A_74 : memref<1x640x16xf32, #tpu.memory_space<hbm>> -> memref<640x16xf32, #tpu.memory_space<hbm>>
      %dma_start3A_76 = arith.constant 0 : i32
      %dma_start3A_77 = tpu.memref_slice %arg7[%mul3A_70, %dma_start3A_76] : memref<10240x16xf32, #tpu.memory_space<vmem_shared>> -> memref<640x16xf32, #tpu.memory_space<vmem_shared>>
      tpu.enqueue_dma source(%dma_start3A_77 : memref<640x16xf32, #tpu.memory_space<vmem_shared>>) target(%dma_start3A_75 : memref<640x16xf32, #tpu.memory_space<hbm>>) target_semaphore(%run_scoped3A : memref<!tpu.dma_semaphore, #tpu.memory_space<semaphore_mem>>)
      %dma_wait3A_78 = arith.constant 0 : i32
      %dma_wait3A_79 = tpu.memref_slice %arg3[%arg0, %mul3A_72, %dma_wait3A_78] : memref<2x10240x16xf32, #tpu.memory_space<hbm>> -> memref<1x640x16xf32, #tpu.memory_space<hbm>>
      %dma_wait3A_80 = tpu.memref_squeeze %dma_wait3A_79 : memref<1x640x16xf32, #tpu.memory_space<hbm>> -> memref<640x16xf32, #tpu.memory_space<hbm>>
      %dma_wait3A_81 = arith.constant 0 : i32
      %dma_wait3A_82 = tpu.memref_slice %arg7[%mul3A_70, %dma_wait3A_81] : memref<10240x16xf32, #tpu.memory_space<vmem_shared>> -> memref<640x16xf32, #tpu.memory_space<vmem_shared>>
      tpu.wait_dma2 semaphore(%run_scoped3A : memref<!tpu.dma_semaphore, #tpu.memory_space<semaphore_mem>>) src(%dma_wait3A_82 : memref<640x16xf32, #tpu.memory_space<vmem_shared>>) dst(%dma_wait3A_80 : memref<640x16xf32, #tpu.memory_space<hbm>>)
      tpu.yield
    }) : () -> ()
    return
  }
}

#map = affine_map<(d0, d1) -> (0, 0)>
#map1 = affine_map<(d0, d1) -> (0, 0, 0)>
module attributes {stable_mosaic.version = 14 : i64} {
  func.func @_scatter_body(%arg0: i32, %arg1: i32, %arg2: memref<10000x64xf32, #tpu.memory_space<hbm>>, %arg3: memref<32x125x80xi32, #tpu.memory_space<hbm>>, %arg4: memref<32x125x80xi32, #tpu.memory_space<hbm>>, %arg5: memref<2x10240x64xf32, #tpu.memory_space<hbm>>, %arg6: memref<125x80xi32, #tpu.memory_space<vmem>>, %arg7: memref<125x80xi32, #tpu.memory_space<vmem>>, %arg8: memref<80x64xf32, #tpu.memory_space<vmem>>, %arg9: memref<80x64xf32, #tpu.memory_space<vmem>>, %arg10: memref<80x64xf32, #tpu.memory_space<vmem>>, %arg11: memref<80x64xf32, #tpu.memory_space<vmem>>, %arg12: memref<80x64xf32, #tpu.memory_space<vmem>>, %arg13: memref<80x64xf32, #tpu.memory_space<vmem>>, %arg14: memref<10240x64xf32, #tpu.memory_space<vmem_shared>>, %arg15: memref<!tpu.dma_semaphore, #tpu.memory_space<semaphore_mem>>, %arg16: memref<!tpu.dma_semaphore, #tpu.memory_space<semaphore_mem>>, %arg17: memref<!tpu.dma_semaphore, #tpu.memory_space<semaphore_mem>>, %arg18: memref<!tpu.dma_semaphore, #tpu.memory_space<semaphore_mem>>, %arg19: memref<!tpu.dma_semaphore, #tpu.memory_space<semaphore_mem>>, %arg20: memref<!tpu.dma_semaphore, #tpu.memory_space<semaphore_mem>>, %arg21: memref<!tpu.dma_semaphore, #tpu.memory_space<semaphore_mem>>, %arg22: memref<!tpu.dma_semaphore, #tpu.memory_space<semaphore_mem>>, %arg23: memref<!tpu.dma_semaphore, #tpu.memory_space<semaphore_mem>>, %arg24: memref<!tpu.dma_semaphore, #tpu.memory_space<semaphore_mem>>) attributes {dimension_semantics = [#tpu.dimension_semantics<core_parallel>, #tpu.dimension_semantics<subcore_parallel>], iteration_bounds = array<i64: 2, 16>, scalar_prefetch = 0 : i64, scratch_operands = 19 : i64, tpu.core_type = #tpu.core_type<sc_vector_subcore>, window_params = [{transform_indices = #map}, {transform_indices = #map1}, {transform_indices = #map1}, {transform_indices = #map1}]} {
    %mul3A = arith.constant 16 : i32
    %mul3A_0 = arith.muli %arg0, %mul3A : i32
    %add3A = arith.addi %mul3A_0, %arg1 : i32
    "tpu.region"() ({
      %run_scoped3A = tpu.sem_alloc : memref<!tpu.dma_semaphore, #tpu.memory_space<semaphore_mem>>
      %dma_start3A_80 = arith.constant 0 : i32
      %dma_start3A_81 = arith.constant 0 : i32
      %dma_start3A_82 = tpu.memref_slice %arg3[%add3A, %dma_start3A_80, %dma_start3A_81] : memref<32x125x80xi32, #tpu.memory_space<hbm>> -> memref<1x125x80xi32, #tpu.memory_space<hbm>>
      %dma_start3A_83 = tpu.memref_squeeze %dma_start3A_82 : memref<1x125x80xi32, #tpu.memory_space<hbm>> -> memref<125x80xi32, #tpu.memory_space<hbm>>
      %dma_start3A_84 = arith.constant 0 : i32
      %dma_start3A_85 = arith.constant 0 : i32
      %dma_start3A_86 = tpu.memref_slice %arg3[%add3A, %dma_start3A_84, %dma_start3A_85] : memref<32x125x80xi32, #tpu.memory_space<hbm>> -> memref<1x125x80xi32, #tpu.memory_space<hbm>>
      %dma_start3A_87 = tpu.memref_squeeze %dma_start3A_86 : memref<1x125x80xi32, #tpu.memory_space<hbm>> -> memref<125x80xi32, #tpu.memory_space<hbm>>
      tpu.enqueue_dma source(%dma_start3A_87 : memref<125x80xi32, #tpu.memory_space<hbm>>) target(%arg6 : memref<125x80xi32, #tpu.memory_space<vmem>>) target_semaphore(%run_scoped3A : memref<!tpu.dma_semaphore, #tpu.memory_space<semaphore_mem>>)
      %dma_wait3A_88 = arith.constant 0 : i32
      %dma_wait3A_89 = arith.constant 0 : i32
      %dma_wait3A_90 = tpu.memref_slice %arg3[%add3A, %dma_wait3A_88, %dma_wait3A_89] : memref<32x125x80xi32, #tpu.memory_space<hbm>> -> memref<1x125x80xi32, #tpu.memory_space<hbm>>
      %dma_wait3A_91 = tpu.memref_squeeze %dma_wait3A_90 : memref<1x125x80xi32, #tpu.memory_space<hbm>> -> memref<125x80xi32, #tpu.memory_space<hbm>>
      %dma_wait3A_92 = arith.constant 0 : i32
      %dma_wait3A_93 = arith.constant 0 : i32
      %dma_wait3A_94 = tpu.memref_slice %arg3[%add3A, %dma_wait3A_92, %dma_wait3A_93] : memref<32x125x80xi32, #tpu.memory_space<hbm>> -> memref<1x125x80xi32, #tpu.memory_space<hbm>>
      %dma_wait3A_95 = tpu.memref_squeeze %dma_wait3A_94 : memref<1x125x80xi32, #tpu.memory_space<hbm>> -> memref<125x80xi32, #tpu.memory_space<hbm>>
      tpu.wait_dma2 semaphore(%run_scoped3A : memref<!tpu.dma_semaphore, #tpu.memory_space<semaphore_mem>>) src(%dma_wait3A_95 : memref<125x80xi32, #tpu.memory_space<hbm>>) dst(%arg6 : memref<125x80xi32, #tpu.memory_space<vmem>>)
      tpu.yield
    }) : () -> ()
    "tpu.region"() ({
      %run_scoped3A = tpu.sem_alloc : memref<!tpu.dma_semaphore, #tpu.memory_space<semaphore_mem>>
      %dma_start3A_80 = arith.constant 0 : i32
      %dma_start3A_81 = arith.constant 0 : i32
      %dma_start3A_82 = tpu.memref_slice %arg4[%add3A, %dma_start3A_80, %dma_start3A_81] : memref<32x125x80xi32, #tpu.memory_space<hbm>> -> memref<1x125x80xi32, #tpu.memory_space<hbm>>
      %dma_start3A_83 = tpu.memref_squeeze %dma_start3A_82 : memref<1x125x80xi32, #tpu.memory_space<hbm>> -> memref<125x80xi32, #tpu.memory_space<hbm>>
      %dma_start3A_84 = arith.constant 0 : i32
      %dma_start3A_85 = arith.constant 0 : i32
      %dma_start3A_86 = tpu.memref_slice %arg4[%add3A, %dma_start3A_84, %dma_start3A_85] : memref<32x125x80xi32, #tpu.memory_space<hbm>> -> memref<1x125x80xi32, #tpu.memory_space<hbm>>
      %dma_start3A_87 = tpu.memref_squeeze %dma_start3A_86 : memref<1x125x80xi32, #tpu.memory_space<hbm>> -> memref<125x80xi32, #tpu.memory_space<hbm>>
      tpu.enqueue_dma source(%dma_start3A_87 : memref<125x80xi32, #tpu.memory_space<hbm>>) target(%arg7 : memref<125x80xi32, #tpu.memory_space<vmem>>) target_semaphore(%run_scoped3A : memref<!tpu.dma_semaphore, #tpu.memory_space<semaphore_mem>>)
      %dma_wait3A_88 = arith.constant 0 : i32
      %dma_wait3A_89 = arith.constant 0 : i32
      %dma_wait3A_90 = tpu.memref_slice %arg4[%add3A, %dma_wait3A_88, %dma_wait3A_89] : memref<32x125x80xi32, #tpu.memory_space<hbm>> -> memref<1x125x80xi32, #tpu.memory_space<hbm>>
      %dma_wait3A_91 = tpu.memref_squeeze %dma_wait3A_90 : memref<1x125x80xi32, #tpu.memory_space<hbm>> -> memref<125x80xi32, #tpu.memory_space<hbm>>
      %dma_wait3A_92 = arith.constant 0 : i32
      %dma_wait3A_93 = arith.constant 0 : i32
      %dma_wait3A_94 = tpu.memref_slice %arg4[%add3A, %dma_wait3A_92, %dma_wait3A_93] : memref<32x125x80xi32, #tpu.memory_space<hbm>> -> memref<1x125x80xi32, #tpu.memory_space<hbm>>
      %dma_wait3A_95 = tpu.memref_squeeze %dma_wait3A_94 : memref<1x125x80xi32, #tpu.memory_space<hbm>> -> memref<125x80xi32, #tpu.memory_space<hbm>>
      tpu.wait_dma2 semaphore(%run_scoped3A : memref<!tpu.dma_semaphore, #tpu.memory_space<semaphore_mem>>) src(%dma_wait3A_95 : memref<125x80xi32, #tpu.memory_space<hbm>>) dst(%arg7 : memref<125x80xi32, #tpu.memory_space<vmem>>)
      tpu.yield
    }) : () -> ()
    %dma_start3A = arith.constant 0 : i32
    %dma_start3A_1 = arith.constant 0 : i32
    %dma_start3A_2 = tpu.memref_slice %arg6[%dma_start3A, %dma_start3A_1] : memref<125x80xi32, #tpu.memory_space<vmem>> -> memref<1x80xi32, #tpu.memory_space<vmem>>
    %dma_start3A_3 = tpu.memref_squeeze %dma_start3A_2 : memref<1x80xi32, #tpu.memory_space<vmem>> -> memref<80xi32, #tpu.memory_space<vmem>>
    %dma_start3A_4 = arith.constant 0 : i32
    %dma_start3A_5 = arith.constant 0 : i32
    %dma_start3A_6 = tpu.memref_slice %arg2[%dma_start3A_4, %dma_start3A_5] : memref<10000x64xf32, #tpu.memory_space<hbm>> -> memref<10000x64xf32, #tpu.memory_space<hbm>>
    tpu.enqueue_indirect_dma source(%dma_start3A_6 : memref<10000x64xf32, #tpu.memory_space<hbm>>) target(%arg9 : memref<80x64xf32, #tpu.memory_space<vmem>>) offsets(%dma_start3A_3 : memref<80xi32, #tpu.memory_space<vmem>>) semaphore(%arg15 : memref<!tpu.dma_semaphore, #tpu.memory_space<semaphore_mem>>)
    %dma_start3A_7 = arith.constant 1 : i32
    %dma_start3A_8 = arith.constant 0 : i32
    %dma_start3A_9 = tpu.memref_slice %arg6[%dma_start3A_7, %dma_start3A_8] : memref<125x80xi32, #tpu.memory_space<vmem>> -> memref<1x80xi32, #tpu.memory_space<vmem>>
    %dma_start3A_10 = tpu.memref_squeeze %dma_start3A_9 : memref<1x80xi32, #tpu.memory_space<vmem>> -> memref<80xi32, #tpu.memory_space<vmem>>
    %dma_start3A_11 = arith.constant 0 : i32
    %dma_start3A_12 = arith.constant 0 : i32
    %dma_start3A_13 = tpu.memref_slice %arg2[%dma_start3A_11, %dma_start3A_12] : memref<10000x64xf32, #tpu.memory_space<hbm>> -> memref<10000x64xf32, #tpu.memory_space<hbm>>
    tpu.enqueue_indirect_dma source(%dma_start3A_13 : memref<10000x64xf32, #tpu.memory_space<hbm>>) target(%arg10 : memref<80x64xf32, #tpu.memory_space<vmem>>) offsets(%dma_start3A_10 : memref<80xi32, #tpu.memory_space<vmem>>) semaphore(%arg16 : memref<!tpu.dma_semaphore, #tpu.memory_space<semaphore_mem>>)
    %dma_start3A_14 = arith.constant 2 : i32
    %dma_start3A_15 = arith.constant 0 : i32
    %dma_start3A_16 = tpu.memref_slice %arg6[%dma_start3A_14, %dma_start3A_15] : memref<125x80xi32, #tpu.memory_space<vmem>> -> memref<1x80xi32, #tpu.memory_space<vmem>>
    %dma_start3A_17 = tpu.memref_squeeze %dma_start3A_16 : memref<1x80xi32, #tpu.memory_space<vmem>> -> memref<80xi32, #tpu.memory_space<vmem>>
    %dma_start3A_18 = arith.constant 0 : i32
    %dma_start3A_19 = arith.constant 0 : i32
    %dma_start3A_20 = tpu.memref_slice %arg2[%dma_start3A_18, %dma_start3A_19] : memref<10000x64xf32, #tpu.memory_space<hbm>> -> memref<10000x64xf32, #tpu.memory_space<hbm>>
    tpu.enqueue_indirect_dma source(%dma_start3A_20 : memref<10000x64xf32, #tpu.memory_space<hbm>>) target(%arg11 : memref<80x64xf32, #tpu.memory_space<vmem>>) offsets(%dma_start3A_17 : memref<80xi32, #tpu.memory_space<vmem>>) semaphore(%arg17 : memref<!tpu.dma_semaphore, #tpu.memory_space<semaphore_mem>>)
    %scan3A = arith.constant 0 : i32
    %scan3A_21 = arith.constant 80 : i32
    %scan3A_22 = arith.addi %scan3A, %scan3A_21 : i32
    %scan3A_23 = arith.constant 1 : i32
    scf.for %scan3A_80 = %scan3A to %scan3A_22 step %scan3A_23  : i32 {
      %mul3A_81 = arith.constant 1 : i32
      %mul3A_82 = arith.muli %scan3A_80, %mul3A_81 : i32
      %add3A_83 = arith.constant 0 : i32
      %add3A_84 = arith.addi %add3A_83, %mul3A_82 : i32
      %broadcast_in_dim3A = arith.constant 0.000000e+00 : f32
      %broadcast_in_dim3A_85 = vector.broadcast %broadcast_in_dim3A : f32 to vector<16xf32>
      %swap3A = arith.index_cast %add3A_84 : i32 to index
      %swap3A_86 = arith.constant 0 : index
      %swap3A_87 = tpu.vector_load %arg8[%swap3A, %swap3A_86] {strides = array<i32>} : memref<80x64xf32, #tpu.memory_space<vmem>>, vector<1x16xf32>,
      %swap3A_88 = vector.shape_cast %swap3A_87 : vector<1x16xf32> to vector<16xf32>
      %swap3A_89 = vector.shape_cast %broadcast_in_dim3A_85 : vector<16xf32> to vector<1x16xf32>
      tpu.vector_store %arg8[%swap3A, %swap3A_86], %swap3A_89 {strides = array<i32>} : memref<80x64xf32, #tpu.memory_space<vmem>>, vector<1x16xf32>,
      %broadcast_in_dim3A_90 = arith.constant 0.000000e+00 : f32
      %broadcast_in_dim3A_91 = vector.broadcast %broadcast_in_dim3A_90 : f32 to vector<16xf32>
      %swap3A_92 = arith.index_cast %add3A_84 : i32 to index
      %swap3A_93 = arith.constant 16 : index
      %swap3A_94 = tpu.vector_load %arg8[%swap3A_92, %swap3A_93] {strides = array<i32>} : memref<80x64xf32, #tpu.memory_space<vmem>>, vector<1x16xf32>,
      %swap3A_95 = vector.shape_cast %swap3A_94 : vector<1x16xf32> to vector<16xf32>
      %swap3A_96 = vector.shape_cast %broadcast_in_dim3A_91 : vector<16xf32> to vector<1x16xf32>
      tpu.vector_store %arg8[%swap3A_92, %swap3A_93], %swap3A_96 {strides = array<i32>} : memref<80x64xf32, #tpu.memory_space<vmem>>, vector<1x16xf32>,
      %broadcast_in_dim3A_97 = arith.constant 0.000000e+00 : f32
      %broadcast_in_dim3A_98 = vector.broadcast %broadcast_in_dim3A_97 : f32 to vector<16xf32>
      %swap3A_99 = arith.index_cast %add3A_84 : i32 to index
      %swap3A_100 = arith.constant 32 : index
      %swap3A_101 = tpu.vector_load %arg8[%swap3A_99, %swap3A_100] {strides = array<i32>} : memref<80x64xf32, #tpu.memory_space<vmem>>, vector<1x16xf32>,
      %swap3A_102 = vector.shape_cast %swap3A_101 : vector<1x16xf32> to vector<16xf32>
      %swap3A_103 = vector.shape_cast %broadcast_in_dim3A_98 : vector<16xf32> to vector<1x16xf32>
      tpu.vector_store %arg8[%swap3A_99, %swap3A_100], %swap3A_103 {strides = array<i32>} : memref<80x64xf32, #tpu.memory_space<vmem>>, vector<1x16xf32>,
      %broadcast_in_dim3A_104 = arith.constant 0.000000e+00 : f32
      %broadcast_in_dim3A_105 = vector.broadcast %broadcast_in_dim3A_104 : f32 to vector<16xf32>
      %swap3A_106 = arith.index_cast %add3A_84 : i32 to index
      %swap3A_107 = arith.constant 48 : index
      %swap3A_108 = tpu.vector_load %arg8[%swap3A_106, %swap3A_107] {strides = array<i32>} : memref<80x64xf32, #tpu.memory_space<vmem>>, vector<1x16xf32>,
      %swap3A_109 = vector.shape_cast %swap3A_108 : vector<1x16xf32> to vector<16xf32>
      %swap3A_110 = vector.shape_cast %broadcast_in_dim3A_105 : vector<16xf32> to vector<1x16xf32>
      tpu.vector_store %arg8[%swap3A_106, %swap3A_107], %swap3A_110 {strides = array<i32>} : memref<80x64xf32, #tpu.memory_space<vmem>>, vector<1x16xf32>,
    }
    %scan3A_24 = arith.constant 80 : i32
    %mul3A_25 = arith.constant 640 : i32
    %mul3A_26 = arith.muli %arg1, %mul3A_25 : i32
    %add3A_27 = arith.constant 0 : i32
    %add3A_28 = arith.addi %mul3A_26, %add3A_27 : i32
    "tpu.region"() ({
      %run_scoped3A = tpu.sem_alloc : memref<!tpu.dma_semaphore, #tpu.memory_space<semaphore_mem>>
      %dma_start3A_80 = arith.constant 0 : i32
      %dma_start3A_81 = tpu.memref_slice %arg14[%add3A_28, %dma_start3A_80] : memref<10240x64xf32, #tpu.memory_space<vmem_shared>> -> memref<80x64xf32, #tpu.memory_space<vmem_shared>>
      %dma_start3A_82 = arith.constant 0 : i32
      %dma_start3A_83 = tpu.memref_slice %arg14[%add3A_28, %dma_start3A_82] : memref<10240x64xf32, #tpu.memory_space<vmem_shared>> -> memref<80x64xf32, #tpu.memory_space<vmem_shared>>
      tpu.enqueue_dma source(%arg8 : memref<80x64xf32, #tpu.memory_space<vmem>>) target(%dma_start3A_83 : memref<80x64xf32, #tpu.memory_space<vmem_shared>>) target_semaphore(%run_scoped3A : memref<!tpu.dma_semaphore, #tpu.memory_space<semaphore_mem>>)
      %dma_wait3A_84 = arith.constant 0 : i32
      %dma_wait3A_85 = tpu.memref_slice %arg14[%add3A_28, %dma_wait3A_84] : memref<10240x64xf32, #tpu.memory_space<vmem_shared>> -> memref<80x64xf32, #tpu.memory_space<vmem_shared>>
      %dma_wait3A_86 = arith.constant 0 : i32
      %dma_wait3A_87 = tpu.memref_slice %arg14[%add3A_28, %dma_wait3A_86] : memref<10240x64xf32, #tpu.memory_space<vmem_shared>> -> memref<80x64xf32, #tpu.memory_space<vmem_shared>>
      tpu.wait_dma2 semaphore(%run_scoped3A : memref<!tpu.dma_semaphore, #tpu.memory_space<semaphore_mem>>) src(%arg8 : memref<80x64xf32, #tpu.memory_space<vmem>>) dst(%dma_wait3A_87 : memref<80x64xf32, #tpu.memory_space<vmem_shared>>)
      tpu.yield
    }) : () -> ()
    %mul3A_29 = arith.constant 640 : i32
    %mul3A_30 = arith.muli %arg1, %mul3A_29 : i32
    %add3A_31 = arith.constant 80 : i32
    %add3A_32 = arith.addi %mul3A_30, %add3A_31 : i32
    "tpu.region"() ({
      %run_scoped3A = tpu.sem_alloc : memref<!tpu.dma_semaphore, #tpu.memory_space<semaphore_mem>>
      %dma_start3A_80 = arith.constant 0 : i32
      %dma_start3A_81 = tpu.memref_slice %arg14[%add3A_32, %dma_start3A_80] : memref<10240x64xf32, #tpu.memory_space<vmem_shared>> -> memref<80x64xf32, #tpu.memory_space<vmem_shared>>
      %dma_start3A_82 = arith.constant 0 : i32
      %dma_start3A_83 = tpu.memref_slice %arg14[%add3A_32, %dma_start3A_82] : memref<10240x64xf32, #tpu.memory_space<vmem_shared>> -> memref<80x64xf32, #tpu.memory_space<vmem_shared>>
      tpu.enqueue_dma source(%arg8 : memref<80x64xf32, #tpu.memory_space<vmem>>) target(%dma_start3A_83 : memref<80x64xf32, #tpu.memory_space<vmem_shared>>) target_semaphore(%run_scoped3A : memref<!tpu.dma_semaphore, #tpu.memory_space<semaphore_mem>>)
      %dma_wait3A_84 = arith.constant 0 : i32
      %dma_wait3A_85 = tpu.memref_slice %arg14[%add3A_32, %dma_wait3A_84] : memref<10240x64xf32, #tpu.memory_space<vmem_shared>> -> memref<80x64xf32, #tpu.memory_space<vmem_shared>>
      %dma_wait3A_86 = arith.constant 0 : i32
      %dma_wait3A_87 = tpu.memref_slice %arg14[%add3A_32, %dma_wait3A_86] : memref<10240x64xf32, #tpu.memory_space<vmem_shared>> -> memref<80x64xf32, #tpu.memory_space<vmem_shared>>
      tpu.wait_dma2 semaphore(%run_scoped3A : memref<!tpu.dma_semaphore, #tpu.memory_space<semaphore_mem>>) src(%arg8 : memref<80x64xf32, #tpu.memory_space<vmem>>) dst(%dma_wait3A_87 : memref<80x64xf32, #tpu.memory_space<vmem_shared>>)
      tpu.yield
    }) : () -> ()
    %mul3A_33 = arith.constant 640 : i32
    %mul3A_34 = arith.muli %arg1, %mul3A_33 : i32
    %add3A_35 = arith.constant 160 : i32
    %add3A_36 = arith.addi %mul3A_34, %add3A_35 : i32
    "tpu.region"() ({
      %run_scoped3A = tpu.sem_alloc : memref<!tpu.dma_semaphore, #tpu.memory_space<semaphore_mem>>
      %dma_start3A_80 = arith.constant 0 : i32
      %dma_start3A_81 = tpu.memref_slice %arg14[%add3A_36, %dma_start3A_80] : memref<10240x64xf32, #tpu.memory_space<vmem_shared>> -> memref<80x64xf32, #tpu.memory_space<vmem_shared>>
      %dma_start3A_82 = arith.constant 0 : i32
      %dma_start3A_83 = tpu.memref_slice %arg14[%add3A_36, %dma_start3A_82] : memref<10240x64xf32, #tpu.memory_space<vmem_shared>> -> memref<80x64xf32, #tpu.memory_space<vmem_shared>>
      tpu.enqueue_dma source(%arg8 : memref<80x64xf32, #tpu.memory_space<vmem>>) target(%dma_start3A_83 : memref<80x64xf32, #tpu.memory_space<vmem_shared>>) target_semaphore(%run_scoped3A : memref<!tpu.dma_semaphore, #tpu.memory_space<semaphore_mem>>)
      %dma_wait3A_84 = arith.constant 0 : i32
      %dma_wait3A_85 = tpu.memref_slice %arg14[%add3A_36, %dma_wait3A_84] : memref<10240x64xf32, #tpu.memory_space<vmem_shared>> -> memref<80x64xf32, #tpu.memory_space<vmem_shared>>
      %dma_wait3A_86 = arith.constant 0 : i32
      %dma_wait3A_87 = tpu.memref_slice %arg14[%add3A_36, %dma_wait3A_86] : memref<10240x64xf32, #tpu.memory_space<vmem_shared>> -> memref<80x64xf32, #tpu.memory_space<vmem_shared>>
      tpu.wait_dma2 semaphore(%run_scoped3A : memref<!tpu.dma_semaphore, #tpu.memory_space<semaphore_mem>>) src(%arg8 : memref<80x64xf32, #tpu.memory_space<vmem>>) dst(%dma_wait3A_87 : memref<80x64xf32, #tpu.memory_space<vmem_shared>>)
      tpu.yield
    }) : () -> ()
    %mul3A_37 = arith.constant 640 : i32
    %mul3A_38 = arith.muli %arg1, %mul3A_37 : i32
    %add3A_39 = arith.constant 240 : i32
    %add3A_40 = arith.addi %mul3A_38, %add3A_39 : i32
    "tpu.region"() ({
      %run_scoped3A = tpu.sem_alloc : memref<!tpu.dma_semaphore, #tpu.memory_space<semaphore_mem>>
      %dma_start3A_80 = arith.constant 0 : i32
      %dma_start3A_81 = tpu.memref_slice %arg14[%add3A_40, %dma_start3A_80] : memref<10240x64xf32, #tpu.memory_space<vmem_shared>> -> memref<80x64xf32, #tpu.memory_space<vmem_shared>>
      %dma_start3A_82 = arith.constant 0 : i32
      %dma_start3A_83 = tpu.memref_slice %arg14[%add3A_40, %dma_start3A_82] : memref<10240x64xf32, #tpu.memory_space<vmem_shared>> -> memref<80x64xf32, #tpu.memory_space<vmem_shared>>
      tpu.enqueue_dma source(%arg8 : memref<80x64xf32, #tpu.memory_space<vmem>>) target(%dma_start3A_83 : memref<80x64xf32, #tpu.memory_space<vmem_shared>>) target_semaphore(%run_scoped3A : memref<!tpu.dma_semaphore, #tpu.memory_space<semaphore_mem>>)
      %dma_wait3A_84 = arith.constant 0 : i32
      %dma_wait3A_85 = tpu.memref_slice %arg14[%add3A_40, %dma_wait3A_84] : memref<10240x64xf32, #tpu.memory_space<vmem_shared>> -> memref<80x64xf32, #tpu.memory_space<vmem_shared>>
      %dma_wait3A_86 = arith.constant 0 : i32
      %dma_wait3A_87 = tpu.memref_slice %arg14[%add3A_40, %dma_wait3A_86] : memref<10240x64xf32, #tpu.memory_space<vmem_shared>> -> memref<80x64xf32, #tpu.memory_space<vmem_shared>>
      tpu.wait_dma2 semaphore(%run_scoped3A : memref<!tpu.dma_semaphore, #tpu.memory_space<semaphore_mem>>) src(%arg8 : memref<80x64xf32, #tpu.memory_space<vmem>>) dst(%dma_wait3A_87 : memref<80x64xf32, #tpu.memory_space<vmem_shared>>)
      tpu.yield
    }) : () -> ()
    %mul3A_41 = arith.constant 640 : i32
    %mul3A_42 = arith.muli %arg1, %mul3A_41 : i32
    %add3A_43 = arith.constant 320 : i32
    %add3A_44 = arith.addi %mul3A_42, %add3A_43 : i32
    "tpu.region"() ({
      %run_scoped3A = tpu.sem_alloc : memref<!tpu.dma_semaphore, #tpu.memory_space<semaphore_mem>>
      %dma_start3A_80 = arith.constant 0 : i32
      %dma_start3A_81 = tpu.memref_slice %arg14[%add3A_44, %dma_start3A_80] : memref<10240x64xf32, #tpu.memory_space<vmem_shared>> -> memref<80x64xf32, #tpu.memory_space<vmem_shared>>
      %dma_start3A_82 = arith.constant 0 : i32
      %dma_start3A_83 = tpu.memref_slice %arg14[%add3A_44, %dma_start3A_82] : memref<10240x64xf32, #tpu.memory_space<vmem_shared>> -> memref<80x64xf32, #tpu.memory_space<vmem_shared>>
      tpu.enqueue_dma source(%arg8 : memref<80x64xf32, #tpu.memory_space<vmem>>) target(%dma_start3A_83 : memref<80x64xf32, #tpu.memory_space<vmem_shared>>) target_semaphore(%run_scoped3A : memref<!tpu.dma_semaphore, #tpu.memory_space<semaphore_mem>>)
      %dma_wait3A_84 = arith.constant 0 : i32
      %dma_wait3A_85 = tpu.memref_slice %arg14[%add3A_44, %dma_wait3A_84] : memref<10240x64xf32, #tpu.memory_space<vmem_shared>> -> memref<80x64xf32, #tpu.memory_space<vmem_shared>>
      %dma_wait3A_86 = arith.constant 0 : i32
      %dma_wait3A_87 = tpu.memref_slice %arg14[%add3A_44, %dma_wait3A_86] : memref<10240x64xf32, #tpu.memory_space<vmem_shared>> -> memref<80x64xf32, #tpu.memory_space<vmem_shared>>
      tpu.wait_dma2 semaphore(%run_scoped3A : memref<!tpu.dma_semaphore, #tpu.memory_space<semaphore_mem>>) src(%arg8 : memref<80x64xf32, #tpu.memory_space<vmem>>) dst(%dma_wait3A_87 : memref<80x64xf32, #tpu.memory_space<vmem_shared>>)
      tpu.yield
    }) : () -> ()
    %mul3A_45 = arith.constant 640 : i32
    %mul3A_46 = arith.muli %arg1, %mul3A_45 : i32
    %add3A_47 = arith.constant 400 : i32
    %add3A_48 = arith.addi %mul3A_46, %add3A_47 : i32
    "tpu.region"() ({
      %run_scoped3A = tpu.sem_alloc : memref<!tpu.dma_semaphore, #tpu.memory_space<semaphore_mem>>
      %dma_start3A_80 = arith.constant 0 : i32
      %dma_start3A_81 = tpu.memref_slice %arg14[%add3A_48, %dma_start3A_80] : memref<10240x64xf32, #tpu.memory_space<vmem_shared>> -> memref<80x64xf32, #tpu.memory_space<vmem_shared>>
      %dma_start3A_82 = arith.constant 0 : i32
      %dma_start3A_83 = tpu.memref_slice %arg14[%add3A_48, %dma_start3A_82] : memref<10240x64xf32, #tpu.memory_space<vmem_shared>> -> memref<80x64xf32, #tpu.memory_space<vmem_shared>>
      tpu.enqueue_dma source(%arg8 : memref<80x64xf32, #tpu.memory_space<vmem>>) target(%dma_start3A_83 : memref<80x64xf32, #tpu.memory_space<vmem_shared>>) target_semaphore(%run_scoped3A : memref<!tpu.dma_semaphore, #tpu.memory_space<semaphore_mem>>)
      %dma_wait3A_84 = arith.constant 0 : i32
      %dma_wait3A_85 = tpu.memref_slice %arg14[%add3A_48, %dma_wait3A_84] : memref<10240x64xf32, #tpu.memory_space<vmem_shared>> -> memref<80x64xf32, #tpu.memory_space<vmem_shared>>
      %dma_wait3A_86 = arith.constant 0 : i32
      %dma_wait3A_87 = tpu.memref_slice %arg14[%add3A_48, %dma_wait3A_86] : memref<10240x64xf32, #tpu.memory_space<vmem_shared>> -> memref<80x64xf32, #tpu.memory_space<vmem_shared>>
      tpu.wait_dma2 semaphore(%run_scoped3A : memref<!tpu.dma_semaphore, #tpu.memory_space<semaphore_mem>>) src(%arg8 : memref<80x64xf32, #tpu.memory_space<vmem>>) dst(%dma_wait3A_87 : memref<80x64xf32, #tpu.memory_space<vmem_shared>>)
      tpu.yield
    }) : () -> ()
    %mul3A_49 = arith.constant 640 : i32
    %mul3A_50 = arith.muli %arg1, %mul3A_49 : i32
    %add3A_51 = arith.constant 480 : i32
    %add3A_52 = arith.addi %mul3A_50, %add3A_51 : i32
    "tpu.region"() ({
      %run_scoped3A = tpu.sem_alloc : memref<!tpu.dma_semaphore, #tpu.memory_space<semaphore_mem>>
      %dma_start3A_80 = arith.constant 0 : i32
      %dma_start3A_81 = tpu.memref_slice %arg14[%add3A_52, %dma_start3A_80] : memref<10240x64xf32, #tpu.memory_space<vmem_shared>> -> memref<80x64xf32, #tpu.memory_space<vmem_shared>>
      %dma_start3A_82 = arith.constant 0 : i32
      %dma_start3A_83 = tpu.memref_slice %arg14[%add3A_52, %dma_start3A_82] : memref<10240x64xf32, #tpu.memory_space<vmem_shared>> -> memref<80x64xf32, #tpu.memory_space<vmem_shared>>
      tpu.enqueue_dma source(%arg8 : memref<80x64xf32, #tpu.memory_space<vmem>>) target(%dma_start3A_83 : memref<80x64xf32, #tpu.memory_space<vmem_shared>>) target_semaphore(%run_scoped3A : memref<!tpu.dma_semaphore, #tpu.memory_space<semaphore_mem>>)
      %dma_wait3A_84 = arith.constant 0 : i32
      %dma_wait3A_85 = tpu.memref_slice %arg14[%add3A_52, %dma_wait3A_84] : memref<10240x64xf32, #tpu.memory_space<vmem_shared>> -> memref<80x64xf32, #tpu.memory_space<vmem_shared>>
      %dma_wait3A_86 = arith.constant 0 : i32
      %dma_wait3A_87 = tpu.memref_slice %arg14[%add3A_52, %dma_wait3A_86] : memref<10240x64xf32, #tpu.memory_space<vmem_shared>> -> memref<80x64xf32, #tpu.memory_space<vmem_shared>>
      tpu.wait_dma2 semaphore(%run_scoped3A : memref<!tpu.dma_semaphore, #tpu.memory_space<semaphore_mem>>) src(%arg8 : memref<80x64xf32, #tpu.memory_space<vmem>>) dst(%dma_wait3A_87 : memref<80x64xf32, #tpu.memory_space<vmem_shared>>)
      tpu.yield
    }) : () -> ()
    %mul3A_53 = arith.constant 640 : i32
    %mul3A_54 = arith.muli %arg1, %mul3A_53 : i32
    %add3A_55 = arith.constant 560 : i32
    %add3A_56 = arith.addi %mul3A_54, %add3A_55 : i32
    "tpu.region"() ({
      %run_scoped3A = tpu.sem_alloc : memref<!tpu.dma_semaphore, #tpu.memory_space<semaphore_mem>>
      %dma_start3A_80 = arith.constant 0 : i32
      %dma_start3A_81 = tpu.memref_slice %arg14[%add3A_56, %dma_start3A_80] : memref<10240x64xf32, #tpu.memory_space<vmem_shared>> -> memref<80x64xf32, #tpu.memory_space<vmem_shared>>
      %dma_start3A_82 = arith.constant 0 : i32
      %dma_start3A_83 = tpu.memref_slice %arg14[%add3A_56, %dma_start3A_82] : memref<10240x64xf32, #tpu.memory_space<vmem_shared>> -> memref<80x64xf32, #tpu.memory_space<vmem_shared>>
      tpu.enqueue_dma source(%arg8 : memref<80x64xf32, #tpu.memory_space<vmem>>) target(%dma_start3A_83 : memref<80x64xf32, #tpu.memory_space<vmem_shared>>) target_semaphore(%run_scoped3A : memref<!tpu.dma_semaphore, #tpu.memory_space<semaphore_mem>>)
      %dma_wait3A_84 = arith.constant 0 : i32
      %dma_wait3A_85 = tpu.memref_slice %arg14[%add3A_56, %dma_wait3A_84] : memref<10240x64xf32, #tpu.memory_space<vmem_shared>> -> memref<80x64xf32, #tpu.memory_space<vmem_shared>>
      %dma_wait3A_86 = arith.constant 0 : i32
      %dma_wait3A_87 = tpu.memref_slice %arg14[%add3A_56, %dma_wait3A_86] : memref<10240x64xf32, #tpu.memory_space<vmem_shared>> -> memref<80x64xf32, #tpu.memory_space<vmem_shared>>
      tpu.wait_dma2 semaphore(%run_scoped3A : memref<!tpu.dma_semaphore, #tpu.memory_space<semaphore_mem>>) src(%arg8 : memref<80x64xf32, #tpu.memory_space<vmem>>) dst(%dma_wait3A_87 : memref<80x64xf32, #tpu.memory_space<vmem_shared>>)
      tpu.yield
    }) : () -> ()
    %barrier3A = arith.constant 0 : index
    tpu.barrier barrier_id(%barrier3A)
    %scan3A_57 = arith.constant 0 : i32
    %scan3A_58 = arith.constant 25 : i32
    %scan3A_59 = arith.addi %scan3A_57, %scan3A_58 : i32
    %scan3A_60 = arith.constant 1 : i32
    scf.for %scan3A_80 = %scan3A_57 to %scan3A_59 step %scan3A_60  : i32 {
      %mul3A_81 = arith.constant 1 : i32
      %mul3A_82 = arith.muli %scan3A_80, %mul3A_81 : i32
      %add3A_83 = arith.constant 0 : i32
      %add3A_84 = arith.addi %add3A_83, %mul3A_82 : i32
      %mul3A_85 = arith.constant 5 : i32
      %mul3A_86 = arith.muli %add3A_84, %mul3A_85 : i32
      %add3A_87 = arith.constant 0 : i32
      %add3A_88 = arith.addi %mul3A_86, %add3A_87 : i32
      %ge3A = arith.constant 2 : i32
      %ge3A_89 = arith.cmpi sge, %add3A_88, %ge3A : i32
      %convert_element_type3A = arith.extui %ge3A_89 : i1 to i32
      %cond3A = arith.constant 0 : i32
      %cond3A_90 = arith.cmpi ne, %convert_element_type3A, %cond3A : i32
      scf.if %cond3A_90 {
        %sub3A = arith.constant 2 : i32
        %sub3A_221 = arith.subi %add3A_88, %sub3A : i32
        %dma_wait3A_222 = arith.constant 0 : i32
        %dma_wait3A_223 = tpu.memref_slice %arg7[%sub3A_221, %dma_wait3A_222] : memref<125x80xi32, #tpu.memory_space<vmem>> -> memref<1x80xi32, #tpu.memory_space<vmem>>
        %dma_wait3A_224 = tpu.memref_squeeze %dma_wait3A_223 : memref<1x80xi32, #tpu.memory_space<vmem>> -> memref<80xi32, #tpu.memory_space<vmem>>
        %dma_wait3A_225 = arith.constant 0 : i32
        %dma_wait3A_226 = arith.constant 0 : i32
        %dma_wait3A_227 = tpu.memref_slice %arg14[%dma_wait3A_225, %dma_wait3A_226] : memref<10240x64xf32, #tpu.memory_space<vmem_shared>> -> memref<10240x64xf32, #tpu.memory_space<vmem_shared>>
        tpu.wait_indirect_dma semaphore(%arg23 : memref<!tpu.dma_semaphore, #tpu.memory_space<semaphore_mem>>) src(%arg12 : memref<80x64xf32, #tpu.memory_space<vmem>>) dst(%dma_wait3A_227 : memref<10240x64xf32, #tpu.memory_space<vmem_shared>>)
      } else {
      }
      %add3A_91 = arith.constant 3 : i32
      %add3A_92 = arith.addi %add3A_88, %add3A_91 : i32
      %lt3A = arith.constant 125 : i32
      %lt3A_93 = arith.cmpi slt, %add3A_92, %lt3A : i32
      %convert_element_type3A_94 = arith.extui %lt3A_93 : i1 to i32
      %cond3A_95 = arith.constant 0 : i32
      %cond3A_96 = arith.cmpi ne, %convert_element_type3A_94, %cond3A_95 : i32
      scf.if %cond3A_96 {
        %add3A_221 = arith.constant 3 : i32
        %add3A_222 = arith.addi %add3A_88, %add3A_221 : i32
        %dma_start3A_223 = arith.constant 0 : i32
        %dma_start3A_224 = tpu.memref_slice %arg6[%add3A_222, %dma_start3A_223] : memref<125x80xi32, #tpu.memory_space<vmem>> -> memref<1x80xi32, #tpu.memory_space<vmem>>
        %dma_start3A_225 = tpu.memref_squeeze %dma_start3A_224 : memref<1x80xi32, #tpu.memory_space<vmem>> -> memref<80xi32, #tpu.memory_space<vmem>>
        %dma_start3A_226 = arith.constant 0 : i32
        %dma_start3A_227 = arith.constant 0 : i32
        %dma_start3A_228 = tpu.memref_slice %arg2[%dma_start3A_226, %dma_start3A_227] : memref<10000x64xf32, #tpu.memory_space<hbm>> -> memref<10000x64xf32, #tpu.memory_space<hbm>>
        tpu.enqueue_indirect_dma source(%dma_start3A_228 : memref<10000x64xf32, #tpu.memory_space<hbm>>) target(%arg12 : memref<80x64xf32, #tpu.memory_space<vmem>>) offsets(%dma_start3A_225 : memref<80xi32, #tpu.memory_space<vmem>>) semaphore(%arg18 : memref<!tpu.dma_semaphore, #tpu.memory_space<semaphore_mem>>)
      } else {
      }
      %dma_wait3A_97 = arith.constant 0 : i32
      %dma_wait3A_98 = tpu.memref_slice %arg6[%add3A_88, %dma_wait3A_97] : memref<125x80xi32, #tpu.memory_space<vmem>> -> memref<1x80xi32, #tpu.memory_space<vmem>>
      %dma_wait3A_99 = tpu.memref_squeeze %dma_wait3A_98 : memref<1x80xi32, #tpu.memory_space<vmem>> -> memref<80xi32, #tpu.memory_space<vmem>>
      %dma_wait3A_100 = arith.constant 0 : i32
      %dma_wait3A_101 = arith.constant 0 : i32
      %dma_wait3A_102 = tpu.memref_slice %arg2[%dma_wait3A_100, %dma_wait3A_101] : memref<10000x64xf32, #tpu.memory_space<hbm>> -> memref<10000x64xf32, #tpu.memory_space<hbm>>
      tpu.wait_indirect_dma semaphore(%arg15 : memref<!tpu.dma_semaphore, #tpu.memory_space<semaphore_mem>>) src(%dma_wait3A_102 : memref<10000x64xf32, #tpu.memory_space<hbm>>) dst(%arg9 : memref<80x64xf32, #tpu.memory_space<vmem>>)
      %dma_start3A_103 = arith.constant 0 : i32
      %dma_start3A_104 = tpu.memref_slice %arg7[%add3A_88, %dma_start3A_103] : memref<125x80xi32, #tpu.memory_space<vmem>> -> memref<1x80xi32, #tpu.memory_space<vmem>>
      %dma_start3A_105 = tpu.memref_squeeze %dma_start3A_104 : memref<1x80xi32, #tpu.memory_space<vmem>> -> memref<80xi32, #tpu.memory_space<vmem>>
      %dma_start3A_106 = arith.constant 0 : i32
      %dma_start3A_107 = arith.constant 0 : i32
      %dma_start3A_108 = tpu.memref_slice %arg14[%dma_start3A_106, %dma_start3A_107] : memref<10240x64xf32, #tpu.memory_space<vmem_shared>> -> memref<10240x64xf32, #tpu.memory_space<vmem_shared>>
      tpu.enqueue_indirect_dma source(%arg9 : memref<80x64xf32, #tpu.memory_space<vmem>>) target(%dma_start3A_108 : memref<10240x64xf32, #tpu.memory_space<vmem_shared>>) offsets(%dma_start3A_105 : memref<80xi32, #tpu.memory_space<vmem>>) semaphore(%arg20 : memref<!tpu.dma_semaphore, #tpu.memory_space<semaphore_mem>>) {add = true}
      %mul3A_109 = arith.constant 5 : i32
      %mul3A_110 = arith.muli %add3A_84, %mul3A_109 : i32
      %add3A_111 = arith.constant 1 : i32
      %add3A_112 = arith.addi %mul3A_110, %add3A_111 : i32
      %ge3A_113 = arith.constant 2 : i32
      %ge3A_114 = arith.cmpi sge, %add3A_112, %ge3A_113 : i32
      %convert_element_type3A_115 = arith.extui %ge3A_114 : i1 to i32
      %cond3A_116 = arith.constant 0 : i32
      %cond3A_117 = arith.cmpi ne, %convert_element_type3A_115, %cond3A_116 : i32
      scf.if %cond3A_117 {
        %sub3A = arith.constant 2 : i32
        %sub3A_221 = arith.subi %add3A_112, %sub3A : i32
        %dma_wait3A_222 = arith.constant 0 : i32
        %dma_wait3A_223 = tpu.memref_slice %arg7[%sub3A_221, %dma_wait3A_222] : memref<125x80xi32, #tpu.memory_space<vmem>> -> memref<1x80xi32, #tpu.memory_space<vmem>>
        %dma_wait3A_224 = tpu.memref_squeeze %dma_wait3A_223 : memref<1x80xi32, #tpu.memory_space<vmem>> -> memref<80xi32, #tpu.memory_space<vmem>>
        %dma_wait3A_225 = arith.constant 0 : i32
        %dma_wait3A_226 = arith.constant 0 : i32
        %dma_wait3A_227 = tpu.memref_slice %arg14[%dma_wait3A_225, %dma_wait3A_226] : memref<10240x64xf32, #tpu.memory_space<vmem_shared>> -> memref<10240x64xf32, #tpu.memory_space<vmem_shared>>
        tpu.wait_indirect_dma semaphore(%arg24 : memref<!tpu.dma_semaphore, #tpu.memory_space<semaphore_mem>>) src(%arg13 : memref<80x64xf32, #tpu.memory_space<vmem>>) dst(%dma_wait3A_227 : memref<10240x64xf32, #tpu.memory_space<vmem_shared>>)
      } else {
      }
      %add3A_118 = arith.constant 3 : i32
      %add3A_119 = arith.addi %add3A_112, %add3A_118 : i32
      %lt3A_120 = arith.constant 125 : i32
      %lt3A_121 = arith.cmpi slt, %add3A_119, %lt3A_120 : i32
      %convert_element_type3A_122 = arith.extui %lt3A_121 : i1 to i32
      %cond3A_123 = arith.constant 0 : i32
      %cond3A_124 = arith.cmpi ne, %convert_element_type3A_122, %cond3A_123 : i32
      scf.if %cond3A_124 {
        %add3A_221 = arith.constant 3 : i32
        %add3A_222 = arith.addi %add3A_112, %add3A_221 : i32
        %dma_start3A_223 = arith.constant 0 : i32
        %dma_start3A_224 = tpu.memref_slice %arg6[%add3A_222, %dma_start3A_223] : memref<125x80xi32, #tpu.memory_space<vmem>> -> memref<1x80xi32, #tpu.memory_space<vmem>>
        %dma_start3A_225 = tpu.memref_squeeze %dma_start3A_224 : memref<1x80xi32, #tpu.memory_space<vmem>> -> memref<80xi32, #tpu.memory_space<vmem>>
        %dma_start3A_226 = arith.constant 0 : i32
        %dma_start3A_227 = arith.constant 0 : i32
        %dma_start3A_228 = tpu.memref_slice %arg2[%dma_start3A_226, %dma_start3A_227] : memref<10000x64xf32, #tpu.memory_space<hbm>> -> memref<10000x64xf32, #tpu.memory_space<hbm>>
        tpu.enqueue_indirect_dma source(%dma_start3A_228 : memref<10000x64xf32, #tpu.memory_space<hbm>>) target(%arg13 : memref<80x64xf32, #tpu.memory_space<vmem>>) offsets(%dma_start3A_225 : memref<80xi32, #tpu.memory_space<vmem>>) semaphore(%arg19 : memref<!tpu.dma_semaphore, #tpu.memory_space<semaphore_mem>>)
      } else {
      }
      %dma_wait3A_125 = arith.constant 0 : i32
      %dma_wait3A_126 = tpu.memref_slice %arg6[%add3A_112, %dma_wait3A_125] : memref<125x80xi32, #tpu.memory_space<vmem>> -> memref<1x80xi32, #tpu.memory_space<vmem>>
      %dma_wait3A_127 = tpu.memref_squeeze %dma_wait3A_126 : memref<1x80xi32, #tpu.memory_space<vmem>> -> memref<80xi32, #tpu.memory_space<vmem>>
      %dma_wait3A_128 = arith.constant 0 : i32
      %dma_wait3A_129 = arith.constant 0 : i32
      %dma_wait3A_130 = tpu.memref_slice %arg2[%dma_wait3A_128, %dma_wait3A_129] : memref<10000x64xf32, #tpu.memory_space<hbm>> -> memref<10000x64xf32, #tpu.memory_space<hbm>>
      tpu.wait_indirect_dma semaphore(%arg16 : memref<!tpu.dma_semaphore, #tpu.memory_space<semaphore_mem>>) src(%dma_wait3A_130 : memref<10000x64xf32, #tpu.memory_space<hbm>>) dst(%arg10 : memref<80x64xf32, #tpu.memory_space<vmem>>)
      %dma_start3A_131 = arith.constant 0 : i32
      %dma_start3A_132 = tpu.memref_slice %arg7[%add3A_112, %dma_start3A_131] : memref<125x80xi32, #tpu.memory_space<vmem>> -> memref<1x80xi32, #tpu.memory_space<vmem>>
      %dma_start3A_133 = tpu.memref_squeeze %dma_start3A_132 : memref<1x80xi32, #tpu.memory_space<vmem>> -> memref<80xi32, #tpu.memory_space<vmem>>
      %dma_start3A_134 = arith.constant 0 : i32
      %dma_start3A_135 = arith.constant 0 : i32
      %dma_start3A_136 = tpu.memref_slice %arg14[%dma_start3A_134, %dma_start3A_135] : memref<10240x64xf32, #tpu.memory_space<vmem_shared>> -> memref<10240x64xf32, #tpu.memory_space<vmem_shared>>
      tpu.enqueue_indirect_dma source(%arg10 : memref<80x64xf32, #tpu.memory_space<vmem>>) target(%dma_start3A_136 : memref<10240x64xf32, #tpu.memory_space<vmem_shared>>) offsets(%dma_start3A_133 : memref<80xi32, #tpu.memory_space<vmem>>) semaphore(%arg21 : memref<!tpu.dma_semaphore, #tpu.memory_space<semaphore_mem>>) {add = true}
      %mul3A_137 = arith.constant 5 : i32
      %mul3A_138 = arith.muli %add3A_84, %mul3A_137 : i32
      %add3A_139 = arith.constant 2 : i32
      %add3A_140 = arith.addi %mul3A_138, %add3A_139 : i32
      %ge3A_141 = arith.constant 2 : i32
      %ge3A_142 = arith.cmpi sge, %add3A_140, %ge3A_141 : i32
      %convert_element_type3A_143 = arith.extui %ge3A_142 : i1 to i32
      %cond3A_144 = arith.constant 0 : i32
      %cond3A_145 = arith.cmpi ne, %convert_element_type3A_143, %cond3A_144 : i32
      scf.if %cond3A_145 {
        %sub3A = arith.constant 2 : i32
        %sub3A_221 = arith.subi %add3A_140, %sub3A : i32
        %dma_wait3A_222 = arith.constant 0 : i32
        %dma_wait3A_223 = tpu.memref_slice %arg7[%sub3A_221, %dma_wait3A_222] : memref<125x80xi32, #tpu.memory_space<vmem>> -> memref<1x80xi32, #tpu.memory_space<vmem>>
        %dma_wait3A_224 = tpu.memref_squeeze %dma_wait3A_223 : memref<1x80xi32, #tpu.memory_space<vmem>> -> memref<80xi32, #tpu.memory_space<vmem>>
        %dma_wait3A_225 = arith.constant 0 : i32
        %dma_wait3A_226 = arith.constant 0 : i32
        %dma_wait3A_227 = tpu.memref_slice %arg14[%dma_wait3A_225, %dma_wait3A_226] : memref<10240x64xf32, #tpu.memory_space<vmem_shared>> -> memref<10240x64xf32, #tpu.memory_space<vmem_shared>>
        tpu.wait_indirect_dma semaphore(%arg20 : memref<!tpu.dma_semaphore, #tpu.memory_space<semaphore_mem>>) src(%arg9 : memref<80x64xf32, #tpu.memory_space<vmem>>) dst(%dma_wait3A_227 : memref<10240x64xf32, #tpu.memory_space<vmem_shared>>)
      } else {
      }
      %add3A_146 = arith.constant 3 : i32
      %add3A_147 = arith.addi %add3A_140, %add3A_146 : i32
      %lt3A_148 = arith.constant 125 : i32
      %lt3A_149 = arith.cmpi slt, %add3A_147, %lt3A_148 : i32
      %convert_element_type3A_150 = arith.extui %lt3A_149 : i1 to i32
      %cond3A_151 = arith.constant 0 : i32
      %cond3A_152 = arith.cmpi ne, %convert_element_type3A_150, %cond3A_151 : i32
      scf.if %cond3A_152 {
        %add3A_221 = arith.constant 3 : i32
        %add3A_222 = arith.addi %add3A_140, %add3A_221 : i32
        %dma_start3A_223 = arith.constant 0 : i32
        %dma_start3A_224 = tpu.memref_slice %arg6[%add3A_222, %dma_start3A_223] : memref<125x80xi32, #tpu.memory_space<vmem>> -> memref<1x80xi32, #tpu.memory_space<vmem>>
        %dma_start3A_225 = tpu.memref_squeeze %dma_start3A_224 : memref<1x80xi32, #tpu.memory_space<vmem>> -> memref<80xi32, #tpu.memory_space<vmem>>
        %dma_start3A_226 = arith.constant 0 : i32
        %dma_start3A_227 = arith.constant 0 : i32
        %dma_start3A_228 = tpu.memref_slice %arg2[%dma_start3A_226, %dma_start3A_227] : memref<10000x64xf32, #tpu.memory_space<hbm>> -> memref<10000x64xf32, #tpu.memory_space<hbm>>
        tpu.enqueue_indirect_dma source(%dma_start3A_228 : memref<10000x64xf32, #tpu.memory_space<hbm>>) target(%arg9 : memref<80x64xf32, #tpu.memory_space<vmem>>) offsets(%dma_start3A_225 : memref<80xi32, #tpu.memory_space<vmem>>) semaphore(%arg15 : memref<!tpu.dma_semaphore, #tpu.memory_space<semaphore_mem>>)
      } else {
      }
      %dma_wait3A_153 = arith.constant 0 : i32
      %dma_wait3A_154 = tpu.memref_slice %arg6[%add3A_140, %dma_wait3A_153] : memref<125x80xi32, #tpu.memory_space<vmem>> -> memref<1x80xi32, #tpu.memory_space<vmem>>
      %dma_wait3A_155 = tpu.memref_squeeze %dma_wait3A_154 : memref<1x80xi32, #tpu.memory_space<vmem>> -> memref<80xi32, #tpu.memory_space<vmem>>
      %dma_wait3A_156 = arith.constant 0 : i32
      %dma_wait3A_157 = arith.constant 0 : i32
      %dma_wait3A_158 = tpu.memref_slice %arg2[%dma_wait3A_156, %dma_wait3A_157] : memref<10000x64xf32, #tpu.memory_space<hbm>> -> memref<10000x64xf32, #tpu.memory_space<hbm>>
      tpu.wait_indirect_dma semaphore(%arg17 : memref<!tpu.dma_semaphore, #tpu.memory_space<semaphore_mem>>) src(%dma_wait3A_158 : memref<10000x64xf32, #tpu.memory_space<hbm>>) dst(%arg11 : memref<80x64xf32, #tpu.memory_space<vmem>>)
      %dma_start3A_159 = arith.constant 0 : i32
      %dma_start3A_160 = tpu.memref_slice %arg7[%add3A_140, %dma_start3A_159] : memref<125x80xi32, #tpu.memory_space<vmem>> -> memref<1x80xi32, #tpu.memory_space<vmem>>
      %dma_start3A_161 = tpu.memref_squeeze %dma_start3A_160 : memref<1x80xi32, #tpu.memory_space<vmem>> -> memref<80xi32, #tpu.memory_space<vmem>>
      %dma_start3A_162 = arith.constant 0 : i32
      %dma_start3A_163 = arith.constant 0 : i32
      %dma_start3A_164 = tpu.memref_slice %arg14[%dma_start3A_162, %dma_start3A_163] : memref<10240x64xf32, #tpu.memory_space<vmem_shared>> -> memref<10240x64xf32, #tpu.memory_space<vmem_shared>>
      tpu.enqueue_indirect_dma source(%arg11 : memref<80x64xf32, #tpu.memory_space<vmem>>) target(%dma_start3A_164 : memref<10240x64xf32, #tpu.memory_space<vmem_shared>>) offsets(%dma_start3A_161 : memref<80xi32, #tpu.memory_space<vmem>>) semaphore(%arg22 : memref<!tpu.dma_semaphore, #tpu.memory_space<semaphore_mem>>) {add = true}
      %mul3A_165 = arith.constant 5 : i32
      %mul3A_166 = arith.muli %add3A_84, %mul3A_165 : i32
      %add3A_167 = arith.constant 3 : i32
      %add3A_168 = arith.addi %mul3A_166, %add3A_167 : i32
      %ge3A_169 = arith.constant 2 : i32
      %ge3A_170 = arith.cmpi sge, %add3A_168, %ge3A_169 : i32
      %convert_element_type3A_171 = arith.extui %ge3A_170 : i1 to i32
      %cond3A_172 = arith.constant 0 : i32
      %cond3A_173 = arith.cmpi ne, %convert_element_type3A_171, %cond3A_172 : i32
      scf.if %cond3A_173 {
        %sub3A = arith.constant 2 : i32
        %sub3A_221 = arith.subi %add3A_168, %sub3A : i32
        %dma_wait3A_222 = arith.constant 0 : i32
        %dma_wait3A_223 = tpu.memref_slice %arg7[%sub3A_221, %dma_wait3A_222] : memref<125x80xi32, #tpu.memory_space<vmem>> -> memref<1x80xi32, #tpu.memory_space<vmem>>
        %dma_wait3A_224 = tpu.memref_squeeze %dma_wait3A_223 : memref<1x80xi32, #tpu.memory_space<vmem>> -> memref<80xi32, #tpu.memory_space<vmem>>
        %dma_wait3A_225 = arith.constant 0 : i32
        %dma_wait3A_226 = arith.constant 0 : i32
        %dma_wait3A_227 = tpu.memref_slice %arg14[%dma_wait3A_225, %dma_wait3A_226] : memref<10240x64xf32, #tpu.memory_space<vmem_shared>> -> memref<10240x64xf32, #tpu.memory_space<vmem_shared>>
        tpu.wait_indirect_dma semaphore(%arg21 : memref<!tpu.dma_semaphore, #tpu.memory_space<semaphore_mem>>) src(%arg10 : memref<80x64xf32, #tpu.memory_space<vmem>>) dst(%dma_wait3A_227 : memref<10240x64xf32, #tpu.memory_space<vmem_shared>>)
      } else {
      }
      %add3A_174 = arith.constant 3 : i32
      %add3A_175 = arith.addi %add3A_168, %add3A_174 : i32
      %lt3A_176 = arith.constant 125 : i32
      %lt3A_177 = arith.cmpi slt, %add3A_175, %lt3A_176 : i32
      %convert_element_type3A_178 = arith.extui %lt3A_177 : i1 to i32
      %cond3A_179 = arith.constant 0 : i32
      %cond3A_180 = arith.cmpi ne, %convert_element_type3A_178, %cond3A_179 : i32
      scf.if %cond3A_180 {
        %add3A_221 = arith.constant 3 : i32
        %add3A_222 = arith.addi %add3A_168, %add3A_221 : i32
        %dma_start3A_223 = arith.constant 0 : i32
        %dma_start3A_224 = tpu.memref_slice %arg6[%add3A_222, %dma_start3A_223] : memref<125x80xi32, #tpu.memory_space<vmem>> -> memref<1x80xi32, #tpu.memory_space<vmem>>
        %dma_start3A_225 = tpu.memref_squeeze %dma_start3A_224 : memref<1x80xi32, #tpu.memory_space<vmem>> -> memref<80xi32, #tpu.memory_space<vmem>>
        %dma_start3A_226 = arith.constant 0 : i32
        %dma_start3A_227 = arith.constant 0 : i32
        %dma_start3A_228 = tpu.memref_slice %arg2[%dma_start3A_226, %dma_start3A_227] : memref<10000x64xf32, #tpu.memory_space<hbm>> -> memref<10000x64xf32, #tpu.memory_space<hbm>>
        tpu.enqueue_indirect_dma source(%dma_start3A_228 : memref<10000x64xf32, #tpu.memory_space<hbm>>) target(%arg10 : memref<80x64xf32, #tpu.memory_space<vmem>>) offsets(%dma_start3A_225 : memref<80xi32, #tpu.memory_space<vmem>>) semaphore(%arg16 : memref<!tpu.dma_semaphore, #tpu.memory_space<semaphore_mem>>)
      } else {
      }
      %dma_wait3A_181 = arith.constant 0 : i32
      %dma_wait3A_182 = tpu.memref_slice %arg6[%add3A_168, %dma_wait3A_181] : memref<125x80xi32, #tpu.memory_space<vmem>> -> memref<1x80xi32, #tpu.memory_space<vmem>>
      %dma_wait3A_183 = tpu.memref_squeeze %dma_wait3A_182 : memref<1x80xi32, #tpu.memory_space<vmem>> -> memref<80xi32, #tpu.memory_space<vmem>>
      %dma_wait3A_184 = arith.constant 0 : i32
      %dma_wait3A_185 = arith.constant 0 : i32
      %dma_wait3A_186 = tpu.memref_slice %arg2[%dma_wait3A_184, %dma_wait3A_185] : memref<10000x64xf32, #tpu.memory_space<hbm>> -> memref<10000x64xf32, #tpu.memory_space<hbm>>
      tpu.wait_indirect_dma semaphore(%arg18 : memref<!tpu.dma_semaphore, #tpu.memory_space<semaphore_mem>>) src(%dma_wait3A_186 : memref<10000x64xf32, #tpu.memory_space<hbm>>) dst(%arg12 : memref<80x64xf32, #tpu.memory_space<vmem>>)
      %dma_start3A_187 = arith.constant 0 : i32
      %dma_start3A_188 = tpu.memref_slice %arg7[%add3A_168, %dma_start3A_187] : memref<125x80xi32, #tpu.memory_space<vmem>> -> memref<1x80xi32, #tpu.memory_space<vmem>>
      %dma_start3A_189 = tpu.memref_squeeze %dma_start3A_188 : memref<1x80xi32, #tpu.memory_space<vmem>> -> memref<80xi32, #tpu.memory_space<vmem>>
      %dma_start3A_190 = arith.constant 0 : i32
      %dma_start3A_191 = arith.constant 0 : i32
      %dma_start3A_192 = tpu.memref_slice %arg14[%dma_start3A_190, %dma_start3A_191] : memref<10240x64xf32, #tpu.memory_space<vmem_shared>> -> memref<10240x64xf32, #tpu.memory_space<vmem_shared>>
      tpu.enqueue_indirect_dma source(%arg12 : memref<80x64xf32, #tpu.memory_space<vmem>>) target(%dma_start3A_192 : memref<10240x64xf32, #tpu.memory_space<vmem_shared>>) offsets(%dma_start3A_189 : memref<80xi32, #tpu.memory_space<vmem>>) semaphore(%arg23 : memref<!tpu.dma_semaphore, #tpu.memory_space<semaphore_mem>>) {add = true}
      %mul3A_193 = arith.constant 5 : i32
      %mul3A_194 = arith.muli %add3A_84, %mul3A_193 : i32
      %add3A_195 = arith.constant 4 : i32
      %add3A_196 = arith.addi %mul3A_194, %add3A_195 : i32
      %ge3A_197 = arith.constant 2 : i32
      %ge3A_198 = arith.cmpi sge, %add3A_196, %ge3A_197 : i32
      %convert_element_type3A_199 = arith.extui %ge3A_198 : i1 to i32
      %cond3A_200 = arith.constant 0 : i32
      %cond3A_201 = arith.cmpi ne, %convert_element_type3A_199, %cond3A_200 : i32
      scf.if %cond3A_201 {
        %sub3A = arith.constant 2 : i32
        %sub3A_221 = arith.subi %add3A_196, %sub3A : i32
        %dma_wait3A_222 = arith.constant 0 : i32
        %dma_wait3A_223 = tpu.memref_slice %arg7[%sub3A_221, %dma_wait3A_222] : memref<125x80xi32, #tpu.memory_space<vmem>> -> memref<1x80xi32, #tpu.memory_space<vmem>>
        %dma_wait3A_224 = tpu.memref_squeeze %dma_wait3A_223 : memref<1x80xi32, #tpu.memory_space<vmem>> -> memref<80xi32, #tpu.memory_space<vmem>>
        %dma_wait3A_225 = arith.constant 0 : i32
        %dma_wait3A_226 = arith.constant 0 : i32
        %dma_wait3A_227 = tpu.memref_slice %arg14[%dma_wait3A_225, %dma_wait3A_226] : memref<10240x64xf32, #tpu.memory_space<vmem_shared>> -> memref<10240x64xf32, #tpu.memory_space<vmem_shared>>
        tpu.wait_indirect_dma semaphore(%arg22 : memref<!tpu.dma_semaphore, #tpu.memory_space<semaphore_mem>>) src(%arg11 : memref<80x64xf32, #tpu.memory_space<vmem>>) dst(%dma_wait3A_227 : memref<10240x64xf32, #tpu.memory_space<vmem_shared>>)
      } else {
      }
      %add3A_202 = arith.constant 3 : i32
      %add3A_203 = arith.addi %add3A_196, %add3A_202 : i32
      %lt3A_204 = arith.constant 125 : i32
      %lt3A_205 = arith.cmpi slt, %add3A_203, %lt3A_204 : i32
      %convert_element_type3A_206 = arith.extui %lt3A_205 : i1 to i32
      %cond3A_207 = arith.constant 0 : i32
      %cond3A_208 = arith.cmpi ne, %convert_element_type3A_206, %cond3A_207 : i32
      scf.if %cond3A_208 {
        %add3A_221 = arith.constant 3 : i32
        %add3A_222 = arith.addi %add3A_196, %add3A_221 : i32
        %dma_start3A_223 = arith.constant 0 : i32
        %dma_start3A_224 = tpu.memref_slice %arg6[%add3A_222, %dma_start3A_223] : memref<125x80xi32, #tpu.memory_space<vmem>> -> memref<1x80xi32, #tpu.memory_space<vmem>>
        %dma_start3A_225 = tpu.memref_squeeze %dma_start3A_224 : memref<1x80xi32, #tpu.memory_space<vmem>> -> memref<80xi32, #tpu.memory_space<vmem>>
        %dma_start3A_226 = arith.constant 0 : i32
        %dma_start3A_227 = arith.constant 0 : i32
        %dma_start3A_228 = tpu.memref_slice %arg2[%dma_start3A_226, %dma_start3A_227] : memref<10000x64xf32, #tpu.memory_space<hbm>> -> memref<10000x64xf32, #tpu.memory_space<hbm>>
        tpu.enqueue_indirect_dma source(%dma_start3A_228 : memref<10000x64xf32, #tpu.memory_space<hbm>>) target(%arg11 : memref<80x64xf32, #tpu.memory_space<vmem>>) offsets(%dma_start3A_225 : memref<80xi32, #tpu.memory_space<vmem>>) semaphore(%arg17 : memref<!tpu.dma_semaphore, #tpu.memory_space<semaphore_mem>>)
      } else {
      }
      %dma_wait3A_209 = arith.constant 0 : i32
      %dma_wait3A_210 = tpu.memref_slice %arg6[%add3A_196, %dma_wait3A_209] : memref<125x80xi32, #tpu.memory_space<vmem>> -> memref<1x80xi32, #tpu.memory_space<vmem>>
      %dma_wait3A_211 = tpu.memref_squeeze %dma_wait3A_210 : memref<1x80xi32, #tpu.memory_space<vmem>> -> memref<80xi32, #tpu.memory_space<vmem>>
      %dma_wait3A_212 = arith.constant 0 : i32
      %dma_wait3A_213 = arith.constant 0 : i32
      %dma_wait3A_214 = tpu.memref_slice %arg2[%dma_wait3A_212, %dma_wait3A_213] : memref<10000x64xf32, #tpu.memory_space<hbm>> -> memref<10000x64xf32, #tpu.memory_space<hbm>>
      tpu.wait_indirect_dma semaphore(%arg19 : memref<!tpu.dma_semaphore, #tpu.memory_space<semaphore_mem>>) src(%dma_wait3A_214 : memref<10000x64xf32, #tpu.memory_space<hbm>>) dst(%arg13 : memref<80x64xf32, #tpu.memory_space<vmem>>)
      %dma_start3A_215 = arith.constant 0 : i32
      %dma_start3A_216 = tpu.memref_slice %arg7[%add3A_196, %dma_start3A_215] : memref<125x80xi32, #tpu.memory_space<vmem>> -> memref<1x80xi32, #tpu.memory_space<vmem>>
      %dma_start3A_217 = tpu.memref_squeeze %dma_start3A_216 : memref<1x80xi32, #tpu.memory_space<vmem>> -> memref<80xi32, #tpu.memory_space<vmem>>
      %dma_start3A_218 = arith.constant 0 : i32
      %dma_start3A_219 = arith.constant 0 : i32
      %dma_start3A_220 = tpu.memref_slice %arg14[%dma_start3A_218, %dma_start3A_219] : memref<10240x64xf32, #tpu.memory_space<vmem_shared>> -> memref<10240x64xf32, #tpu.memory_space<vmem_shared>>
      tpu.enqueue_indirect_dma source(%arg13 : memref<80x64xf32, #tpu.memory_space<vmem>>) target(%dma_start3A_220 : memref<10240x64xf32, #tpu.memory_space<vmem_shared>>) offsets(%dma_start3A_217 : memref<80xi32, #tpu.memory_space<vmem>>) semaphore(%arg24 : memref<!tpu.dma_semaphore, #tpu.memory_space<semaphore_mem>>) {add = true}
    }
    %scan3A_61 = arith.constant 25 : i32
    %dma_wait3A = arith.constant 123 : i32
    %dma_wait3A_62 = arith.constant 0 : i32
    %dma_wait3A_63 = tpu.memref_slice %arg7[%dma_wait3A, %dma_wait3A_62] : memref<125x80xi32, #tpu.memory_space<vmem>> -> memref<1x80xi32, #tpu.memory_space<vmem>>
    %dma_wait3A_64 = tpu.memref_squeeze %dma_wait3A_63 : memref<1x80xi32, #tpu.memory_space<vmem>> -> memref<80xi32, #tpu.memory_space<vmem>>
    %dma_wait3A_65 = arith.constant 0 : i32
    %dma_wait3A_66 = arith.constant 0 : i32
    %dma_wait3A_67 = tpu.memref_slice %arg14[%dma_wait3A_65, %dma_wait3A_66] : memref<10240x64xf32, #tpu.memory_space<vmem_shared>> -> memref<10240x64xf32, #tpu.memory_space<vmem_shared>>
    tpu.wait_indirect_dma semaphore(%arg23 : memref<!tpu.dma_semaphore, #tpu.memory_space<semaphore_mem>>) src(%arg12 : memref<80x64xf32, #tpu.memory_space<vmem>>) dst(%dma_wait3A_67 : memref<10240x64xf32, #tpu.memory_space<vmem_shared>>)
    %dma_wait3A_68 = arith.constant 124 : i32
    %dma_wait3A_69 = arith.constant 0 : i32
    %dma_wait3A_70 = tpu.memref_slice %arg7[%dma_wait3A_68, %dma_wait3A_69] : memref<125x80xi32, #tpu.memory_space<vmem>> -> memref<1x80xi32, #tpu.memory_space<vmem>>
    %dma_wait3A_71 = tpu.memref_squeeze %dma_wait3A_70 : memref<1x80xi32, #tpu.memory_space<vmem>> -> memref<80xi32, #tpu.memory_space<vmem>>
    %dma_wait3A_72 = arith.constant 0 : i32
    %dma_wait3A_73 = arith.constant 0 : i32
    %dma_wait3A_74 = tpu.memref_slice %arg14[%dma_wait3A_72, %dma_wait3A_73] : memref<10240x64xf32, #tpu.memory_space<vmem_shared>> -> memref<10240x64xf32, #tpu.memory_space<vmem_shared>>
    tpu.wait_indirect_dma semaphore(%arg24 : memref<!tpu.dma_semaphore, #tpu.memory_space<semaphore_mem>>) src(%arg13 : memref<80x64xf32, #tpu.memory_space<vmem>>) dst(%dma_wait3A_74 : memref<10240x64xf32, #tpu.memory_space<vmem_shared>>)
    %barrier3A_75 = arith.constant 0 : index
    tpu.barrier barrier_id(%barrier3A_75)
    %mul3A_76 = arith.constant 640 : i32
    %mul3A_77 = arith.muli %arg1, %mul3A_76 : i32
    %mul3A_78 = arith.constant 640 : i32
    %mul3A_79 = arith.muli %arg1, %mul3A_78 : i32
    "tpu.region"() ({
      %run_scoped3A = tpu.sem_alloc : memref<!tpu.dma_semaphore, #tpu.memory_space<semaphore_mem>>
      %dma_start3A_80 = arith.constant 0 : i32
      %dma_start3A_81 = tpu.memref_slice %arg5[%arg0, %mul3A_79, %dma_start3A_80] : memref<2x10240x64xf32, #tpu.memory_space<hbm>> -> memref<1x640x64xf32, #tpu.memory_space<hbm>>
      %dma_start3A_82 = tpu.memref_squeeze %dma_start3A_81 : memref<1x640x64xf32, #tpu.memory_space<hbm>> -> memref<640x64xf32, #tpu.memory_space<hbm>>
      %dma_start3A_83 = arith.constant 0 : i32
      %dma_start3A_84 = tpu.memref_slice %arg14[%mul3A_77, %dma_start3A_83] : memref<10240x64xf32, #tpu.memory_space<vmem_shared>> -> memref<640x64xf32, #tpu.memory_space<vmem_shared>>
      tpu.enqueue_dma source(%dma_start3A_84 : memref<640x64xf32, #tpu.memory_space<vmem_shared>>) target(%dma_start3A_82 : memref<640x64xf32, #tpu.memory_space<hbm>>) target_semaphore(%run_scoped3A : memref<!tpu.dma_semaphore, #tpu.memory_space<semaphore_mem>>)
      %dma_wait3A_85 = arith.constant 0 : i32
      %dma_wait3A_86 = tpu.memref_slice %arg5[%arg0, %mul3A_79, %dma_wait3A_85] : memref<2x10240x64xf32, #tpu.memory_space<hbm>> -> memref<1x640x64xf32, #tpu.memory_space<hbm>>
      %dma_wait3A_87 = tpu.memref_squeeze %dma_wait3A_86 : memref<1x640x64xf32, #tpu.memory_space<hbm>> -> memref<640x64xf32, #tpu.memory_space<hbm>>
      %dma_wait3A_88 = arith.constant 0 : i32
      %dma_wait3A_89 = tpu.memref_slice %arg14[%mul3A_77, %dma_wait3A_88] : memref<10240x64xf32, #tpu.memory_space<vmem_shared>> -> memref<640x64xf32, #tpu.memory_space<vmem_shared>>
      tpu.wait_dma2 semaphore(%run_scoped3A : memref<!tpu.dma_semaphore, #tpu.memory_space<semaphore_mem>>) src(%dma_wait3A_89 : memref<640x64xf32, #tpu.memory_space<vmem_shared>>) dst(%dma_wait3A_87 : memref<640x64xf32, #tpu.memory_space<hbm>>)
      tpu.yield
    }) : () -> ()
    return
  }
}

#map = affine_map<(d0, d1) -> (0, 0)>
#map1 = affine_map<(d0, d1) -> (0, 0, 0)>
module attributes {stable_mosaic.version = 14 : i64} {
  func.func @_scatter_body(%arg0: i32, %arg1: i32, %arg2: memref<10000x64xf32, #tpu.memory_space<hbm>>, %arg3: memref<32x125x80xi32, #tpu.memory_space<hbm>>, %arg4: memref<32x125x80xi32, #tpu.memory_space<hbm>>, %arg5: memref<2x10240x64xf32, #tpu.memory_space<hbm>>, %arg6: memref<125x80xi32, #tpu.memory_space<vmem>>, %arg7: memref<125x80xi32, #tpu.memory_space<vmem>>, %arg8: memref<80x64xf32, #tpu.memory_space<vmem>>, %arg9: memref<80x64xf32, #tpu.memory_space<vmem>>, %arg10: memref<80x64xf32, #tpu.memory_space<vmem>>, %arg11: memref<80x64xf32, #tpu.memory_space<vmem>>, %arg12: memref<80x64xf32, #tpu.memory_space<vmem>>, %arg13: memref<80x64xf32, #tpu.memory_space<vmem>>, %arg14: memref<10240x64xf32, #tpu.memory_space<vmem_shared>>, %arg15: memref<!tpu.dma_semaphore, #tpu.memory_space<semaphore_mem>>, %arg16: memref<!tpu.dma_semaphore, #tpu.memory_space<semaphore_mem>>, %arg17: memref<!tpu.dma_semaphore, #tpu.memory_space<semaphore_mem>>, %arg18: memref<!tpu.dma_semaphore, #tpu.memory_space<semaphore_mem>>, %arg19: memref<!tpu.dma_semaphore, #tpu.memory_space<semaphore_mem>>, %arg20: memref<!tpu.dma_semaphore, #tpu.memory_space<semaphore_mem>>, %arg21: memref<!tpu.dma_semaphore, #tpu.memory_space<semaphore_mem>>, %arg22: memref<!tpu.dma_semaphore, #tpu.memory_space<semaphore_mem>>, %arg23: memref<!tpu.dma_semaphore, #tpu.memory_space<semaphore_mem>>, %arg24: memref<!tpu.dma_semaphore, #tpu.memory_space<semaphore_mem>>) attributes {dimension_semantics = [#tpu.dimension_semantics<core_parallel>, #tpu.dimension_semantics<subcore_parallel>], iteration_bounds = array<i64: 2, 16>, scalar_prefetch = 0 : i64, scratch_operands = 19 : i64, tpu.core_type = #tpu.core_type<sc_vector_subcore>, window_params = [{transform_indices = #map}, {transform_indices = #map1}, {transform_indices = #map1}, {transform_indices = #map1}]} {
    %mul3A = arith.constant 16 : i32
    %mul3A_0 = arith.muli %arg0, %mul3A : i32
    %add3A = arith.addi %mul3A_0, %arg1 : i32
    "tpu.region"() ({
      %run_scoped3A = tpu.sem_alloc : memref<!tpu.dma_semaphore, #tpu.memory_space<semaphore_mem>>
      %dma_start3A_80 = arith.constant 0 : i32
      %dma_start3A_81 = arith.constant 0 : i32
      %dma_start3A_82 = tpu.memref_slice %arg3[%add3A, %dma_start3A_80, %dma_start3A_81] : memref<32x125x80xi32, #tpu.memory_space<hbm>> -> memref<1x125x80xi32, #tpu.memory_space<hbm>>
      %dma_start3A_83 = tpu.memref_squeeze %dma_start3A_82 : memref<1x125x80xi32, #tpu.memory_space<hbm>> -> memref<125x80xi32, #tpu.memory_space<hbm>>
      %dma_start3A_84 = arith.constant 0 : i32
      %dma_start3A_85 = arith.constant 0 : i32
      %dma_start3A_86 = tpu.memref_slice %arg3[%add3A, %dma_start3A_84, %dma_start3A_85] : memref<32x125x80xi32, #tpu.memory_space<hbm>> -> memref<1x125x80xi32, #tpu.memory_space<hbm>>
      %dma_start3A_87 = tpu.memref_squeeze %dma_start3A_86 : memref<1x125x80xi32, #tpu.memory_space<hbm>> -> memref<125x80xi32, #tpu.memory_space<hbm>>
      tpu.enqueue_dma source(%dma_start3A_87 : memref<125x80xi32, #tpu.memory_space<hbm>>) target(%arg6 : memref<125x80xi32, #tpu.memory_space<vmem>>) target_semaphore(%run_scoped3A : memref<!tpu.dma_semaphore, #tpu.memory_space<semaphore_mem>>)
      %dma_wait3A_88 = arith.constant 0 : i32
      %dma_wait3A_89 = arith.constant 0 : i32
      %dma_wait3A_90 = tpu.memref_slice %arg3[%add3A, %dma_wait3A_88, %dma_wait3A_89] : memref<32x125x80xi32, #tpu.memory_space<hbm>> -> memref<1x125x80xi32, #tpu.memory_space<hbm>>
      %dma_wait3A_91 = tpu.memref_squeeze %dma_wait3A_90 : memref<1x125x80xi32, #tpu.memory_space<hbm>> -> memref<125x80xi32, #tpu.memory_space<hbm>>
      %dma_wait3A_92 = arith.constant 0 : i32
      %dma_wait3A_93 = arith.constant 0 : i32
      %dma_wait3A_94 = tpu.memref_slice %arg3[%add3A, %dma_wait3A_92, %dma_wait3A_93] : memref<32x125x80xi32, #tpu.memory_space<hbm>> -> memref<1x125x80xi32, #tpu.memory_space<hbm>>
      %dma_wait3A_95 = tpu.memref_squeeze %dma_wait3A_94 : memref<1x125x80xi32, #tpu.memory_space<hbm>> -> memref<125x80xi32, #tpu.memory_space<hbm>>
      tpu.wait_dma2 semaphore(%run_scoped3A : memref<!tpu.dma_semaphore, #tpu.memory_space<semaphore_mem>>) src(%dma_wait3A_95 : memref<125x80xi32, #tpu.memory_space<hbm>>) dst(%arg6 : memref<125x80xi32, #tpu.memory_space<vmem>>)
      tpu.yield
    }) : () -> ()
    "tpu.region"() ({
      %run_scoped3A = tpu.sem_alloc : memref<!tpu.dma_semaphore, #tpu.memory_space<semaphore_mem>>
      %dma_start3A_80 = arith.constant 0 : i32
      %dma_start3A_81 = arith.constant 0 : i32
      %dma_start3A_82 = tpu.memref_slice %arg4[%add3A, %dma_start3A_80, %dma_start3A_81] : memref<32x125x80xi32, #tpu.memory_space<hbm>> -> memref<1x125x80xi32, #tpu.memory_space<hbm>>
      %dma_start3A_83 = tpu.memref_squeeze %dma_start3A_82 : memref<1x125x80xi32, #tpu.memory_space<hbm>> -> memref<125x80xi32, #tpu.memory_space<hbm>>
      %dma_start3A_84 = arith.constant 0 : i32
      %dma_start3A_85 = arith.constant 0 : i32
      %dma_start3A_86 = tpu.memref_slice %arg4[%add3A, %dma_start3A_84, %dma_start3A_85] : memref<32x125x80xi32, #tpu.memory_space<hbm>> -> memref<1x125x80xi32, #tpu.memory_space<hbm>>
      %dma_start3A_87 = tpu.memref_squeeze %dma_start3A_86 : memref<1x125x80xi32, #tpu.memory_space<hbm>> -> memref<125x80xi32, #tpu.memory_space<hbm>>
      tpu.enqueue_dma source(%dma_start3A_87 : memref<125x80xi32, #tpu.memory_space<hbm>>) target(%arg7 : memref<125x80xi32, #tpu.memory_space<vmem>>) target_semaphore(%run_scoped3A : memref<!tpu.dma_semaphore, #tpu.memory_space<semaphore_mem>>)
      %dma_wait3A_88 = arith.constant 0 : i32
      %dma_wait3A_89 = arith.constant 0 : i32
      %dma_wait3A_90 = tpu.memref_slice %arg4[%add3A, %dma_wait3A_88, %dma_wait3A_89] : memref<32x125x80xi32, #tpu.memory_space<hbm>> -> memref<1x125x80xi32, #tpu.memory_space<hbm>>
      %dma_wait3A_91 = tpu.memref_squeeze %dma_wait3A_90 : memref<1x125x80xi32, #tpu.memory_space<hbm>> -> memref<125x80xi32, #tpu.memory_space<hbm>>
      %dma_wait3A_92 = arith.constant 0 : i32
      %dma_wait3A_93 = arith.constant 0 : i32
      %dma_wait3A_94 = tpu.memref_slice %arg4[%add3A, %dma_wait3A_92, %dma_wait3A_93] : memref<32x125x80xi32, #tpu.memory_space<hbm>> -> memref<1x125x80xi32, #tpu.memory_space<hbm>>
      %dma_wait3A_95 = tpu.memref_squeeze %dma_wait3A_94 : memref<1x125x80xi32, #tpu.memory_space<hbm>> -> memref<125x80xi32, #tpu.memory_space<hbm>>
      tpu.wait_dma2 semaphore(%run_scoped3A : memref<!tpu.dma_semaphore, #tpu.memory_space<semaphore_mem>>) src(%dma_wait3A_95 : memref<125x80xi32, #tpu.memory_space<hbm>>) dst(%arg7 : memref<125x80xi32, #tpu.memory_space<vmem>>)
      tpu.yield
    }) : () -> ()
    %dma_start3A = arith.constant 0 : i32
    %dma_start3A_1 = arith.constant 0 : i32
    %dma_start3A_2 = tpu.memref_slice %arg6[%dma_start3A, %dma_start3A_1] : memref<125x80xi32, #tpu.memory_space<vmem>> -> memref<1x80xi32, #tpu.memory_space<vmem>>
    %dma_start3A_3 = tpu.memref_squeeze %dma_start3A_2 : memref<1x80xi32, #tpu.memory_space<vmem>> -> memref<80xi32, #tpu.memory_space<vmem>>
    %dma_start3A_4 = arith.constant 0 : i32
    %dma_start3A_5 = arith.constant 0 : i32
    %dma_start3A_6 = tpu.memref_slice %arg2[%dma_start3A_4, %dma_start3A_5] : memref<10000x64xf32, #tpu.memory_space<hbm>> -> memref<10000x64xf32, #tpu.memory_space<hbm>>
    tpu.enqueue_indirect_dma source(%dma_start3A_6 : memref<10000x64xf32, #tpu.memory_space<hbm>>) target(%arg9 : memref<80x64xf32, #tpu.memory_space<vmem>>) offsets(%dma_start3A_3 : memref<80xi32, #tpu.memory_space<vmem>>) semaphore(%arg15 : memref<!tpu.dma_semaphore, #tpu.memory_space<semaphore_mem>>)
    %dma_start3A_7 = arith.constant 1 : i32
    %dma_start3A_8 = arith.constant 0 : i32
    %dma_start3A_9 = tpu.memref_slice %arg6[%dma_start3A_7, %dma_start3A_8] : memref<125x80xi32, #tpu.memory_space<vmem>> -> memref<1x80xi32, #tpu.memory_space<vmem>>
    %dma_start3A_10 = tpu.memref_squeeze %dma_start3A_9 : memref<1x80xi32, #tpu.memory_space<vmem>> -> memref<80xi32, #tpu.memory_space<vmem>>
    %dma_start3A_11 = arith.constant 0 : i32
    %dma_start3A_12 = arith.constant 0 : i32
    %dma_start3A_13 = tpu.memref_slice %arg2[%dma_start3A_11, %dma_start3A_12] : memref<10000x64xf32, #tpu.memory_space<hbm>> -> memref<10000x64xf32, #tpu.memory_space<hbm>>
    tpu.enqueue_indirect_dma source(%dma_start3A_13 : memref<10000x64xf32, #tpu.memory_space<hbm>>) target(%arg10 : memref<80x64xf32, #tpu.memory_space<vmem>>) offsets(%dma_start3A_10 : memref<80xi32, #tpu.memory_space<vmem>>) semaphore(%arg16 : memref<!tpu.dma_semaphore, #tpu.memory_space<semaphore_mem>>)
    %dma_start3A_14 = arith.constant 2 : i32
    %dma_start3A_15 = arith.constant 0 : i32
    %dma_start3A_16 = tpu.memref_slice %arg6[%dma_start3A_14, %dma_start3A_15] : memref<125x80xi32, #tpu.memory_space<vmem>> -> memref<1x80xi32, #tpu.memory_space<vmem>>
    %dma_start3A_17 = tpu.memref_squeeze %dma_start3A_16 : memref<1x80xi32, #tpu.memory_space<vmem>> -> memref<80xi32, #tpu.memory_space<vmem>>
    %dma_start3A_18 = arith.constant 0 : i32
    %dma_start3A_19 = arith.constant 0 : i32
    %dma_start3A_20 = tpu.memref_slice %arg2[%dma_start3A_18, %dma_start3A_19] : memref<10000x64xf32, #tpu.memory_space<hbm>> -> memref<10000x64xf32, #tpu.memory_space<hbm>>
    tpu.enqueue_indirect_dma source(%dma_start3A_20 : memref<10000x64xf32, #tpu.memory_space<hbm>>) target(%arg11 : memref<80x64xf32, #tpu.memory_space<vmem>>) offsets(%dma_start3A_17 : memref<80xi32, #tpu.memory_space<vmem>>) semaphore(%arg17 : memref<!tpu.dma_semaphore, #tpu.memory_space<semaphore_mem>>)
    %scan3A = arith.constant 0 : i32
    %scan3A_21 = arith.constant 80 : i32
    %scan3A_22 = arith.addi %scan3A, %scan3A_21 : i32
    %scan3A_23 = arith.constant 1 : i32
    scf.for %scan3A_80 = %scan3A to %scan3A_22 step %scan3A_23  : i32 {
      %mul3A_81 = arith.constant 1 : i32
      %mul3A_82 = arith.muli %scan3A_80, %mul3A_81 : i32
      %add3A_83 = arith.constant 0 : i32
      %add3A_84 = arith.addi %add3A_83, %mul3A_82 : i32
      %broadcast_in_dim3A = arith.constant 0.000000e+00 : f32
      %broadcast_in_dim3A_85 = vector.broadcast %broadcast_in_dim3A : f32 to vector<16xf32>
      %swap3A = arith.index_cast %add3A_84 : i32 to index
      %swap3A_86 = arith.constant 0 : index
      %swap3A_87 = tpu.vector_load %arg8[%swap3A, %swap3A_86] {strides = array<i32>} : memref<80x64xf32, #tpu.memory_space<vmem>>, vector<1x16xf32>,
      %swap3A_88 = vector.shape_cast %swap3A_87 : vector<1x16xf32> to vector<16xf32>
      %swap3A_89 = vector.shape_cast %broadcast_in_dim3A_85 : vector<16xf32> to vector<1x16xf32>
      tpu.vector_store %arg8[%swap3A, %swap3A_86], %swap3A_89 {strides = array<i32>} : memref<80x64xf32, #tpu.memory_space<vmem>>, vector<1x16xf32>,
      %broadcast_in_dim3A_90 = arith.constant 0.000000e+00 : f32
      %broadcast_in_dim3A_91 = vector.broadcast %broadcast_in_dim3A_90 : f32 to vector<16xf32>
      %swap3A_92 = arith.index_cast %add3A_84 : i32 to index
      %swap3A_93 = arith.constant 16 : index
      %swap3A_94 = tpu.vector_load %arg8[%swap3A_92, %swap3A_93] {strides = array<i32>} : memref<80x64xf32, #tpu.memory_space<vmem>>, vector<1x16xf32>,
      %swap3A_95 = vector.shape_cast %swap3A_94 : vector<1x16xf32> to vector<16xf32>
      %swap3A_96 = vector.shape_cast %broadcast_in_dim3A_91 : vector<16xf32> to vector<1x16xf32>
      tpu.vector_store %arg8[%swap3A_92, %swap3A_93], %swap3A_96 {strides = array<i32>} : memref<80x64xf32, #tpu.memory_space<vmem>>, vector<1x16xf32>,
      %broadcast_in_dim3A_97 = arith.constant 0.000000e+00 : f32
      %broadcast_in_dim3A_98 = vector.broadcast %broadcast_in_dim3A_97 : f32 to vector<16xf32>
      %swap3A_99 = arith.index_cast %add3A_84 : i32 to index
      %swap3A_100 = arith.constant 32 : index
      %swap3A_101 = tpu.vector_load %arg8[%swap3A_99, %swap3A_100] {strides = array<i32>} : memref<80x64xf32, #tpu.memory_space<vmem>>, vector<1x16xf32>,
      %swap3A_102 = vector.shape_cast %swap3A_101 : vector<1x16xf32> to vector<16xf32>
      %swap3A_103 = vector.shape_cast %broadcast_in_dim3A_98 : vector<16xf32> to vector<1x16xf32>
      tpu.vector_store %arg8[%swap3A_99, %swap3A_100], %swap3A_103 {strides = array<i32>} : memref<80x64xf32, #tpu.memory_space<vmem>>, vector<1x16xf32>,
      %broadcast_in_dim3A_104 = arith.constant 0.000000e+00 : f32
      %broadcast_in_dim3A_105 = vector.broadcast %broadcast_in_dim3A_104 : f32 to vector<16xf32>
      %swap3A_106 = arith.index_cast %add3A_84 : i32 to index
      %swap3A_107 = arith.constant 48 : index
      %swap3A_108 = tpu.vector_load %arg8[%swap3A_106, %swap3A_107] {strides = array<i32>} : memref<80x64xf32, #tpu.memory_space<vmem>>, vector<1x16xf32>,
      %swap3A_109 = vector.shape_cast %swap3A_108 : vector<1x16xf32> to vector<16xf32>
      %swap3A_110 = vector.shape_cast %broadcast_in_dim3A_105 : vector<16xf32> to vector<1x16xf32>
      tpu.vector_store %arg8[%swap3A_106, %swap3A_107], %swap3A_110 {strides = array<i32>} : memref<80x64xf32, #tpu.memory_space<vmem>>, vector<1x16xf32>,
    }
    %scan3A_24 = arith.constant 80 : i32
    %mul3A_25 = arith.constant 640 : i32
    %mul3A_26 = arith.muli %arg1, %mul3A_25 : i32
    %add3A_27 = arith.constant 0 : i32
    %add3A_28 = arith.addi %mul3A_26, %add3A_27 : i32
    "tpu.region"() ({
      %run_scoped3A = tpu.sem_alloc : memref<!tpu.dma_semaphore, #tpu.memory_space<semaphore_mem>>
      %dma_start3A_80 = arith.constant 0 : i32
      %dma_start3A_81 = tpu.memref_slice %arg14[%add3A_28, %dma_start3A_80] : memref<10240x64xf32, #tpu.memory_space<vmem_shared>> -> memref<80x64xf32, #tpu.memory_space<vmem_shared>>
      %dma_start3A_82 = arith.constant 0 : i32
      %dma_start3A_83 = tpu.memref_slice %arg14[%add3A_28, %dma_start3A_82] : memref<10240x64xf32, #tpu.memory_space<vmem_shared>> -> memref<80x64xf32, #tpu.memory_space<vmem_shared>>
      tpu.enqueue_dma source(%arg8 : memref<80x64xf32, #tpu.memory_space<vmem>>) target(%dma_start3A_83 : memref<80x64xf32, #tpu.memory_space<vmem_shared>>) target_semaphore(%run_scoped3A : memref<!tpu.dma_semaphore, #tpu.memory_space<semaphore_mem>>)
      %dma_wait3A_84 = arith.constant 0 : i32
      %dma_wait3A_85 = tpu.memref_slice %arg14[%add3A_28, %dma_wait3A_84] : memref<10240x64xf32, #tpu.memory_space<vmem_shared>> -> memref<80x64xf32, #tpu.memory_space<vmem_shared>>
      %dma_wait3A_86 = arith.constant 0 : i32
      %dma_wait3A_87 = tpu.memref_slice %arg14[%add3A_28, %dma_wait3A_86] : memref<10240x64xf32, #tpu.memory_space<vmem_shared>> -> memref<80x64xf32, #tpu.memory_space<vmem_shared>>
      tpu.wait_dma2 semaphore(%run_scoped3A : memref<!tpu.dma_semaphore, #tpu.memory_space<semaphore_mem>>) src(%arg8 : memref<80x64xf32, #tpu.memory_space<vmem>>) dst(%dma_wait3A_87 : memref<80x64xf32, #tpu.memory_space<vmem_shared>>)
      tpu.yield
    }) : () -> ()
    %mul3A_29 = arith.constant 640 : i32
    %mul3A_30 = arith.muli %arg1, %mul3A_29 : i32
    %add3A_31 = arith.constant 80 : i32
    %add3A_32 = arith.addi %mul3A_30, %add3A_31 : i32
    "tpu.region"() ({
      %run_scoped3A = tpu.sem_alloc : memref<!tpu.dma_semaphore, #tpu.memory_space<semaphore_mem>>
      %dma_start3A_80 = arith.constant 0 : i32
      %dma_start3A_81 = tpu.memref_slice %arg14[%add3A_32, %dma_start3A_80] : memref<10240x64xf32, #tpu.memory_space<vmem_shared>> -> memref<80x64xf32, #tpu.memory_space<vmem_shared>>
      %dma_start3A_82 = arith.constant 0 : i32
      %dma_start3A_83 = tpu.memref_slice %arg14[%add3A_32, %dma_start3A_82] : memref<10240x64xf32, #tpu.memory_space<vmem_shared>> -> memref<80x64xf32, #tpu.memory_space<vmem_shared>>
      tpu.enqueue_dma source(%arg8 : memref<80x64xf32, #tpu.memory_space<vmem>>) target(%dma_start3A_83 : memref<80x64xf32, #tpu.memory_space<vmem_shared>>) target_semaphore(%run_scoped3A : memref<!tpu.dma_semaphore, #tpu.memory_space<semaphore_mem>>)
      %dma_wait3A_84 = arith.constant 0 : i32
      %dma_wait3A_85 = tpu.memref_slice %arg14[%add3A_32, %dma_wait3A_84] : memref<10240x64xf32, #tpu.memory_space<vmem_shared>> -> memref<80x64xf32, #tpu.memory_space<vmem_shared>>
      %dma_wait3A_86 = arith.constant 0 : i32
      %dma_wait3A_87 = tpu.memref_slice %arg14[%add3A_32, %dma_wait3A_86] : memref<10240x64xf32, #tpu.memory_space<vmem_shared>> -> memref<80x64xf32, #tpu.memory_space<vmem_shared>>
      tpu.wait_dma2 semaphore(%run_scoped3A : memref<!tpu.dma_semaphore, #tpu.memory_space<semaphore_mem>>) src(%arg8 : memref<80x64xf32, #tpu.memory_space<vmem>>) dst(%dma_wait3A_87 : memref<80x64xf32, #tpu.memory_space<vmem_shared>>)
      tpu.yield
    }) : () -> ()
    %mul3A_33 = arith.constant 640 : i32
    %mul3A_34 = arith.muli %arg1, %mul3A_33 : i32
    %add3A_35 = arith.constant 160 : i32
    %add3A_36 = arith.addi %mul3A_34, %add3A_35 : i32
    "tpu.region"() ({
      %run_scoped3A = tpu.sem_alloc : memref<!tpu.dma_semaphore, #tpu.memory_space<semaphore_mem>>
      %dma_start3A_80 = arith.constant 0 : i32
      %dma_start3A_81 = tpu.memref_slice %arg14[%add3A_36, %dma_start3A_80] : memref<10240x64xf32, #tpu.memory_space<vmem_shared>> -> memref<80x64xf32, #tpu.memory_space<vmem_shared>>
      %dma_start3A_82 = arith.constant 0 : i32
      %dma_start3A_83 = tpu.memref_slice %arg14[%add3A_36, %dma_start3A_82] : memref<10240x64xf32, #tpu.memory_space<vmem_shared>> -> memref<80x64xf32, #tpu.memory_space<vmem_shared>>
      tpu.enqueue_dma source(%arg8 : memref<80x64xf32, #tpu.memory_space<vmem>>) target(%dma_start3A_83 : memref<80x64xf32, #tpu.memory_space<vmem_shared>>) target_semaphore(%run_scoped3A : memref<!tpu.dma_semaphore, #tpu.memory_space<semaphore_mem>>)
      %dma_wait3A_84 = arith.constant 0 : i32
      %dma_wait3A_85 = tpu.memref_slice %arg14[%add3A_36, %dma_wait3A_84] : memref<10240x64xf32, #tpu.memory_space<vmem_shared>> -> memref<80x64xf32, #tpu.memory_space<vmem_shared>>
      %dma_wait3A_86 = arith.constant 0 : i32
      %dma_wait3A_87 = tpu.memref_slice %arg14[%add3A_36, %dma_wait3A_86] : memref<10240x64xf32, #tpu.memory_space<vmem_shared>> -> memref<80x64xf32, #tpu.memory_space<vmem_shared>>
      tpu.wait_dma2 semaphore(%run_scoped3A : memref<!tpu.dma_semaphore, #tpu.memory_space<semaphore_mem>>) src(%arg8 : memref<80x64xf32, #tpu.memory_space<vmem>>) dst(%dma_wait3A_87 : memref<80x64xf32, #tpu.memory_space<vmem_shared>>)
      tpu.yield
    }) : () -> ()
    %mul3A_37 = arith.constant 640 : i32
    %mul3A_38 = arith.muli %arg1, %mul3A_37 : i32
    %add3A_39 = arith.constant 240 : i32
    %add3A_40 = arith.addi %mul3A_38, %add3A_39 : i32
    "tpu.region"() ({
      %run_scoped3A = tpu.sem_alloc : memref<!tpu.dma_semaphore, #tpu.memory_space<semaphore_mem>>
      %dma_start3A_80 = arith.constant 0 : i32
      %dma_start3A_81 = tpu.memref_slice %arg14[%add3A_40, %dma_start3A_80] : memref<10240x64xf32, #tpu.memory_space<vmem_shared>> -> memref<80x64xf32, #tpu.memory_space<vmem_shared>>
      %dma_start3A_82 = arith.constant 0 : i32
      %dma_start3A_83 = tpu.memref_slice %arg14[%add3A_40, %dma_start3A_82] : memref<10240x64xf32, #tpu.memory_space<vmem_shared>> -> memref<80x64xf32, #tpu.memory_space<vmem_shared>>
      tpu.enqueue_dma source(%arg8 : memref<80x64xf32, #tpu.memory_space<vmem>>) target(%dma_start3A_83 : memref<80x64xf32, #tpu.memory_space<vmem_shared>>) target_semaphore(%run_scoped3A : memref<!tpu.dma_semaphore, #tpu.memory_space<semaphore_mem>>)
      %dma_wait3A_84 = arith.constant 0 : i32
      %dma_wait3A_85 = tpu.memref_slice %arg14[%add3A_40, %dma_wait3A_84] : memref<10240x64xf32, #tpu.memory_space<vmem_shared>> -> memref<80x64xf32, #tpu.memory_space<vmem_shared>>
      %dma_wait3A_86 = arith.constant 0 : i32
      %dma_wait3A_87 = tpu.memref_slice %arg14[%add3A_40, %dma_wait3A_86] : memref<10240x64xf32, #tpu.memory_space<vmem_shared>> -> memref<80x64xf32, #tpu.memory_space<vmem_shared>>
      tpu.wait_dma2 semaphore(%run_scoped3A : memref<!tpu.dma_semaphore, #tpu.memory_space<semaphore_mem>>) src(%arg8 : memref<80x64xf32, #tpu.memory_space<vmem>>) dst(%dma_wait3A_87 : memref<80x64xf32, #tpu.memory_space<vmem_shared>>)
      tpu.yield
    }) : () -> ()
    %mul3A_41 = arith.constant 640 : i32
    %mul3A_42 = arith.muli %arg1, %mul3A_41 : i32
    %add3A_43 = arith.constant 320 : i32
    %add3A_44 = arith.addi %mul3A_42, %add3A_43 : i32
    "tpu.region"() ({
      %run_scoped3A = tpu.sem_alloc : memref<!tpu.dma_semaphore, #tpu.memory_space<semaphore_mem>>
      %dma_start3A_80 = arith.constant 0 : i32
      %dma_start3A_81 = tpu.memref_slice %arg14[%add3A_44, %dma_start3A_80] : memref<10240x64xf32, #tpu.memory_space<vmem_shared>> -> memref<80x64xf32, #tpu.memory_space<vmem_shared>>
      %dma_start3A_82 = arith.constant 0 : i32
      %dma_start3A_83 = tpu.memref_slice %arg14[%add3A_44, %dma_start3A_82] : memref<10240x64xf32, #tpu.memory_space<vmem_shared>> -> memref<80x64xf32, #tpu.memory_space<vmem_shared>>
      tpu.enqueue_dma source(%arg8 : memref<80x64xf32, #tpu.memory_space<vmem>>) target(%dma_start3A_83 : memref<80x64xf32, #tpu.memory_space<vmem_shared>>) target_semaphore(%run_scoped3A : memref<!tpu.dma_semaphore, #tpu.memory_space<semaphore_mem>>)
      %dma_wait3A_84 = arith.constant 0 : i32
      %dma_wait3A_85 = tpu.memref_slice %arg14[%add3A_44, %dma_wait3A_84] : memref<10240x64xf32, #tpu.memory_space<vmem_shared>> -> memref<80x64xf32, #tpu.memory_space<vmem_shared>>
      %dma_wait3A_86 = arith.constant 0 : i32
      %dma_wait3A_87 = tpu.memref_slice %arg14[%add3A_44, %dma_wait3A_86] : memref<10240x64xf32, #tpu.memory_space<vmem_shared>> -> memref<80x64xf32, #tpu.memory_space<vmem_shared>>
      tpu.wait_dma2 semaphore(%run_scoped3A : memref<!tpu.dma_semaphore, #tpu.memory_space<semaphore_mem>>) src(%arg8 : memref<80x64xf32, #tpu.memory_space<vmem>>) dst(%dma_wait3A_87 : memref<80x64xf32, #tpu.memory_space<vmem_shared>>)
      tpu.yield
    }) : () -> ()
    %mul3A_45 = arith.constant 640 : i32
    %mul3A_46 = arith.muli %arg1, %mul3A_45 : i32
    %add3A_47 = arith.constant 400 : i32
    %add3A_48 = arith.addi %mul3A_46, %add3A_47 : i32
    "tpu.region"() ({
      %run_scoped3A = tpu.sem_alloc : memref<!tpu.dma_semaphore, #tpu.memory_space<semaphore_mem>>
      %dma_start3A_80 = arith.constant 0 : i32
      %dma_start3A_81 = tpu.memref_slice %arg14[%add3A_48, %dma_start3A_80] : memref<10240x64xf32, #tpu.memory_space<vmem_shared>> -> memref<80x64xf32, #tpu.memory_space<vmem_shared>>
      %dma_start3A_82 = arith.constant 0 : i32
      %dma_start3A_83 = tpu.memref_slice %arg14[%add3A_48, %dma_start3A_82] : memref<10240x64xf32, #tpu.memory_space<vmem_shared>> -> memref<80x64xf32, #tpu.memory_space<vmem_shared>>
      tpu.enqueue_dma source(%arg8 : memref<80x64xf32, #tpu.memory_space<vmem>>) target(%dma_start3A_83 : memref<80x64xf32, #tpu.memory_space<vmem_shared>>) target_semaphore(%run_scoped3A : memref<!tpu.dma_semaphore, #tpu.memory_space<semaphore_mem>>)
      %dma_wait3A_84 = arith.constant 0 : i32
      %dma_wait3A_85 = tpu.memref_slice %arg14[%add3A_48, %dma_wait3A_84] : memref<10240x64xf32, #tpu.memory_space<vmem_shared>> -> memref<80x64xf32, #tpu.memory_space<vmem_shared>>
      %dma_wait3A_86 = arith.constant 0 : i32
      %dma_wait3A_87 = tpu.memref_slice %arg14[%add3A_48, %dma_wait3A_86] : memref<10240x64xf32, #tpu.memory_space<vmem_shared>> -> memref<80x64xf32, #tpu.memory_space<vmem_shared>>
      tpu.wait_dma2 semaphore(%run_scoped3A : memref<!tpu.dma_semaphore, #tpu.memory_space<semaphore_mem>>) src(%arg8 : memref<80x64xf32, #tpu.memory_space<vmem>>) dst(%dma_wait3A_87 : memref<80x64xf32, #tpu.memory_space<vmem_shared>>)
      tpu.yield
    }) : () -> ()
    %mul3A_49 = arith.constant 640 : i32
    %mul3A_50 = arith.muli %arg1, %mul3A_49 : i32
    %add3A_51 = arith.constant 480 : i32
    %add3A_52 = arith.addi %mul3A_50, %add3A_51 : i32
    "tpu.region"() ({
      %run_scoped3A = tpu.sem_alloc : memref<!tpu.dma_semaphore, #tpu.memory_space<semaphore_mem>>
      %dma_start3A_80 = arith.constant 0 : i32
      %dma_start3A_81 = tpu.memref_slice %arg14[%add3A_52, %dma_start3A_80] : memref<10240x64xf32, #tpu.memory_space<vmem_shared>> -> memref<80x64xf32, #tpu.memory_space<vmem_shared>>
      %dma_start3A_82 = arith.constant 0 : i32
      %dma_start3A_83 = tpu.memref_slice %arg14[%add3A_52, %dma_start3A_82] : memref<10240x64xf32, #tpu.memory_space<vmem_shared>> -> memref<80x64xf32, #tpu.memory_space<vmem_shared>>
      tpu.enqueue_dma source(%arg8 : memref<80x64xf32, #tpu.memory_space<vmem>>) target(%dma_start3A_83 : memref<80x64xf32, #tpu.memory_space<vmem_shared>>) target_semaphore(%run_scoped3A : memref<!tpu.dma_semaphore, #tpu.memory_space<semaphore_mem>>)
      %dma_wait3A_84 = arith.constant 0 : i32
      %dma_wait3A_85 = tpu.memref_slice %arg14[%add3A_52, %dma_wait3A_84] : memref<10240x64xf32, #tpu.memory_space<vmem_shared>> -> memref<80x64xf32, #tpu.memory_space<vmem_shared>>
      %dma_wait3A_86 = arith.constant 0 : i32
      %dma_wait3A_87 = tpu.memref_slice %arg14[%add3A_52, %dma_wait3A_86] : memref<10240x64xf32, #tpu.memory_space<vmem_shared>> -> memref<80x64xf32, #tpu.memory_space<vmem_shared>>
      tpu.wait_dma2 semaphore(%run_scoped3A : memref<!tpu.dma_semaphore, #tpu.memory_space<semaphore_mem>>) src(%arg8 : memref<80x64xf32, #tpu.memory_space<vmem>>) dst(%dma_wait3A_87 : memref<80x64xf32, #tpu.memory_space<vmem_shared>>)
      tpu.yield
    }) : () -> ()
    %mul3A_53 = arith.constant 640 : i32
    %mul3A_54 = arith.muli %arg1, %mul3A_53 : i32
    %add3A_55 = arith.constant 560 : i32
    %add3A_56 = arith.addi %mul3A_54, %add3A_55 : i32
    "tpu.region"() ({
      %run_scoped3A = tpu.sem_alloc : memref<!tpu.dma_semaphore, #tpu.memory_space<semaphore_mem>>
      %dma_start3A_80 = arith.constant 0 : i32
      %dma_start3A_81 = tpu.memref_slice %arg14[%add3A_56, %dma_start3A_80] : memref<10240x64xf32, #tpu.memory_space<vmem_shared>> -> memref<80x64xf32, #tpu.memory_space<vmem_shared>>
      %dma_start3A_82 = arith.constant 0 : i32
      %dma_start3A_83 = tpu.memref_slice %arg14[%add3A_56, %dma_start3A_82] : memref<10240x64xf32, #tpu.memory_space<vmem_shared>> -> memref<80x64xf32, #tpu.memory_space<vmem_shared>>
      tpu.enqueue_dma source(%arg8 : memref<80x64xf32, #tpu.memory_space<vmem>>) target(%dma_start3A_83 : memref<80x64xf32, #tpu.memory_space<vmem_shared>>) target_semaphore(%run_scoped3A : memref<!tpu.dma_semaphore, #tpu.memory_space<semaphore_mem>>)
      %dma_wait3A_84 = arith.constant 0 : i32
      %dma_wait3A_85 = tpu.memref_slice %arg14[%add3A_56, %dma_wait3A_84] : memref<10240x64xf32, #tpu.memory_space<vmem_shared>> -> memref<80x64xf32, #tpu.memory_space<vmem_shared>>
      %dma_wait3A_86 = arith.constant 0 : i32
      %dma_wait3A_87 = tpu.memref_slice %arg14[%add3A_56, %dma_wait3A_86] : memref<10240x64xf32, #tpu.memory_space<vmem_shared>> -> memref<80x64xf32, #tpu.memory_space<vmem_shared>>
      tpu.wait_dma2 semaphore(%run_scoped3A : memref<!tpu.dma_semaphore, #tpu.memory_space<semaphore_mem>>) src(%arg8 : memref<80x64xf32, #tpu.memory_space<vmem>>) dst(%dma_wait3A_87 : memref<80x64xf32, #tpu.memory_space<vmem_shared>>)
      tpu.yield
    }) : () -> ()
    %barrier3A = arith.constant 0 : index
    tpu.barrier barrier_id(%barrier3A)
    %scan3A_57 = arith.constant 0 : i32
    %scan3A_58 = arith.constant 25 : i32
    %scan3A_59 = arith.addi %scan3A_57, %scan3A_58 : i32
    %scan3A_60 = arith.constant 1 : i32
    scf.for %scan3A_80 = %scan3A_57 to %scan3A_59 step %scan3A_60  : i32 {
      %mul3A_81 = arith.constant 1 : i32
      %mul3A_82 = arith.muli %scan3A_80, %mul3A_81 : i32
      %add3A_83 = arith.constant 0 : i32
      %add3A_84 = arith.addi %add3A_83, %mul3A_82 : i32
      %mul3A_85 = arith.constant 5 : i32
      %mul3A_86 = arith.muli %add3A_84, %mul3A_85 : i32
      %add3A_87 = arith.constant 0 : i32
      %add3A_88 = arith.addi %mul3A_86, %add3A_87 : i32
      %ge3A = arith.constant 2 : i32
      %ge3A_89 = arith.cmpi sge, %add3A_88, %ge3A : i32
      %convert_element_type3A = arith.extui %ge3A_89 : i1 to i32
      %cond3A = arith.constant 0 : i32
      %cond3A_90 = arith.cmpi ne, %convert_element_type3A, %cond3A : i32
      scf.if %cond3A_90 {
        %sub3A = arith.constant 2 : i32
        %sub3A_221 = arith.subi %add3A_88, %sub3A : i32
        %dma_wait3A_222 = arith.constant 0 : i32
        %dma_wait3A_223 = tpu.memref_slice %arg7[%sub3A_221, %dma_wait3A_222] : memref<125x80xi32, #tpu.memory_space<vmem>> -> memref<1x80xi32, #tpu.memory_space<vmem>>
        %dma_wait3A_224 = tpu.memref_squeeze %dma_wait3A_223 : memref<1x80xi32, #tpu.memory_space<vmem>> -> memref<80xi32, #tpu.memory_space<vmem>>
        %dma_wait3A_225 = arith.constant 0 : i32
        %dma_wait3A_226 = arith.constant 0 : i32
        %dma_wait3A_227 = tpu.memref_slice %arg14[%dma_wait3A_225, %dma_wait3A_226] : memref<10240x64xf32, #tpu.memory_space<vmem_shared>> -> memref<10240x64xf32, #tpu.memory_space<vmem_shared>>
        tpu.wait_indirect_dma semaphore(%arg23 : memref<!tpu.dma_semaphore, #tpu.memory_space<semaphore_mem>>) src(%arg12 : memref<80x64xf32, #tpu.memory_space<vmem>>) dst(%dma_wait3A_227 : memref<10240x64xf32, #tpu.memory_space<vmem_shared>>)
      } else {
      }
      %add3A_91 = arith.constant 3 : i32
      %add3A_92 = arith.addi %add3A_88, %add3A_91 : i32
      %lt3A = arith.constant 125 : i32
      %lt3A_93 = arith.cmpi slt, %add3A_92, %lt3A : i32
      %convert_element_type3A_94 = arith.extui %lt3A_93 : i1 to i32
      %cond3A_95 = arith.constant 0 : i32
      %cond3A_96 = arith.cmpi ne, %convert_element_type3A_94, %cond3A_95 : i32
      scf.if %cond3A_96 {
        %add3A_221 = arith.constant 3 : i32
        %add3A_222 = arith.addi %add3A_88, %add3A_221 : i32
        %dma_start3A_223 = arith.constant 0 : i32
        %dma_start3A_224 = tpu.memref_slice %arg6[%add3A_222, %dma_start3A_223] : memref<125x80xi32, #tpu.memory_space<vmem>> -> memref<1x80xi32, #tpu.memory_space<vmem>>
        %dma_start3A_225 = tpu.memref_squeeze %dma_start3A_224 : memref<1x80xi32, #tpu.memory_space<vmem>> -> memref<80xi32, #tpu.memory_space<vmem>>
        %dma_start3A_226 = arith.constant 0 : i32
        %dma_start3A_227 = arith.constant 0 : i32
        %dma_start3A_228 = tpu.memref_slice %arg2[%dma_start3A_226, %dma_start3A_227] : memref<10000x64xf32, #tpu.memory_space<hbm>> -> memref<10000x64xf32, #tpu.memory_space<hbm>>
        tpu.enqueue_indirect_dma source(%dma_start3A_228 : memref<10000x64xf32, #tpu.memory_space<hbm>>) target(%arg12 : memref<80x64xf32, #tpu.memory_space<vmem>>) offsets(%dma_start3A_225 : memref<80xi32, #tpu.memory_space<vmem>>) semaphore(%arg18 : memref<!tpu.dma_semaphore, #tpu.memory_space<semaphore_mem>>)
      } else {
      }
      %dma_wait3A_97 = arith.constant 0 : i32
      %dma_wait3A_98 = tpu.memref_slice %arg6[%add3A_88, %dma_wait3A_97] : memref<125x80xi32, #tpu.memory_space<vmem>> -> memref<1x80xi32, #tpu.memory_space<vmem>>
      %dma_wait3A_99 = tpu.memref_squeeze %dma_wait3A_98 : memref<1x80xi32, #tpu.memory_space<vmem>> -> memref<80xi32, #tpu.memory_space<vmem>>
      %dma_wait3A_100 = arith.constant 0 : i32
      %dma_wait3A_101 = arith.constant 0 : i32
      %dma_wait3A_102 = tpu.memref_slice %arg2[%dma_wait3A_100, %dma_wait3A_101] : memref<10000x64xf32, #tpu.memory_space<hbm>> -> memref<10000x64xf32, #tpu.memory_space<hbm>>
      tpu.wait_indirect_dma semaphore(%arg15 : memref<!tpu.dma_semaphore, #tpu.memory_space<semaphore_mem>>) src(%dma_wait3A_102 : memref<10000x64xf32, #tpu.memory_space<hbm>>) dst(%arg9 : memref<80x64xf32, #tpu.memory_space<vmem>>)
      %dma_start3A_103 = arith.constant 0 : i32
      %dma_start3A_104 = tpu.memref_slice %arg7[%add3A_88, %dma_start3A_103] : memref<125x80xi32, #tpu.memory_space<vmem>> -> memref<1x80xi32, #tpu.memory_space<vmem>>
      %dma_start3A_105 = tpu.memref_squeeze %dma_start3A_104 : memref<1x80xi32, #tpu.memory_space<vmem>> -> memref<80xi32, #tpu.memory_space<vmem>>
      %dma_start3A_106 = arith.constant 0 : i32
      %dma_start3A_107 = arith.constant 0 : i32
      %dma_start3A_108 = tpu.memref_slice %arg14[%dma_start3A_106, %dma_start3A_107] : memref<10240x64xf32, #tpu.memory_space<vmem_shared>> -> memref<10240x64xf32, #tpu.memory_space<vmem_shared>>
      tpu.enqueue_indirect_dma source(%arg9 : memref<80x64xf32, #tpu.memory_space<vmem>>) target(%dma_start3A_108 : memref<10240x64xf32, #tpu.memory_space<vmem_shared>>) offsets(%dma_start3A_105 : memref<80xi32, #tpu.memory_space<vmem>>) semaphore(%arg20 : memref<!tpu.dma_semaphore, #tpu.memory_space<semaphore_mem>>) {add = true}
      %mul3A_109 = arith.constant 5 : i32
      %mul3A_110 = arith.muli %add3A_84, %mul3A_109 : i32
      %add3A_111 = arith.constant 1 : i32
      %add3A_112 = arith.addi %mul3A_110, %add3A_111 : i32
      %ge3A_113 = arith.constant 2 : i32
      %ge3A_114 = arith.cmpi sge, %add3A_112, %ge3A_113 : i32
      %convert_element_type3A_115 = arith.extui %ge3A_114 : i1 to i32
      %cond3A_116 = arith.constant 0 : i32
      %cond3A_117 = arith.cmpi ne, %convert_element_type3A_115, %cond3A_116 : i32
      scf.if %cond3A_117 {
        %sub3A = arith.constant 2 : i32
        %sub3A_221 = arith.subi %add3A_112, %sub3A : i32
        %dma_wait3A_222 = arith.constant 0 : i32
        %dma_wait3A_223 = tpu.memref_slice %arg7[%sub3A_221, %dma_wait3A_222] : memref<125x80xi32, #tpu.memory_space<vmem>> -> memref<1x80xi32, #tpu.memory_space<vmem>>
        %dma_wait3A_224 = tpu.memref_squeeze %dma_wait3A_223 : memref<1x80xi32, #tpu.memory_space<vmem>> -> memref<80xi32, #tpu.memory_space<vmem>>
        %dma_wait3A_225 = arith.constant 0 : i32
        %dma_wait3A_226 = arith.constant 0 : i32
        %dma_wait3A_227 = tpu.memref_slice %arg14[%dma_wait3A_225, %dma_wait3A_226] : memref<10240x64xf32, #tpu.memory_space<vmem_shared>> -> memref<10240x64xf32, #tpu.memory_space<vmem_shared>>
        tpu.wait_indirect_dma semaphore(%arg24 : memref<!tpu.dma_semaphore, #tpu.memory_space<semaphore_mem>>) src(%arg13 : memref<80x64xf32, #tpu.memory_space<vmem>>) dst(%dma_wait3A_227 : memref<10240x64xf32, #tpu.memory_space<vmem_shared>>)
      } else {
      }
      %add3A_118 = arith.constant 3 : i32
      %add3A_119 = arith.addi %add3A_112, %add3A_118 : i32
      %lt3A_120 = arith.constant 125 : i32
      %lt3A_121 = arith.cmpi slt, %add3A_119, %lt3A_120 : i32
      %convert_element_type3A_122 = arith.extui %lt3A_121 : i1 to i32
      %cond3A_123 = arith.constant 0 : i32
      %cond3A_124 = arith.cmpi ne, %convert_element_type3A_122, %cond3A_123 : i32
      scf.if %cond3A_124 {
        %add3A_221 = arith.constant 3 : i32
        %add3A_222 = arith.addi %add3A_112, %add3A_221 : i32
        %dma_start3A_223 = arith.constant 0 : i32
        %dma_start3A_224 = tpu.memref_slice %arg6[%add3A_222, %dma_start3A_223] : memref<125x80xi32, #tpu.memory_space<vmem>> -> memref<1x80xi32, #tpu.memory_space<vmem>>
        %dma_start3A_225 = tpu.memref_squeeze %dma_start3A_224 : memref<1x80xi32, #tpu.memory_space<vmem>> -> memref<80xi32, #tpu.memory_space<vmem>>
        %dma_start3A_226 = arith.constant 0 : i32
        %dma_start3A_227 = arith.constant 0 : i32
        %dma_start3A_228 = tpu.memref_slice %arg2[%dma_start3A_226, %dma_start3A_227] : memref<10000x64xf32, #tpu.memory_space<hbm>> -> memref<10000x64xf32, #tpu.memory_space<hbm>>
        tpu.enqueue_indirect_dma source(%dma_start3A_228 : memref<10000x64xf32, #tpu.memory_space<hbm>>) target(%arg13 : memref<80x64xf32, #tpu.memory_space<vmem>>) offsets(%dma_start3A_225 : memref<80xi32, #tpu.memory_space<vmem>>) semaphore(%arg19 : memref<!tpu.dma_semaphore, #tpu.memory_space<semaphore_mem>>)
      } else {
      }
      %dma_wait3A_125 = arith.constant 0 : i32
      %dma_wait3A_126 = tpu.memref_slice %arg6[%add3A_112, %dma_wait3A_125] : memref<125x80xi32, #tpu.memory_space<vmem>> -> memref<1x80xi32, #tpu.memory_space<vmem>>
      %dma_wait3A_127 = tpu.memref_squeeze %dma_wait3A_126 : memref<1x80xi32, #tpu.memory_space<vmem>> -> memref<80xi32, #tpu.memory_space<vmem>>
      %dma_wait3A_128 = arith.constant 0 : i32
      %dma_wait3A_129 = arith.constant 0 : i32
      %dma_wait3A_130 = tpu.memref_slice %arg2[%dma_wait3A_128, %dma_wait3A_129] : memref<10000x64xf32, #tpu.memory_space<hbm>> -> memref<10000x64xf32, #tpu.memory_space<hbm>>
      tpu.wait_indirect_dma semaphore(%arg16 : memref<!tpu.dma_semaphore, #tpu.memory_space<semaphore_mem>>) src(%dma_wait3A_130 : memref<10000x64xf32, #tpu.memory_space<hbm>>) dst(%arg10 : memref<80x64xf32, #tpu.memory_space<vmem>>)
      %dma_start3A_131 = arith.constant 0 : i32
      %dma_start3A_132 = tpu.memref_slice %arg7[%add3A_112, %dma_start3A_131] : memref<125x80xi32, #tpu.memory_space<vmem>> -> memref<1x80xi32, #tpu.memory_space<vmem>>
      %dma_start3A_133 = tpu.memref_squeeze %dma_start3A_132 : memref<1x80xi32, #tpu.memory_space<vmem>> -> memref<80xi32, #tpu.memory_space<vmem>>
      %dma_start3A_134 = arith.constant 0 : i32
      %dma_start3A_135 = arith.constant 0 : i32
      %dma_start3A_136 = tpu.memref_slice %arg14[%dma_start3A_134, %dma_start3A_135] : memref<10240x64xf32, #tpu.memory_space<vmem_shared>> -> memref<10240x64xf32, #tpu.memory_space<vmem_shared>>
      tpu.enqueue_indirect_dma source(%arg10 : memref<80x64xf32, #tpu.memory_space<vmem>>) target(%dma_start3A_136 : memref<10240x64xf32, #tpu.memory_space<vmem_shared>>) offsets(%dma_start3A_133 : memref<80xi32, #tpu.memory_space<vmem>>) semaphore(%arg21 : memref<!tpu.dma_semaphore, #tpu.memory_space<semaphore_mem>>) {add = true}
      %mul3A_137 = arith.constant 5 : i32
      %mul3A_138 = arith.muli %add3A_84, %mul3A_137 : i32
      %add3A_139 = arith.constant 2 : i32
      %add3A_140 = arith.addi %mul3A_138, %add3A_139 : i32
      %ge3A_141 = arith.constant 2 : i32
      %ge3A_142 = arith.cmpi sge, %add3A_140, %ge3A_141 : i32
      %convert_element_type3A_143 = arith.extui %ge3A_142 : i1 to i32
      %cond3A_144 = arith.constant 0 : i32
      %cond3A_145 = arith.cmpi ne, %convert_element_type3A_143, %cond3A_144 : i32
      scf.if %cond3A_145 {
        %sub3A = arith.constant 2 : i32
        %sub3A_221 = arith.subi %add3A_140, %sub3A : i32
        %dma_wait3A_222 = arith.constant 0 : i32
        %dma_wait3A_223 = tpu.memref_slice %arg7[%sub3A_221, %dma_wait3A_222] : memref<125x80xi32, #tpu.memory_space<vmem>> -> memref<1x80xi32, #tpu.memory_space<vmem>>
        %dma_wait3A_224 = tpu.memref_squeeze %dma_wait3A_223 : memref<1x80xi32, #tpu.memory_space<vmem>> -> memref<80xi32, #tpu.memory_space<vmem>>
        %dma_wait3A_225 = arith.constant 0 : i32
        %dma_wait3A_226 = arith.constant 0 : i32
        %dma_wait3A_227 = tpu.memref_slice %arg14[%dma_wait3A_225, %dma_wait3A_226] : memref<10240x64xf32, #tpu.memory_space<vmem_shared>> -> memref<10240x64xf32, #tpu.memory_space<vmem_shared>>
        tpu.wait_indirect_dma semaphore(%arg20 : memref<!tpu.dma_semaphore, #tpu.memory_space<semaphore_mem>>) src(%arg9 : memref<80x64xf32, #tpu.memory_space<vmem>>) dst(%dma_wait3A_227 : memref<10240x64xf32, #tpu.memory_space<vmem_shared>>)
      } else {
      }
      %add3A_146 = arith.constant 3 : i32
      %add3A_147 = arith.addi %add3A_140, %add3A_146 : i32
      %lt3A_148 = arith.constant 125 : i32
      %lt3A_149 = arith.cmpi slt, %add3A_147, %lt3A_148 : i32
      %convert_element_type3A_150 = arith.extui %lt3A_149 : i1 to i32
      %cond3A_151 = arith.constant 0 : i32
      %cond3A_152 = arith.cmpi ne, %convert_element_type3A_150, %cond3A_151 : i32
      scf.if %cond3A_152 {
        %add3A_221 = arith.constant 3 : i32
        %add3A_222 = arith.addi %add3A_140, %add3A_221 : i32
        %dma_start3A_223 = arith.constant 0 : i32
        %dma_start3A_224 = tpu.memref_slice %arg6[%add3A_222, %dma_start3A_223] : memref<125x80xi32, #tpu.memory_space<vmem>> -> memref<1x80xi32, #tpu.memory_space<vmem>>
        %dma_start3A_225 = tpu.memref_squeeze %dma_start3A_224 : memref<1x80xi32, #tpu.memory_space<vmem>> -> memref<80xi32, #tpu.memory_space<vmem>>
        %dma_start3A_226 = arith.constant 0 : i32
        %dma_start3A_227 = arith.constant 0 : i32
        %dma_start3A_228 = tpu.memref_slice %arg2[%dma_start3A_226, %dma_start3A_227] : memref<10000x64xf32, #tpu.memory_space<hbm>> -> memref<10000x64xf32, #tpu.memory_space<hbm>>
        tpu.enqueue_indirect_dma source(%dma_start3A_228 : memref<10000x64xf32, #tpu.memory_space<hbm>>) target(%arg9 : memref<80x64xf32, #tpu.memory_space<vmem>>) offsets(%dma_start3A_225 : memref<80xi32, #tpu.memory_space<vmem>>) semaphore(%arg15 : memref<!tpu.dma_semaphore, #tpu.memory_space<semaphore_mem>>)
      } else {
      }
      %dma_wait3A_153 = arith.constant 0 : i32
      %dma_wait3A_154 = tpu.memref_slice %arg6[%add3A_140, %dma_wait3A_153] : memref<125x80xi32, #tpu.memory_space<vmem>> -> memref<1x80xi32, #tpu.memory_space<vmem>>
      %dma_wait3A_155 = tpu.memref_squeeze %dma_wait3A_154 : memref<1x80xi32, #tpu.memory_space<vmem>> -> memref<80xi32, #tpu.memory_space<vmem>>
      %dma_wait3A_156 = arith.constant 0 : i32
      %dma_wait3A_157 = arith.constant 0 : i32
      %dma_wait3A_158 = tpu.memref_slice %arg2[%dma_wait3A_156, %dma_wait3A_157] : memref<10000x64xf32, #tpu.memory_space<hbm>> -> memref<10000x64xf32, #tpu.memory_space<hbm>>
      tpu.wait_indirect_dma semaphore(%arg17 : memref<!tpu.dma_semaphore, #tpu.memory_space<semaphore_mem>>) src(%dma_wait3A_158 : memref<10000x64xf32, #tpu.memory_space<hbm>>) dst(%arg11 : memref<80x64xf32, #tpu.memory_space<vmem>>)
      %dma_start3A_159 = arith.constant 0 : i32
      %dma_start3A_160 = tpu.memref_slice %arg7[%add3A_140, %dma_start3A_159] : memref<125x80xi32, #tpu.memory_space<vmem>> -> memref<1x80xi32, #tpu.memory_space<vmem>>
      %dma_start3A_161 = tpu.memref_squeeze %dma_start3A_160 : memref<1x80xi32, #tpu.memory_space<vmem>> -> memref<80xi32, #tpu.memory_space<vmem>>
      %dma_start3A_162 = arith.constant 0 : i32
      %dma_start3A_163 = arith.constant 0 : i32
      %dma_start3A_164 = tpu.memref_slice %arg14[%dma_start3A_162, %dma_start3A_163] : memref<10240x64xf32, #tpu.memory_space<vmem_shared>> -> memref<10240x64xf32, #tpu.memory_space<vmem_shared>>
      tpu.enqueue_indirect_dma source(%arg11 : memref<80x64xf32, #tpu.memory_space<vmem>>) target(%dma_start3A_164 : memref<10240x64xf32, #tpu.memory_space<vmem_shared>>) offsets(%dma_start3A_161 : memref<80xi32, #tpu.memory_space<vmem>>) semaphore(%arg22 : memref<!tpu.dma_semaphore, #tpu.memory_space<semaphore_mem>>) {add = true}
      %mul3A_165 = arith.constant 5 : i32
      %mul3A_166 = arith.muli %add3A_84, %mul3A_165 : i32
      %add3A_167 = arith.constant 3 : i32
      %add3A_168 = arith.addi %mul3A_166, %add3A_167 : i32
      %ge3A_169 = arith.constant 2 : i32
      %ge3A_170 = arith.cmpi sge, %add3A_168, %ge3A_169 : i32
      %convert_element_type3A_171 = arith.extui %ge3A_170 : i1 to i32
      %cond3A_172 = arith.constant 0 : i32
      %cond3A_173 = arith.cmpi ne, %convert_element_type3A_171, %cond3A_172 : i32
      scf.if %cond3A_173 {
        %sub3A = arith.constant 2 : i32
        %sub3A_221 = arith.subi %add3A_168, %sub3A : i32
        %dma_wait3A_222 = arith.constant 0 : i32
        %dma_wait3A_223 = tpu.memref_slice %arg7[%sub3A_221, %dma_wait3A_222] : memref<125x80xi32, #tpu.memory_space<vmem>> -> memref<1x80xi32, #tpu.memory_space<vmem>>
        %dma_wait3A_224 = tpu.memref_squeeze %dma_wait3A_223 : memref<1x80xi32, #tpu.memory_space<vmem>> -> memref<80xi32, #tpu.memory_space<vmem>>
        %dma_wait3A_225 = arith.constant 0 : i32
        %dma_wait3A_226 = arith.constant 0 : i32
        %dma_wait3A_227 = tpu.memref_slice %arg14[%dma_wait3A_225, %dma_wait3A_226] : memref<10240x64xf32, #tpu.memory_space<vmem_shared>> -> memref<10240x64xf32, #tpu.memory_space<vmem_shared>>
        tpu.wait_indirect_dma semaphore(%arg21 : memref<!tpu.dma_semaphore, #tpu.memory_space<semaphore_mem>>) src(%arg10 : memref<80x64xf32, #tpu.memory_space<vmem>>) dst(%dma_wait3A_227 : memref<10240x64xf32, #tpu.memory_space<vmem_shared>>)
      } else {
      }
      %add3A_174 = arith.constant 3 : i32
      %add3A_175 = arith.addi %add3A_168, %add3A_174 : i32
      %lt3A_176 = arith.constant 125 : i32
      %lt3A_177 = arith.cmpi slt, %add3A_175, %lt3A_176 : i32
      %convert_element_type3A_178 = arith.extui %lt3A_177 : i1 to i32
      %cond3A_179 = arith.constant 0 : i32
      %cond3A_180 = arith.cmpi ne, %convert_element_type3A_178, %cond3A_179 : i32
      scf.if %cond3A_180 {
        %add3A_221 = arith.constant 3 : i32
        %add3A_222 = arith.addi %add3A_168, %add3A_221 : i32
        %dma_start3A_223 = arith.constant 0 : i32
        %dma_start3A_224 = tpu.memref_slice %arg6[%add3A_222, %dma_start3A_223] : memref<125x80xi32, #tpu.memory_space<vmem>> -> memref<1x80xi32, #tpu.memory_space<vmem>>
        %dma_start3A_225 = tpu.memref_squeeze %dma_start3A_224 : memref<1x80xi32, #tpu.memory_space<vmem>> -> memref<80xi32, #tpu.memory_space<vmem>>
        %dma_start3A_226 = arith.constant 0 : i32
        %dma_start3A_227 = arith.constant 0 : i32
        %dma_start3A_228 = tpu.memref_slice %arg2[%dma_start3A_226, %dma_start3A_227] : memref<10000x64xf32, #tpu.memory_space<hbm>> -> memref<10000x64xf32, #tpu.memory_space<hbm>>
        tpu.enqueue_indirect_dma source(%dma_start3A_228 : memref<10000x64xf32, #tpu.memory_space<hbm>>) target(%arg10 : memref<80x64xf32, #tpu.memory_space<vmem>>) offsets(%dma_start3A_225 : memref<80xi32, #tpu.memory_space<vmem>>) semaphore(%arg16 : memref<!tpu.dma_semaphore, #tpu.memory_space<semaphore_mem>>)
      } else {
      }
      %dma_wait3A_181 = arith.constant 0 : i32
      %dma_wait3A_182 = tpu.memref_slice %arg6[%add3A_168, %dma_wait3A_181] : memref<125x80xi32, #tpu.memory_space<vmem>> -> memref<1x80xi32, #tpu.memory_space<vmem>>
      %dma_wait3A_183 = tpu.memref_squeeze %dma_wait3A_182 : memref<1x80xi32, #tpu.memory_space<vmem>> -> memref<80xi32, #tpu.memory_space<vmem>>
      %dma_wait3A_184 = arith.constant 0 : i32
      %dma_wait3A_185 = arith.constant 0 : i32
      %dma_wait3A_186 = tpu.memref_slice %arg2[%dma_wait3A_184, %dma_wait3A_185] : memref<10000x64xf32, #tpu.memory_space<hbm>> -> memref<10000x64xf32, #tpu.memory_space<hbm>>
      tpu.wait_indirect_dma semaphore(%arg18 : memref<!tpu.dma_semaphore, #tpu.memory_space<semaphore_mem>>) src(%dma_wait3A_186 : memref<10000x64xf32, #tpu.memory_space<hbm>>) dst(%arg12 : memref<80x64xf32, #tpu.memory_space<vmem>>)
      %dma_start3A_187 = arith.constant 0 : i32
      %dma_start3A_188 = tpu.memref_slice %arg7[%add3A_168, %dma_start3A_187] : memref<125x80xi32, #tpu.memory_space<vmem>> -> memref<1x80xi32, #tpu.memory_space<vmem>>
      %dma_start3A_189 = tpu.memref_squeeze %dma_start3A_188 : memref<1x80xi32, #tpu.memory_space<vmem>> -> memref<80xi32, #tpu.memory_space<vmem>>
      %dma_start3A_190 = arith.constant 0 : i32
      %dma_start3A_191 = arith.constant 0 : i32
      %dma_start3A_192 = tpu.memref_slice %arg14[%dma_start3A_190, %dma_start3A_191] : memref<10240x64xf32, #tpu.memory_space<vmem_shared>> -> memref<10240x64xf32, #tpu.memory_space<vmem_shared>>
      tpu.enqueue_indirect_dma source(%arg12 : memref<80x64xf32, #tpu.memory_space<vmem>>) target(%dma_start3A_192 : memref<10240x64xf32, #tpu.memory_space<vmem_shared>>) offsets(%dma_start3A_189 : memref<80xi32, #tpu.memory_space<vmem>>) semaphore(%arg23 : memref<!tpu.dma_semaphore, #tpu.memory_space<semaphore_mem>>) {add = true}
      %mul3A_193 = arith.constant 5 : i32
      %mul3A_194 = arith.muli %add3A_84, %mul3A_193 : i32
      %add3A_195 = arith.constant 4 : i32
      %add3A_196 = arith.addi %mul3A_194, %add3A_195 : i32
      %ge3A_197 = arith.constant 2 : i32
      %ge3A_198 = arith.cmpi sge, %add3A_196, %ge3A_197 : i32
      %convert_element_type3A_199 = arith.extui %ge3A_198 : i1 to i32
      %cond3A_200 = arith.constant 0 : i32
      %cond3A_201 = arith.cmpi ne, %convert_element_type3A_199, %cond3A_200 : i32
      scf.if %cond3A_201 {
        %sub3A = arith.constant 2 : i32
        %sub3A_221 = arith.subi %add3A_196, %sub3A : i32
        %dma_wait3A_222 = arith.constant 0 : i32
        %dma_wait3A_223 = tpu.memref_slice %arg7[%sub3A_221, %dma_wait3A_222] : memref<125x80xi32, #tpu.memory_space<vmem>> -> memref<1x80xi32, #tpu.memory_space<vmem>>
        %dma_wait3A_224 = tpu.memref_squeeze %dma_wait3A_223 : memref<1x80xi32, #tpu.memory_space<vmem>> -> memref<80xi32, #tpu.memory_space<vmem>>
        %dma_wait3A_225 = arith.constant 0 : i32
        %dma_wait3A_226 = arith.constant 0 : i32
        %dma_wait3A_227 = tpu.memref_slice %arg14[%dma_wait3A_225, %dma_wait3A_226] : memref<10240x64xf32, #tpu.memory_space<vmem_shared>> -> memref<10240x64xf32, #tpu.memory_space<vmem_shared>>
        tpu.wait_indirect_dma semaphore(%arg22 : memref<!tpu.dma_semaphore, #tpu.memory_space<semaphore_mem>>) src(%arg11 : memref<80x64xf32, #tpu.memory_space<vmem>>) dst(%dma_wait3A_227 : memref<10240x64xf32, #tpu.memory_space<vmem_shared>>)
      } else {
      }
      %add3A_202 = arith.constant 3 : i32
      %add3A_203 = arith.addi %add3A_196, %add3A_202 : i32
      %lt3A_204 = arith.constant 125 : i32
      %lt3A_205 = arith.cmpi slt, %add3A_203, %lt3A_204 : i32
      %convert_element_type3A_206 = arith.extui %lt3A_205 : i1 to i32
      %cond3A_207 = arith.constant 0 : i32
      %cond3A_208 = arith.cmpi ne, %convert_element_type3A_206, %cond3A_207 : i32
      scf.if %cond3A_208 {
        %add3A_221 = arith.constant 3 : i32
        %add3A_222 = arith.addi %add3A_196, %add3A_221 : i32
        %dma_start3A_223 = arith.constant 0 : i32
        %dma_start3A_224 = tpu.memref_slice %arg6[%add3A_222, %dma_start3A_223] : memref<125x80xi32, #tpu.memory_space<vmem>> -> memref<1x80xi32, #tpu.memory_space<vmem>>
        %dma_start3A_225 = tpu.memref_squeeze %dma_start3A_224 : memref<1x80xi32, #tpu.memory_space<vmem>> -> memref<80xi32, #tpu.memory_space<vmem>>
        %dma_start3A_226 = arith.constant 0 : i32
        %dma_start3A_227 = arith.constant 0 : i32
        %dma_start3A_228 = tpu.memref_slice %arg2[%dma_start3A_226, %dma_start3A_227] : memref<10000x64xf32, #tpu.memory_space<hbm>> -> memref<10000x64xf32, #tpu.memory_space<hbm>>
        tpu.enqueue_indirect_dma source(%dma_start3A_228 : memref<10000x64xf32, #tpu.memory_space<hbm>>) target(%arg11 : memref<80x64xf32, #tpu.memory_space<vmem>>) offsets(%dma_start3A_225 : memref<80xi32, #tpu.memory_space<vmem>>) semaphore(%arg17 : memref<!tpu.dma_semaphore, #tpu.memory_space<semaphore_mem>>)
      } else {
      }
      %dma_wait3A_209 = arith.constant 0 : i32
      %dma_wait3A_210 = tpu.memref_slice %arg6[%add3A_196, %dma_wait3A_209] : memref<125x80xi32, #tpu.memory_space<vmem>> -> memref<1x80xi32, #tpu.memory_space<vmem>>
      %dma_wait3A_211 = tpu.memref_squeeze %dma_wait3A_210 : memref<1x80xi32, #tpu.memory_space<vmem>> -> memref<80xi32, #tpu.memory_space<vmem>>
      %dma_wait3A_212 = arith.constant 0 : i32
      %dma_wait3A_213 = arith.constant 0 : i32
      %dma_wait3A_214 = tpu.memref_slice %arg2[%dma_wait3A_212, %dma_wait3A_213] : memref<10000x64xf32, #tpu.memory_space<hbm>> -> memref<10000x64xf32, #tpu.memory_space<hbm>>
      tpu.wait_indirect_dma semaphore(%arg19 : memref<!tpu.dma_semaphore, #tpu.memory_space<semaphore_mem>>) src(%dma_wait3A_214 : memref<10000x64xf32, #tpu.memory_space<hbm>>) dst(%arg13 : memref<80x64xf32, #tpu.memory_space<vmem>>)
      %dma_start3A_215 = arith.constant 0 : i32
      %dma_start3A_216 = tpu.memref_slice %arg7[%add3A_196, %dma_start3A_215] : memref<125x80xi32, #tpu.memory_space<vmem>> -> memref<1x80xi32, #tpu.memory_space<vmem>>
      %dma_start3A_217 = tpu.memref_squeeze %dma_start3A_216 : memref<1x80xi32, #tpu.memory_space<vmem>> -> memref<80xi32, #tpu.memory_space<vmem>>
      %dma_start3A_218 = arith.constant 0 : i32
      %dma_start3A_219 = arith.constant 0 : i32
      %dma_start3A_220 = tpu.memref_slice %arg14[%dma_start3A_218, %dma_start3A_219] : memref<10240x64xf32, #tpu.memory_space<vmem_shared>> -> memref<10240x64xf32, #tpu.memory_space<vmem_shared>>
      tpu.enqueue_indirect_dma source(%arg13 : memref<80x64xf32, #tpu.memory_space<vmem>>) target(%dma_start3A_220 : memref<10240x64xf32, #tpu.memory_space<vmem_shared>>) offsets(%dma_start3A_217 : memref<80xi32, #tpu.memory_space<vmem>>) semaphore(%arg24 : memref<!tpu.dma_semaphore, #tpu.memory_space<semaphore_mem>>) {add = true}
    }
    %scan3A_61 = arith.constant 25 : i32
    %dma_wait3A = arith.constant 123 : i32
    %dma_wait3A_62 = arith.constant 0 : i32
    %dma_wait3A_63 = tpu.memref_slice %arg7[%dma_wait3A, %dma_wait3A_62] : memref<125x80xi32, #tpu.memory_space<vmem>> -> memref<1x80xi32, #tpu.memory_space<vmem>>
    %dma_wait3A_64 = tpu.memref_squeeze %dma_wait3A_63 : memref<1x80xi32, #tpu.memory_space<vmem>> -> memref<80xi32, #tpu.memory_space<vmem>>
    %dma_wait3A_65 = arith.constant 0 : i32
    %dma_wait3A_66 = arith.constant 0 : i32
    %dma_wait3A_67 = tpu.memref_slice %arg14[%dma_wait3A_65, %dma_wait3A_66] : memref<10240x64xf32, #tpu.memory_space<vmem_shared>> -> memref<10240x64xf32, #tpu.memory_space<vmem_shared>>
    tpu.wait_indirect_dma semaphore(%arg23 : memref<!tpu.dma_semaphore, #tpu.memory_space<semaphore_mem>>) src(%arg12 : memref<80x64xf32, #tpu.memory_space<vmem>>) dst(%dma_wait3A_67 : memref<10240x64xf32, #tpu.memory_space<vmem_shared>>)
    %dma_wait3A_68 = arith.constant 124 : i32
    %dma_wait3A_69 = arith.constant 0 : i32
    %dma_wait3A_70 = tpu.memref_slice %arg7[%dma_wait3A_68, %dma_wait3A_69] : memref<125x80xi32, #tpu.memory_space<vmem>> -> memref<1x80xi32, #tpu.memory_space<vmem>>
    %dma_wait3A_71 = tpu.memref_squeeze %dma_wait3A_70 : memref<1x80xi32, #tpu.memory_space<vmem>> -> memref<80xi32, #tpu.memory_space<vmem>>
    %dma_wait3A_72 = arith.constant 0 : i32
    %dma_wait3A_73 = arith.constant 0 : i32
    %dma_wait3A_74 = tpu.memref_slice %arg14[%dma_wait3A_72, %dma_wait3A_73] : memref<10240x64xf32, #tpu.memory_space<vmem_shared>> -> memref<10240x64xf32, #tpu.memory_space<vmem_shared>>
    tpu.wait_indirect_dma semaphore(%arg24 : memref<!tpu.dma_semaphore, #tpu.memory_space<semaphore_mem>>) src(%arg13 : memref<80x64xf32, #tpu.memory_space<vmem>>) dst(%dma_wait3A_74 : memref<10240x64xf32, #tpu.memory_space<vmem_shared>>)
    %barrier3A_75 = arith.constant 0 : index
    tpu.barrier barrier_id(%barrier3A_75)
    %mul3A_76 = arith.constant 640 : i32
    %mul3A_77 = arith.muli %arg1, %mul3A_76 : i32
    %mul3A_78 = arith.constant 640 : i32
    %mul3A_79 = arith.muli %arg1, %mul3A_78 : i32
    "tpu.region"() ({
      %run_scoped3A = tpu.sem_alloc : memref<!tpu.dma_semaphore, #tpu.memory_space<semaphore_mem>>
      %dma_start3A_80 = arith.constant 0 : i32
      %dma_start3A_81 = tpu.memref_slice %arg5[%arg0, %mul3A_79, %dma_start3A_80] : memref<2x10240x64xf32, #tpu.memory_space<hbm>> -> memref<1x640x64xf32, #tpu.memory_space<hbm>>
      %dma_start3A_82 = tpu.memref_squeeze %dma_start3A_81 : memref<1x640x64xf32, #tpu.memory_space<hbm>> -> memref<640x64xf32, #tpu.memory_space<hbm>>
      %dma_start3A_83 = arith.constant 0 : i32
      %dma_start3A_84 = tpu.memref_slice %arg14[%mul3A_77, %dma_start3A_83] : memref<10240x64xf32, #tpu.memory_space<vmem_shared>> -> memref<640x64xf32, #tpu.memory_space<vmem_shared>>
      tpu.enqueue_dma source(%dma_start3A_84 : memref<640x64xf32, #tpu.memory_space<vmem_shared>>) target(%dma_start3A_82 : memref<640x64xf32, #tpu.memory_space<hbm>>) target_semaphore(%run_scoped3A : memref<!tpu.dma_semaphore, #tpu.memory_space<semaphore_mem>>)
      %dma_wait3A_85 = arith.constant 0 : i32
      %dma_wait3A_86 = tpu.memref_slice %arg5[%arg0, %mul3A_79, %dma_wait3A_85] : memref<2x10240x64xf32, #tpu.memory_space<hbm>> -> memref<1x640x64xf32, #tpu.memory_space<hbm>>
      %dma_wait3A_87 = tpu.memref_squeeze %dma_wait3A_86 : memref<1x640x64xf32, #tpu.memory_space<hbm>> -> memref<640x64xf32, #tpu.memory_space<hbm>>
      %dma_wait3A_88 = arith.constant 0 : i32
      %dma_wait3A_89 = tpu.memref_slice %arg14[%mul3A_77, %dma_wait3A_88] : memref<10240x64xf32, #tpu.memory_space<vmem_shared>> -> memref<640x64xf32, #tpu.memory_space<vmem_shared>>
      tpu.wait_dma2 semaphore(%run_scoped3A : memref<!tpu.dma_semaphore, #tpu.memory_space<semaphore_mem>>) src(%dma_wait3A_89 : memref<640x64xf32, #tpu.memory_space<vmem_shared>>) dst(%dma_wait3A_87 : memref<640x64xf32, #tpu.memory_space<hbm>>)
      tpu.yield
    }) : () -> ()
    return
  }
}

module attributes {stable_mosaic.version = 14 : i64} {
  func.func @_mm1_body(%arg0: i32, %arg1: memref<2000x128xf32, #tpu.memory_space<vmem>>, %arg2: memref<128x64xf32, #tpu.memory_space<vmem>>, %arg3: memref<2000x1xi32, #tpu.memory_space<vmem>>, %arg4: memref<2000x64xf32, #tpu.memory_space<vmem>>, %arg5: memref<64x64xf32, #tpu.memory_space<vmem>>, %arg6: memref<64x64xf32, #tpu.memory_space<vmem>>) attributes {dimension_semantics = [#tpu.dimension_semantics<arbitrary>], iteration_bounds = array<i64: 5>, scalar_prefetch = 0 : i64, scratch_operands = 1 : i64, tpu.core_type = #tpu.core_type<tc>, window_params = [{transform_indices = @transform_0, window_bounds = array<i64: 2000, 128>}, {pipeline_mode = #tpu.pipeline_mode<synchronous>, transform_indices = @transform_1, window_bounds = array<i64: 128, 64>}, {transform_indices = @transform_2, window_bounds = array<i64: 2000, 1>}, {transform_indices = @transform_3, window_bounds = array<i64: 2000, 64>}, {pipeline_mode = #tpu.pipeline_mode<synchronous>, transform_indices = @transform_4, window_bounds = array<i64: 64, 64>}]} {
    %eq3A = arith.constant 0 : i32
    %eq3A_0 = arith.cmpi eq, %arg0, %eq3A : i32
    %convert_element_type3A = arith.extui %eq3A_0 : i1 to i32
    %cond3A = arith.constant 0 : i32
    %cond3A_1 = arith.cmpi ne, %convert_element_type3A, %cond3A : i32
    scf.if %cond3A_1 {
      %broadcast_in_dim3A_32 = arith.constant 0.000000e+00 : f32
      %broadcast_in_dim3A_33 = vector.broadcast %broadcast_in_dim3A_32 : f32 to vector<64x64xf32>
      %swap3A_34 = arith.constant 0 : index
      %swap3A_35 = arith.constant 0 : index
      %swap3A_36 = vector.load %arg6[%swap3A_34, %swap3A_35] : memref<64x64xf32, #tpu.memory_space<vmem>>, vector<64x64xf32>
      tpu.vector_store %arg6[%swap3A_34, %swap3A_35], %broadcast_in_dim3A_33 {strides = array<i32>} : memref<64x64xf32, #tpu.memory_space<vmem>>, vector<64x64xf32>,
    } else {
    }
    %get3A = arith.constant 0 : index
    %get3A_2 = arith.constant 0 : index
    %get3A_3 = vector.load %arg1[%get3A, %get3A_2] : memref<2000x128xf32, #tpu.memory_space<vmem>>, vector<2000x128xf32>
    %get3A_4 = arith.constant 0 : index
    %get3A_5 = arith.constant 0 : index
    %get3A_6 = vector.load %arg2[%get3A_4, %get3A_5] : memref<128x64xf32, #tpu.memory_space<vmem>>, vector<128x64xf32>
    %dot_general3A = arith.constant dense<0.000000e+00> : vector<2000x64xf32>
    %dot_general3A_7 = tpu.matmul %get3A_3, %get3A_6, %dot_general3A {dimension_numbers = #tpu.dot_dimension_numbers<[1], [0], [0], [1], [0, 0, 1, 1], [], []>, transpose_lhs_hint = false} : vector<2000x128xf32>, vector<128x64xf32>, vector<2000x64xf32> -> vector<2000x64xf32>
    %swap3A = arith.constant 0 : index
    %swap3A_8 = arith.constant 0 : index
    %swap3A_9 = vector.load %arg4[%swap3A, %swap3A_8] : memref<2000x64xf32, #tpu.memory_space<vmem>>, vector<2000x64xf32>
    tpu.vector_store %arg4[%swap3A, %swap3A_8], %dot_general3A_7 {strides = array<i32>} : memref<2000x64xf32, #tpu.memory_space<vmem>>, vector<2000x64xf32>,
    %get3A_10 = arith.constant 0 : index
    %get3A_11 = arith.constant 0 : index
    %get3A_12 = vector.load %arg3[%get3A_10, %get3A_11] : memref<2000x1xi32, #tpu.memory_space<vmem>>, vector<2000x1xi32>
    %iota3A = tpu.iota {dimensions = array<i32: 1>} : vector<1x64xi32>
    %eq3A_13 = vector.broadcast %get3A_12 : vector<2000x1xi32> to vector<2000x64xi32>
    %eq3A_14 = vector.broadcast %iota3A : vector<1x64xi32> to vector<2000x64xi32>
    %eq3A_15 = arith.cmpi eq, %eq3A_13, %eq3A_14 : vector<2000x64xi32>
    %convert_element_type3A_16 = arith.extui %eq3A_15 : vector<2000x64xi1> to vector<2000x64xi32>
    %convert_element_type3A_17 = arith.sitofp %convert_element_type3A_16 : vector<2000x64xi32> to vector<2000x64xf32>
    %get3A_18 = arith.constant 0 : index
    %get3A_19 = arith.constant 0 : index
    %get3A_20 = vector.load %arg6[%get3A_18, %get3A_19] : memref<64x64xf32, #tpu.memory_space<vmem>>, vector<64x64xf32>
    %broadcast_in_dim3A = arith.constant 1.000000e+00 : f32
    %broadcast_in_dim3A_21 = vector.broadcast %broadcast_in_dim3A : f32 to vector<2000x64xf32>
    %dot_general3A_22 = arith.constant dense<0.000000e+00> : vector<64x64xf32>
    %dot_general3A_23 = tpu.matmul %convert_element_type3A_17, %broadcast_in_dim3A_21, %dot_general3A_22 {dimension_numbers = #tpu.dot_dimension_numbers<[0], [0], [1], [1], [0, 1, 1, 1], [], []>, transpose_lhs_hint = false} : vector<2000x64xf32>, vector<2000x64xf32>, vector<64x64xf32> -> vector<64x64xf32>
    %add3A = arith.addf %get3A_20, %dot_general3A_23 : vector<64x64xf32>
    %swap3A_24 = arith.constant 0 : index
    %swap3A_25 = arith.constant 0 : index
    %swap3A_26 = vector.load %arg6[%swap3A_24, %swap3A_25] : memref<64x64xf32, #tpu.memory_space<vmem>>, vector<64x64xf32>
    tpu.vector_store %arg6[%swap3A_24, %swap3A_25], %add3A {strides = array<i32>} : memref<64x64xf32, #tpu.memory_space<vmem>>, vector<64x64xf32>,
    %eq3A_27 = arith.constant 4 : i32
    %eq3A_28 = arith.cmpi eq, %arg0, %eq3A_27 : i32
    %convert_element_type3A_29 = arith.extui %eq3A_28 : i1 to i32
    %cond3A_30 = arith.constant 0 : i32
    %cond3A_31 = arith.cmpi ne, %convert_element_type3A_29, %cond3A_30 : i32
    scf.if %cond3A_31 {
      %get3A_32 = arith.constant 0 : index
      %get3A_33 = arith.constant 0 : index
      %get3A_34 = vector.load %arg6[%get3A_32, %get3A_33] : memref<64x64xf32, #tpu.memory_space<vmem>>, vector<64x64xf32>
      %max3A = arith.constant 1.000000e+00 : f32
      %max3A_35 = vector.broadcast %max3A : f32 to vector<64x64xf32>
      %max3A_36 = arith.maximumf %get3A_34, %max3A_35 : vector<64x64xf32>
      %div3A = arith.constant 1.000000e+00 : f32
      %div3A_37 = vector.broadcast %div3A : f32 to vector<64x64xf32>
      %div3A_38 = arith.divf %div3A_37, %max3A_36 : vector<64x64xf32>
      %swap3A_39 = arith.constant 0 : index
      %swap3A_40 = arith.constant 0 : index
      %swap3A_41 = vector.load %arg5[%swap3A_39, %swap3A_40] : memref<64x64xf32, #tpu.memory_space<vmem>>, vector<64x64xf32>
      tpu.vector_store %arg5[%swap3A_39, %swap3A_40], %div3A_38 {strides = array<i32>} : memref<64x64xf32, #tpu.memory_space<vmem>>, vector<64x64xf32>,
    } else {
    }
    return
  }
  func.func @transform_0(%arg0: i32) -> (i32, i32) {
    %c0_i32 = arith.constant 0 : i32
    %c0_i32_0 = arith.constant 0 : i32
    return %arg0, %c0_i32 : i32, i32
  }
  func.func @transform_1(%arg0: i32) -> (i32, i32) {
    %c0_i32 = arith.constant 0 : i32
    %c0_i32_0 = arith.constant 0 : i32
    %c0_i32_1 = arith.constant 0 : i32
    return %c0_i32, %c0_i32_0 : i32, i32
  }
  func.func @transform_2(%arg0: i32) -> (i32, i32) {
    %c0_i32 = arith.constant 0 : i32
    %c0_i32_0 = arith.constant 0 : i32
    return %arg0, %c0_i32 : i32, i32
  }
  func.func @transform_3(%arg0: i32) -> (i32, i32) {
    %c0_i32 = arith.constant 0 : i32
    %c0_i32_0 = arith.constant 0 : i32
    return %arg0, %c0_i32 : i32, i32
  }
  func.func @transform_4(%arg0: i32) -> (i32, i32) {
    %c0_i32 = arith.constant 0 : i32
    %c0_i32_0 = arith.constant 0 : i32
    %c0_i32_1 = arith.constant 0 : i32
    return %c0_i32, %c0_i32_0 : i32, i32
  }
}

module attributes {stable_mosaic.version = 14 : i64} {
  func.func @_scale_body(%arg0: i32, %arg1: memref<2x2000x16xf32, #tpu.memory_space<vmem>>, %arg2: memref<2000x64xf32, #tpu.memory_space<vmem>>, %arg3: memref<2000x64xf32, #tpu.memory_space<vmem>>, %arg4: memref<2000x1xf32, #tpu.memory_space<vmem>>) attributes {dimension_semantics = [#tpu.dimension_semantics<arbitrary>], iteration_bounds = array<i64: 5>, scalar_prefetch = 0 : i64, scratch_operands = 0 : i64, tpu.core_type = #tpu.core_type<tc>, window_params = [{transform_indices = @transform_0, window_bounds = array<i64: 2, 2000, 16>}, {transform_indices = @transform_1, window_bounds = array<i64: 2000, 64>}, {transform_indices = @transform_2, window_bounds = array<i64: 2000, 64>}, {transform_indices = @transform_3, window_bounds = array<i64: 2000, 1>}]} {
    %get3A = arith.constant 0 : index
    %get3A_0 = arith.constant 0 : index
    %get3A_1 = arith.constant 0 : index
    %get3A_2 = vector.load %arg1[%get3A, %get3A_0, %get3A_1] : memref<2x2000x16xf32, #tpu.memory_space<vmem>>, vector<2x2000x16xf32>
    %slice3A = vector.extract_strided_slice %get3A_2 {offsets = [0, 0, 0], sizes = [1, 2000, 1], strides = [1, 1, 1]} : vector<2x2000x16xf32> to vector<1x2000x1xf32>
    %squeeze3A = vector.shape_cast %slice3A : vector<1x2000x1xf32> to vector<2000x1xf32>
    %slice3A_3 = vector.extract_strided_slice %get3A_2 {offsets = [1, 0, 0], sizes = [1, 2000, 1], strides = [1, 1, 1]} : vector<2x2000x16xf32> to vector<1x2000x1xf32>
    %squeeze3A_4 = vector.shape_cast %slice3A_3 : vector<1x2000x1xf32> to vector<2000x1xf32>
    %add3A = arith.addf %squeeze3A, %squeeze3A_4 : vector<2000x1xf32>
    %add3A_5 = arith.constant 1.000000e+00 : f32
    %add3A_6 = vector.broadcast %add3A_5 : f32 to vector<2000x1xf32>
    %add3A_7 = arith.addf %add3A, %add3A_6 : vector<2000x1xf32>
    %sqrt3A = math.sqrt %add3A_7 : vector<2000x1xf32>
    %div3A = arith.constant 1.000000e+00 : f32
    %div3A_8 = vector.broadcast %div3A : f32 to vector<2000x1xf32>
    %div3A_9 = arith.divf %div3A_8, %sqrt3A : vector<2000x1xf32>
    %get3A_10 = arith.constant 0 : index
    %get3A_11 = arith.constant 0 : index
    %get3A_12 = vector.load %arg2[%get3A_10, %get3A_11] : memref<2000x64xf32, #tpu.memory_space<vmem>>, vector<2000x64xf32>
    %mul3A = vector.broadcast %div3A_9 : vector<2000x1xf32> to vector<2000x64xf32>
    %mul3A_13 = arith.mulf %get3A_12, %mul3A : vector<2000x64xf32>
    %swap3A = arith.constant 0 : index
    %swap3A_14 = arith.constant 0 : index
    %swap3A_15 = vector.load %arg3[%swap3A, %swap3A_14] : memref<2000x64xf32, #tpu.memory_space<vmem>>, vector<2000x64xf32>
    tpu.vector_store %arg3[%swap3A, %swap3A_14], %mul3A_13 {strides = array<i32>} : memref<2000x64xf32, #tpu.memory_space<vmem>>, vector<2000x64xf32>,
    %swap3A_16 = arith.constant 0 : index
    %swap3A_17 = arith.constant 0 : index
    %swap3A_18 = vector.load %arg4[%swap3A_16, %swap3A_17] : memref<2000x1xf32, #tpu.memory_space<vmem>>, vector<2000x1xf32>
    tpu.vector_store %arg4[%swap3A_16, %swap3A_17], %div3A_9 {strides = array<i32>} : memref<2000x1xf32, #tpu.memory_space<vmem>>, vector<2000x1xf32>,
    return
  }
  func.func @transform_0(%arg0: i32) -> (i32, i32, i32) {
    %c0_i32 = arith.constant 0 : i32
    %c0_i32_0 = arith.constant 0 : i32
    %c0_i32_1 = arith.constant 0 : i32
    return %c0_i32, %arg0, %c0_i32_0 : i32, i32, i32
  }
  func.func @transform_1(%arg0: i32) -> (i32, i32) {
    %c0_i32 = arith.constant 0 : i32
    %c0_i32_0 = arith.constant 0 : i32
    return %arg0, %c0_i32 : i32, i32
  }
  func.func @transform_2(%arg0: i32) -> (i32, i32) {
    %c0_i32 = arith.constant 0 : i32
    %c0_i32_0 = arith.constant 0 : i32
    return %arg0, %c0_i32 : i32, i32
  }
  func.func @transform_3(%arg0: i32) -> (i32, i32) {
    %c0_i32 = arith.constant 0 : i32
    %c0_i32_0 = arith.constant 0 : i32
    return %arg0, %c0_i32 : i32, i32
  }
}

module attributes {stable_mosaic.version = 14 : i64} {
  func.func @_mid_body(%arg0: i32, %arg1: memref<2x2000x64xf32, #tpu.memory_space<vmem>>, %arg2: memref<2000x64xf32, #tpu.memory_space<vmem>>, %arg3: memref<2000x1xf32, #tpu.memory_space<vmem>>, %arg4: memref<1x64xf32, #tpu.memory_space<vmem>>, %arg5: memref<64x64xf32, #tpu.memory_space<vmem>>, %arg6: memref<2000x64xf32, #tpu.memory_space<vmem>>) attributes {dimension_semantics = [#tpu.dimension_semantics<arbitrary>], iteration_bounds = array<i64: 5>, scalar_prefetch = 0 : i64, scratch_operands = 0 : i64, tpu.core_type = #tpu.core_type<tc>, window_params = [{transform_indices = @transform_0, window_bounds = array<i64: 2, 2000, 64>}, {transform_indices = @transform_1, window_bounds = array<i64: 2000, 64>}, {transform_indices = @transform_2, window_bounds = array<i64: 2000, 1>}, {pipeline_mode = #tpu.pipeline_mode<synchronous>, transform_indices = @transform_3, window_bounds = array<i64: 1, 64>}, {pipeline_mode = #tpu.pipeline_mode<synchronous>, transform_indices = @transform_4, window_bounds = array<i64: 64, 64>}, {transform_indices = @transform_5, window_bounds = array<i64: 2000, 64>}]} {
    %get3A = arith.constant 0 : index
    %get3A_0 = arith.constant 0 : index
    %get3A_1 = arith.constant 0 : index
    %get3A_2 = vector.load %arg1[%get3A, %get3A_0, %get3A_1] : memref<2x2000x64xf32, #tpu.memory_space<vmem>>, vector<2x2000x64xf32>
    %get3A_3 = arith.constant 0 : index
    %get3A_4 = arith.constant 0 : index
    %get3A_5 = vector.load %arg3[%get3A_3, %get3A_4] : memref<2000x1xf32, #tpu.memory_space<vmem>>, vector<2000x1xf32>
    %slice3A = vector.extract_strided_slice %get3A_2 {offsets = [0, 0, 0], sizes = [1, 2000, 64], strides = [1, 1, 1]} : vector<2x2000x64xf32> to vector<1x2000x64xf32>
    %squeeze3A = vector.shape_cast %slice3A : vector<1x2000x64xf32> to vector<2000x64xf32>
    %slice3A_6 = vector.extract_strided_slice %get3A_2 {offsets = [1, 0, 0], sizes = [1, 2000, 64], strides = [1, 1, 1]} : vector<2x2000x64xf32> to vector<1x2000x64xf32>
    %squeeze3A_7 = vector.shape_cast %slice3A_6 : vector<1x2000x64xf32> to vector<2000x64xf32>
    %add3A = arith.addf %squeeze3A, %squeeze3A_7 : vector<2000x64xf32>
    %get3A_8 = arith.constant 0 : index
    %get3A_9 = arith.constant 0 : index
    %get3A_10 = vector.load %arg2[%get3A_8, %get3A_9] : memref<2000x64xf32, #tpu.memory_space<vmem>>, vector<2000x64xf32>
    %add3A_11 = arith.addf %add3A, %get3A_10 : vector<2000x64xf32>
    %mul3A = vector.broadcast %get3A_5 : vector<2000x1xf32> to vector<2000x64xf32>
    %mul3A_12 = arith.mulf %add3A_11, %mul3A : vector<2000x64xf32>
    %get3A_13 = arith.constant 0 : index
    %get3A_14 = arith.constant 0 : index
    %get3A_15 = vector.load %arg4[%get3A_13, %get3A_14] : memref<1x64xf32, #tpu.memory_space<vmem>>, vector<1x64xf32>
    %add3A_16 = vector.broadcast %get3A_15 : vector<1x64xf32> to vector<2000x64xf32>
    %add3A_17 = arith.addf %mul3A_12, %add3A_16 : vector<2000x64xf32>
    %max3A = arith.constant 0.000000e+00 : f32
    %max3A_18 = vector.broadcast %max3A : f32 to vector<2000x64xf32>
    %max3A_19 = arith.maximumf %add3A_17, %max3A_18 : vector<2000x64xf32>
    %get3A_20 = arith.constant 0 : index
    %get3A_21 = arith.constant 0 : index
    %get3A_22 = vector.load %arg5[%get3A_20, %get3A_21] : memref<64x64xf32, #tpu.memory_space<vmem>>, vector<64x64xf32>
    %dot_general3A = arith.constant dense<0.000000e+00> : vector<2000x64xf32>
    %dot_general3A_23 = tpu.matmul %max3A_19, %get3A_22, %dot_general3A {dimension_numbers = #tpu.dot_dimension_numbers<[1], [0], [0], [1], [0, 0, 1, 1], [], []>, transpose_lhs_hint = false} : vector<2000x64xf32>, vector<64x64xf32>, vector<2000x64xf32> -> vector<2000x64xf32>
    %mul3A_24 = vector.broadcast %get3A_5 : vector<2000x1xf32> to vector<2000x64xf32>
    %mul3A_25 = arith.mulf %dot_general3A_23, %mul3A_24 : vector<2000x64xf32>
    %swap3A = arith.constant 0 : index
    %swap3A_26 = arith.constant 0 : index
    %swap3A_27 = vector.load %arg6[%swap3A, %swap3A_26] : memref<2000x64xf32, #tpu.memory_space<vmem>>, vector<2000x64xf32>
    tpu.vector_store %arg6[%swap3A, %swap3A_26], %mul3A_25 {strides = array<i32>} : memref<2000x64xf32, #tpu.memory_space<vmem>>, vector<2000x64xf32>,
    return
  }
  func.func @transform_0(%arg0: i32) -> (i32, i32, i32) {
    %c0_i32 = arith.constant 0 : i32
    %c0_i32_0 = arith.constant 0 : i32
    %c0_i32_1 = arith.constant 0 : i32
    return %c0_i32, %arg0, %c0_i32_0 : i32, i32, i32
  }
  func.func @transform_1(%arg0: i32) -> (i32, i32) {
    %c0_i32 = arith.constant 0 : i32
    %c0_i32_0 = arith.constant 0 : i32
    return %arg0, %c0_i32 : i32, i32
  }
  func.func @transform_2(%arg0: i32) -> (i32, i32) {
    %c0_i32 = arith.constant 0 : i32
    %c0_i32_0 = arith.constant 0 : i32
    return %arg0, %c0_i32 : i32, i32
  }
  func.func @transform_3(%arg0: i32) -> (i32, i32) {
    %c0_i32 = arith.constant 0 : i32
    %c0_i32_0 = arith.constant 0 : i32
    %c0_i32_1 = arith.constant 0 : i32
    return %c0_i32, %c0_i32_0 : i32, i32
  }
  func.func @transform_4(%arg0: i32) -> (i32, i32) {
    %c0_i32 = arith.constant 0 : i32
    %c0_i32_0 = arith.constant 0 : i32
    %c0_i32_1 = arith.constant 0 : i32
    return %c0_i32, %c0_i32_0 : i32, i32
  }
  func.func @transform_5(%arg0: i32) -> (i32, i32) {
    %c0_i32 = arith.constant 0 : i32
    %c0_i32_0 = arith.constant 0 : i32
    return %arg0, %c0_i32 : i32, i32
  }
}

module attributes {stable_mosaic.version = 14 : i64} {
  func.func @_pool_body(%arg0: i32, %arg1: memref<2x2000x64xf32, #tpu.memory_space<vmem>>, %arg2: memref<2000x64xf32, #tpu.memory_space<vmem>>, %arg3: memref<2000x1xf32, #tpu.memory_space<vmem>>, %arg4: memref<1x64xf32, #tpu.memory_space<vmem>>, %arg5: memref<2000x1xi32, #tpu.memory_space<vmem>>, %arg6: memref<64x64xf32, #tpu.memory_space<vmem>>, %arg7: memref<64x64xf32, #tpu.memory_space<vmem>>, %arg8: memref<64x64xf32, #tpu.memory_space<vmem>>) attributes {dimension_semantics = [#tpu.dimension_semantics<arbitrary>], iteration_bounds = array<i64: 5>, scalar_prefetch = 0 : i64, scratch_operands = 1 : i64, tpu.core_type = #tpu.core_type<tc>, window_params = [{transform_indices = @transform_0, window_bounds = array<i64: 2, 2000, 64>}, {transform_indices = @transform_1, window_bounds = array<i64: 2000, 64>}, {transform_indices = @transform_2, window_bounds = array<i64: 2000, 1>}, {pipeline_mode = #tpu.pipeline_mode<synchronous>, transform_indices = @transform_3, window_bounds = array<i64: 1, 64>}, {transform_indices = @transform_4, window_bounds = array<i64: 2000, 1>}, {pipeline_mode = #tpu.pipeline_mode<synchronous>, transform_indices = @transform_5, window_bounds = array<i64: 64, 64>}, {pipeline_mode = #tpu.pipeline_mode<synchronous>, transform_indices = @transform_6, window_bounds = array<i64: 64, 64>}]} {
    %eq3A = arith.constant 0 : i32
    %eq3A_0 = arith.cmpi eq, %arg0, %eq3A : i32
    %convert_element_type3A = arith.extui %eq3A_0 : i1 to i32
    %cond3A = arith.constant 0 : i32
    %cond3A_1 = arith.cmpi ne, %convert_element_type3A, %cond3A : i32
    scf.if %cond3A_1 {
      %broadcast_in_dim3A = arith.constant 0.000000e+00 : f32
      %broadcast_in_dim3A_42 = vector.broadcast %broadcast_in_dim3A : f32 to vector<64x64xf32>
      %swap3A_43 = arith.constant 0 : index
      %swap3A_44 = arith.constant 0 : index
      %swap3A_45 = vector.load %arg8[%swap3A_43, %swap3A_44] : memref<64x64xf32, #tpu.memory_space<vmem>>, vector<64x64xf32>
      tpu.vector_store %arg8[%swap3A_43, %swap3A_44], %broadcast_in_dim3A_42 {strides = array<i32>} : memref<64x64xf32, #tpu.memory_space<vmem>>, vector<64x64xf32>,
    } else {
    }
    %get3A = arith.constant 0 : index
    %get3A_2 = arith.constant 0 : index
    %get3A_3 = arith.constant 0 : index
    %get3A_4 = vector.load %arg1[%get3A, %get3A_2, %get3A_3] : memref<2x2000x64xf32, #tpu.memory_space<vmem>>, vector<2x2000x64xf32>
    %slice3A = vector.extract_strided_slice %get3A_4 {offsets = [0, 0, 0], sizes = [1, 2000, 64], strides = [1, 1, 1]} : vector<2x2000x64xf32> to vector<1x2000x64xf32>
    %squeeze3A = vector.shape_cast %slice3A : vector<1x2000x64xf32> to vector<2000x64xf32>
    %slice3A_5 = vector.extract_strided_slice %get3A_4 {offsets = [1, 0, 0], sizes = [1, 2000, 64], strides = [1, 1, 1]} : vector<2x2000x64xf32> to vector<1x2000x64xf32>
    %squeeze3A_6 = vector.shape_cast %slice3A_5 : vector<1x2000x64xf32> to vector<2000x64xf32>
    %add3A = arith.addf %squeeze3A, %squeeze3A_6 : vector<2000x64xf32>
    %get3A_7 = arith.constant 0 : index
    %get3A_8 = arith.constant 0 : index
    %get3A_9 = vector.load %arg2[%get3A_7, %get3A_8] : memref<2000x64xf32, #tpu.memory_space<vmem>>, vector<2000x64xf32>
    %add3A_10 = arith.addf %add3A, %get3A_9 : vector<2000x64xf32>
    %get3A_11 = arith.constant 0 : index
    %get3A_12 = arith.constant 0 : index
    %get3A_13 = vector.load %arg3[%get3A_11, %get3A_12] : memref<2000x1xf32, #tpu.memory_space<vmem>>, vector<2000x1xf32>
    %mul3A = vector.broadcast %get3A_13 : vector<2000x1xf32> to vector<2000x64xf32>
    %mul3A_14 = arith.mulf %add3A_10, %mul3A : vector<2000x64xf32>
    %get3A_15 = arith.constant 0 : index
    %get3A_16 = arith.constant 0 : index
    %get3A_17 = vector.load %arg4[%get3A_15, %get3A_16] : memref<1x64xf32, #tpu.memory_space<vmem>>, vector<1x64xf32>
    %add3A_18 = vector.broadcast %get3A_17 : vector<1x64xf32> to vector<2000x64xf32>
    %add3A_19 = arith.addf %mul3A_14, %add3A_18 : vector<2000x64xf32>
    %max3A = arith.constant 0.000000e+00 : f32
    %max3A_20 = vector.broadcast %max3A : f32 to vector<2000x64xf32>
    %max3A_21 = arith.maximumf %add3A_19, %max3A_20 : vector<2000x64xf32>
    %get3A_22 = arith.constant 0 : index
    %get3A_23 = arith.constant 0 : index
    %get3A_24 = vector.load %arg5[%get3A_22, %get3A_23] : memref<2000x1xi32, #tpu.memory_space<vmem>>, vector<2000x1xi32>
    %iota3A = tpu.iota {dimensions = array<i32: 1>} : vector<1x64xi32>
    %eq3A_25 = vector.broadcast %get3A_24 : vector<2000x1xi32> to vector<2000x64xi32>
    %eq3A_26 = vector.broadcast %iota3A : vector<1x64xi32> to vector<2000x64xi32>
    %eq3A_27 = arith.cmpi eq, %eq3A_25, %eq3A_26 : vector<2000x64xi32>
    %convert_element_type3A_28 = arith.extui %eq3A_27 : vector<2000x64xi1> to vector<2000x64xi32>
    %convert_element_type3A_29 = arith.sitofp %convert_element_type3A_28 : vector<2000x64xi32> to vector<2000x64xf32>
    %get3A_30 = arith.constant 0 : index
    %get3A_31 = arith.constant 0 : index
    %get3A_32 = vector.load %arg8[%get3A_30, %get3A_31] : memref<64x64xf32, #tpu.memory_space<vmem>>, vector<64x64xf32>
    %dot_general3A = arith.constant dense<0.000000e+00> : vector<64x64xf32>
    %dot_general3A_33 = tpu.matmul %convert_element_type3A_29, %max3A_21, %dot_general3A {dimension_numbers = #tpu.dot_dimension_numbers<[0], [0], [1], [1], [0, 1, 1, 1], [], []>, transpose_lhs_hint = false} : vector<2000x64xf32>, vector<2000x64xf32>, vector<64x64xf32> -> vector<64x64xf32>
    %add3A_34 = arith.addf %get3A_32, %dot_general3A_33 : vector<64x64xf32>
    %swap3A = arith.constant 0 : index
    %swap3A_35 = arith.constant 0 : index
    %swap3A_36 = vector.load %arg8[%swap3A, %swap3A_35] : memref<64x64xf32, #tpu.memory_space<vmem>>, vector<64x64xf32>
    tpu.vector_store %arg8[%swap3A, %swap3A_35], %add3A_34 {strides = array<i32>} : memref<64x64xf32, #tpu.memory_space<vmem>>, vector<64x64xf32>,
    %eq3A_37 = arith.constant 4 : i32
    %eq3A_38 = arith.cmpi eq, %arg0, %eq3A_37 : i32
    %convert_element_type3A_39 = arith.extui %eq3A_38 : i1 to i32
    %cond3A_40 = arith.constant 0 : i32
    %cond3A_41 = arith.cmpi ne, %convert_element_type3A_39, %cond3A_40 : i32
    scf.if %cond3A_41 {
      %get3A_42 = arith.constant 0 : index
      %get3A_43 = arith.constant 0 : index
      %get3A_44 = vector.load %arg8[%get3A_42, %get3A_43] : memref<64x64xf32, #tpu.memory_space<vmem>>, vector<64x64xf32>
      %get3A_45 = arith.constant 0 : index
      %get3A_46 = arith.constant 0 : index
      %get3A_47 = vector.load %arg6[%get3A_45, %get3A_46] : memref<64x64xf32, #tpu.memory_space<vmem>>, vector<64x64xf32>
      %mul3A_48 = arith.mulf %get3A_44, %get3A_47 : vector<64x64xf32>
      %swap3A_49 = arith.constant 0 : index
      %swap3A_50 = arith.constant 0 : index
      %swap3A_51 = vector.load %arg7[%swap3A_49, %swap3A_50] : memref<64x64xf32, #tpu.memory_space<vmem>>, vector<64x64xf32>
      tpu.vector_store %arg7[%swap3A_49, %swap3A_50], %mul3A_48 {strides = array<i32>} : memref<64x64xf32, #tpu.memory_space<vmem>>, vector<64x64xf32>,
    } else {
    }
    return
  }
  func.func @transform_0(%arg0: i32) -> (i32, i32, i32) {
    %c0_i32 = arith.constant 0 : i32
    %c0_i32_0 = arith.constant 0 : i32
    %c0_i32_1 = arith.constant 0 : i32
    return %c0_i32, %arg0, %c0_i32_0 : i32, i32, i32
  }
  func.func @transform_1(%arg0: i32) -> (i32, i32) {
    %c0_i32 = arith.constant 0 : i32
    %c0_i32_0 = arith.constant 0 : i32
    return %arg0, %c0_i32 : i32, i32
  }
  func.func @transform_2(%arg0: i32) -> (i32, i32) {
    %c0_i32 = arith.constant 0 : i32
    %c0_i32_0 = arith.constant 0 : i32
    return %arg0, %c0_i32 : i32, i32
  }
  func.func @transform_3(%arg0: i32) -> (i32, i32) {
    %c0_i32 = arith.constant 0 : i32
    %c0_i32_0 = arith.constant 0 : i32
    %c0_i32_1 = arith.constant 0 : i32
    return %c0_i32, %c0_i32_0 : i32, i32
  }
  func.func @transform_4(%arg0: i32) -> (i32, i32) {
    %c0_i32 = arith.constant 0 : i32
    %c0_i32_0 = arith.constant 0 : i32
    return %arg0, %c0_i32 : i32, i32
  }
  func.func @transform_5(%arg0: i32) -> (i32, i32) {
    %c0_i32 = arith.constant 0 : i32
    %c0_i32_0 = arith.constant 0 : i32
    %c0_i32_1 = arith.constant 0 : i32
    return %c0_i32, %c0_i32_0 : i32, i32
  }
  func.func @transform_6(%arg0: i32) -> (i32, i32) {
    %c0_i32 = arith.constant 0 : i32
    %c0_i32_0 = arith.constant 0 : i32
    %c0_i32_1 = arith.constant 0 : i32
    return %c0_i32, %c0_i32_0 : i32, i32
  }
}

</mosaic_0001>

<sc_bundles>
// kernel: kernel.12.cloned.1.call-start
scs
__scs_entry_jumppad:
0x0: {  	(pc) =	sbr.rel $0x88, $3  }
0x1: {  	(tag) =	ssettag $0x0;
	lr =	simm.s32 $0x1  }
0x2: {  	[smem:$0x3F9A] =	sst lr;
	_ =	strace $0xD0000000  }
0x3: {  	_ = 	snop  }
0x4: {  	_ = 	snop  }
0x5: {  	_ = 	snop  }
0x6: {  	_ = 	snop  }
0x7: {  	_ = 	snop  }
__scs_overlays_trampoline_lowered:
0x8: {  	[smem:$0x3FA9] =	sst s0  }
0x9: {  	[smem:$0x3FAA] =	sst s1  }
0xa: {  	[smem:$0x3FAB] =	sst s2  }
0xb: {  	[smem:$0x3FAC] =	sst s3  }
0xc: {  	[smem:$0x3FAD] =	sst s4  }
0xd: {  	[smem:$0x3FAE] =	sst s5  }
0xe: {  	[smem:$0x3FAF] =	sst s6  }
0xf: {  	[smem:$0x3FB0] =	sst s7  }
0x10: {  	[smem:$0x3FB1] =	sst s8  }
0x11: {  	[smem:$0x3FB2] =	sst s9;
	s0 =	simm.s32 @!p0 $0x0  }
0x12: {  	s1 =	sld [smem:$0x3F98];
	s0 =	simm.s32 @p0 $0x1  }
0x13: {  	[smem:$0x3FB3] =	sst s0;
	s0 =	simm.s32 @!p1 $0x0  }
0x14: {  	s2 =	sld [smem:$0x3F97];
	s0 =	simm.s32 @p1 $0x1  }
0x15: {  	[smem:$0x3FB4] =	sst s0;
	s0 =	simm.s32 @!p2 $0x0  }
0x16: {  	s3 =	sld [smem:$0x3FDB];
	s0 =	simm.s32 @p2 $0x1  }
0x17: {  	s4 =	simm.s32 $0x1BF5;
	[smem:$0x3FB6] =	sst s0  }
0x18: {  	s0 =	sld [smem:$0x3F99];
	_ =	swait.ge [sflag:s4], $0x0  }
0x19: {  	s7 =	sld [smem:$0x3F9A]  }
0x1a: {  	s8 =	sadd.s32 $0xFFFFE003, lr  }
0x1b: {  	s9 =	sadd.s32 $0xFFFFFEF7, lr;
	s5 =	simm.s32 $0xFFFFFFFF;
	p2 =	slt.u32 s8, $0xFFFFF086  }
0x1c: {  	p1 =	slt.u32 s9, $0xF7A;
	s5 =	simm.s32 @!p2 $0x0  }
0x1d: {  	s5 =	simm.s32 @p1 $0x1;
	p0 =	seq.s32 s7, s2  }
0x1e: {  	s7 =	smul.u32 @!p0 $0xF7A, s2;
	p2 =	seq.s32 @!p0 s5, $0x0  }
0x1f: {  	s9 =	smul.u32 $0xF7A, s1;
	s8 =	simm.s32 @!p0 $0x1BF5;
	p2 =	por !p2, p0  }
0x20: {  	[sflag:s8] =	ssyncset.s32 @!p0 $0xFFFFF086;
	s6 =	sadd.s32 @!p0 s3, s7;
	s7 =	simm.s32 @!p0 $0x108  }
0x21: {  	s3 =	sadd.s32 s3, s9;
	s6 =	sadd.s32 @!p0 $0x88, s6;
	s7 =	simm.s32 @p2 $0x1082  }
0x22: {  	[simem:s7], [sflag:s8] =	dma.local @!p0 [hbm:s6], $0xF7A  }
0x23: {  	s9 =	sor.u32 $0xD0000000, s2;
	s6 =	simm.s32 $0x108;
	_ =	swait.ge @!p0 [sflag:s8], $0x0  }
0x24: {  	s3 =	sadd.s32 $0x88, s3;
	s6 =	simm.s32 @!p1 $0x1082;
	[sflag:s4] =	ssyncset.s32 $0xFFFFF086  }
0x25: {  	[simem:s6], [sflag:s4] =	dma.local [hbm:s3], $0xF7A  }
0x26: {  	[smem:$0x3F9A] =	sst s1;
	(tag) =	ssettag s2;
	_ =	strace s9  }
0x27: {  	s1 =	sld [smem:$0x3FAA]  }
0x28: {  	s2 =	sld [smem:$0x3FAB]  }
0x29: {  	s4 =	sld [smem:$0x3FAD]  }
0x2a: {  	p0 =	seq.s32 s5, $0x0;
	s5 =	sld [smem:$0x3FAE]  }
0x2b: {  	s6 =	sld [smem:$0x3FAF]  }
0x2c: {  	s7 =	sld [smem:$0x3FB0]  }
0x2d: {  	s3 =	simm.s32 $0x108;
	s8 =	sld [smem:$0x3FB1]  }
0x2e: {  	s3 =	simm.s32 @!p0 $0x1082;
	s9 =	sld [smem:$0x3FB2]  }
0x2f: {  	lr =	sadd.s32 s0, s3;
	s0 =	sld [smem:$0x3FA9]  }
0x30: {  	s3 =	sld [smem:$0x3FAC]  }
0x31: {  	[smem:$0x3FB5] =	sst s10  }
0x32: {  	s10 =	sld [smem:$0x3FB3];
	_ =	sdelay $0x3  }
0x33: {  	p0 =	seq.s32 s10, $0x1;
	s10 =	sld [smem:$0x3FB5];
	_ =	sdelay $0x3  }
0x34: {  	[smem:$0x3FB5] =	sst s10  }
0x35: {  	s10 =	sld [smem:$0x3FB4];
	_ =	sdelay $0x3  }
0x36: {  	p1 =	seq.s32 s10, $0x1;
	s10 =	sld [smem:$0x3FB5];
	_ =	sdelay $0x3  }
0x37: {  	[smem:$0x3FB5] =	sst s10  }
0x38: {  	s10 =	sld [smem:$0x3FB6]  }
0x39: {  	_ = 	snop;
	(pc) =	sbr.ind lr, $3  }
0x3a: {  	_ = 	snop  }
0x3b: {  	_ = 	snop  }
0x3c: {  	p2 =	seq.s32 s10, $0x1;
	s10 =	sld [smem:$0x3FB5]  }
0x3d: {  	_ =	shalt  }
0x3e: {  	_ =	shalt  }
0x3f: {  	_ =	shalt  }
0x40: {  	_ =	shalt  }
0x41: {  	_ =	shalt  }
0x42: {  	_ =	shalt  }
0x43: {  	_ =	shalt  }
0x44: {  	_ =	shalt  }
0x45: {  	_ =	shalt  }
0x46: {  	_ =	shalt  }
0x47: {  	_ =	shalt  }
0x48: {  	_ =	shalt  }
0x49: {  	_ =	shalt  }
0x4a: {  	_ =	shalt  }
0x4b: {  	_ =	shalt  }
0x4c: {  	_ =	shalt  }
0x4d: {  	_ =	shalt  }
0x4e: {  	_ =	shalt  }
0x4f: {  	_ =	shalt  }
0x50: {  	_ =	shalt  }
0x51: {  	_ =	shalt  }
0x52: {  	_ =	shalt  }
0x53: {  	_ =	shalt  }
0x54: {  	_ =	shalt  }
0x55: {  	_ =	shalt  }
0x56: {  	_ =	shalt  }
0x57: {  	_ =	shalt  }
0x58: {  	_ =	shalt  }
0x59: {  	_ =	shalt  }
0x5a: {  	_ =	shalt  }
0x5b: {  	_ =	shalt  }
0x5c: {  	_ =	shalt  }
0x5d: {  	_ =	shalt  }
0x5e: {  	_ =	shalt  }
0x5f: {  	_ =	shalt  }
0x60: {  	_ =	shalt  }
0x61: {  	_ =	shalt  }
0x62: {  	_ =	shalt  }
0x63: {  	_ =	shalt  }
0x64: {  	_ =	shalt  }
0x65: {  	_ =	shalt  }
0x66: {  	_ =	shalt  }
0x67: {  	_ =	shalt  }
0x68: {  	_ =	shalt  }
0x69: {  	_ =	shalt  }
0x6a: {  	_ =	shalt  }
0x6b: {  	_ =	shalt  }
0x6c: {  	_ =	shalt  }
0x6d: {  	_ =	shalt  }
0x6e: {  	_ =	shalt  }
0x6f: {  	_ =	shalt  }
0x70: {  	_ =	shalt  }
0x71: {  	_ =	shalt  }
0x72: {  	_ =	shalt  }
0x73: {  	_ =	shalt  }
0x74: {  	_ =	shalt  }
0x75: {  	_ =	shalt  }
0x76: {  	_ =	shalt  }
0x77: {  	_ =	shalt  }
0x78: {  	_ =	shalt  }
0x79: {  	_ =	shalt  }
0x7a: {  	_ =	shalt  }
0x7b: {  	_ =	shalt  }
0x7c: {  	_ =	shalt  }
0x7d: {  	_ =	shalt  }
0x7e: {  	_ =	shalt  }
0x7f: {  	_ =	shalt  }
0x80: {  	_ =	shalt  }
0x81: {  	_ =	shalt  }
0x82: {  	_ =	shalt  }
0x83: {  	_ =	shalt  }
0x84: {  	_ =	shalt  }
0x85: {  	_ =	shalt  }
0x86: {  	_ =	shalt  }
0x87: {  	_ =	shalt  }
.Lfunc_end0:
.L_simem_size_0:
called_computation.1_lowered:
.L_overlay_start_0:
0x88: {  	s2 =	sld [smem:$0x3FD9]  }
0x89: {  	s3 =	sld [smem:$0x3FFE];
	_ =	sdelay $0x1  }
0x8a: {  	s1 =	srdreg.scid  }
0x8b: {  	s0 =	sand.u32 $0x1, s1  }
0x8c: {  	s16 =	sshll.u32 s0, $0xA;
	s2 =	sadd.s32 s3, s2  }
0x8d: {  	s2 =	sadd.s32 s2, s16  }
0x8e: {  	[smem:$0x3FC1] =	sst s2  }
0x8f: {  	_ = 	snop  }
0x90: {  	(tm) =	ssettm $0x1  }
0x91: {  	s17 =	sld [smem:$0x3FFB];
	_ =	sdelay $0x3  }
0x92: {  	_ =	strace s17  }
0x93: {  	s2 =	sld [smem:$0x3FFC];
	_ =	sdelay $0x3  }
0x94: {  	_ =	strace s2  }
0x95: {  	s2 =	sld [smem:$0x3FFD];
	_ =	sdelay $0x3  }
0x96: {  	_ =	strace s2  }
0x97: {  	_ =	strace $0x8FFFFFFF  }
0x98: {  	s18 =	sld [smem:$0x3FDB];
	_ =	sdelay $0x1  }
0x99: {  	s19 =	simm.s32 $_scs_section_size  }
0x9a: {  	s4 =	simm.s32 $_size__tile_overlayer_lowered;
	s5 =	simm.s32 $_tile_overlayer_lowered  }
0x9b: {  	s22 =	simm.s32 $0x1BFF;
	s21 =	sshll.u32 s5, $0x1;
	s2 =	sadd.s32 s19, s18  }
0x9c: {  	s6 =	simm.s32 $0x0;
	s20 =	sshll.u32 s4, $0x1;
	s4 =	sadd.s32 s21, s2  }
0x9d: {  	[timem:s6], [sflag:s22] =	dma.local [hbm:s4], s20  }
0x9e: {  	_ =	swait.ge [sflag:s22], s20  }
0x9f: {  	s3 =	ssub.s32 $0x0, s20;
	[sflag:s22] =	ssyncset.done $0x0  }
0xa0: {  	[sflag:s22] =	ssyncadd.s32 s3;
	_ =	sdelay $0x1  }
0xa1: {  	s23 =	simm.s32 $0x1B8B  }
0xa2: {  	_ =	swait.ge [sflag:s23], $0x1  }
0xa3: {  	[sflag:s23] =	ssyncset.done $0x0  }
0xa4: {  	s25 =	simm.s32 $0x1B8E;
	s24 =	sld [smem:$0x3FFE];
	[sflag:s23] =	ssyncadd.s32 $0xFFFFFFFF  }
0xa5: {  	s26 =	simm.s32 $execute0_lowered;
	[smem:$0x3FD2] =	sst s25  }
0xa6: {  	s4 =	sshll.u32 s26, $0x1;
	_ =	strace $0x80000049;
	[dreg:$0x1] =	wrdreg $0xFFFFFFFF  }
0xa7: {  	s28 =	simm.s32 $_size_execute0_lowered;
	s2 =	sadd.s32 s2, s4;
	[dreg:$0x0] =	wrdreg $0x0  }
0xa8: {  	s4 =	sshll.u32 s28, $0x1;
	[dreg:$0x2] =	wrdreg s2  }
0xa9: {  	[dreg:$0x3] =	wrdreg s4  }
0xaa: {  	[dreg:$0x4] =	wrdreg $0xC0  }
0xab: {  	_ =	task [dreg:s6], $0x5FFFF  }
0xac: {  	[dreg:$0x1] =	wrdreg $0xFFFFFFFF  }
0xad: {  	[dreg:$0x0] =	wrdreg $0x60  }
0xae: {  	[dreg:$0x2] =	wrdreg s24  }
0xaf: {  	[dreg:$0x3] =	wrdreg $0xC6200  }
0xb0: {  	[dreg:$0x4] =	wrdreg $0x9  }
0xb1: {  	_ =	task.clear_ibuf [dreg:s6], $0x5FFFF;
	_ =	strace $0x90000049  }
0xb2: {  	s29 =	simm.s32 $0x9;
	_ =	strace $0x8000004B  }
0xb3: {  	_ =	swait.ge [sflag:s29], $0x1  }
0xb4: {  	[sflag:s29] =	ssyncadd.s32 $0xFFFFFFFF  }
0xb5: {  	_ =	strace $0x9000004B  }
0xb6: {  	_ =	sfence  }
0xb7: {  	s30 =	sld [smem:$0x0];
	_ =	sdelay $0x2  }
0xb8: {  	s31 =	sshll.u32 s1, $0xD;
	s1 =	sshrl.u32 s1, $0x2  }
0xb9: {  	s3 =	sand.u32 $0x4000, s31;
	s1 =	sadd.s32 s1, s30  }
0xba: {  	s0 =	sor.u32 s3, s0;
	s1 =	sshll.u32 s1, $0x11  }
0xbb: {  	s0 =	sor.u32 s1, s0  }
0xbc: {  	s0 =	sadd.s32 $0x8F2B, s0  }
0xbd: {  	[sflag:s0] =	ssyncadd.remote.s32 $0x1  }
0xbe: {  	_ =	sfence.sel $0xFFFF  }
0xbf: {  	[dreg:$0x0] =	wrdreg $0xFFFFFFFF;
	(pc) =	sbr.abs _section_cstart, $3  }
0xc0: {  	[dreg:$0x1] =	wrdreg $0xFFFFFFFF  }
0xc1: {  	_ =	task.clear_ibuf [dreg:s6], $0x2FFFF;
	_ =	strace $0x9FFFFFFF  }
0xc2: {  	(tm) =	ssettm $0x7FFFFFFF  }
0xc3: {  	_ =	shalt  }
tec
execute0_lowered:
.L_overlay_start_1:
0x0: {  	(tag) =	ssettag $0x1  }
0x1: {  	s0 =	rddreg [dreg:$0x0]  }
0x2: {  	s2 =	rddreg [dreg:$0x1];
	s1 =	srdreg.scid  }
0x3: {  	s8 =	stileid.u32;
	s3 =	simm.s32 $0x0;
	s17 =	simm.s32 $0xB  }
0x4: {  	s18 =	simm.s32 $0x2710;
	s28 =	simm.s32 $0x1;
	s30 =	simm.s32 $0xB220  }
0x5: {  	s31 =	simm.s32 $0x2;
	s29 =	simm.s32 $0x4;
	s9 =	simm.s32 $0x0  }
0x6: {  	s1 =	sand.u32 $0x1, s1;
	s5 =	smul.u32 $0xA000, s8;
	[smem:$0x7FF] =	sst s3  }
0x7: {  	s4 =	sshll.u32 s1, $0x4;
	s6 =	smul.u32 $0xA0000, s1;
	_ =	strace $0x8000004A  }
0x8: {  	s1 =	ssub.s32 $0x2, s1;
	s7 =	sor.u32 s8, s4;
	s8 =	smul.u32 $0x28000, s8  }
0x9: {  	s4 =	sadd.s32 $0x3D200, s0;
	s19 =	sshrl.u32 s1, $0x1;
	s7 =	smul.u32 $0x4E2, s7  }
0xa: {  	s6 =	sadd.s32 s5, s6;
	s1 =	ssub.s32 s1, s19;
	s19 =	simm.s32 $0x50  }
0xb: {  	s6 =	sshrl.u32 s6, $0x3;
	s21 =	sshrl.u32 s8, $0x2;
	s16 =	smax.u32 s1, $0x1  }
0xc: {  	s1 =	simm.s32 $0x8;
	s8 =	simm.s32 $0xA;
	s7 =	sadd.s32 s7, s0  }
0xd: {  	s0 =	sadd.s32 s6, s0;
	s22 =	sadd.s32 s21, s2;
	s20 =	sadd.s32 $0x2400, s7  }
0xe: {  	s21 =	simm.s32 $0x7620;
	s7 =	sadd.s32 $0xC200, s7;
	[dreg:$0x3] =	wrdreg s20  }
0xf: {  	s6 =	sadd.s32 $0x1400, s22;
	s23 =	sadd.s32 $0x2800, s22;
	[dreg:$0x4] =	wrdreg s7  }
0x10: {  	s24 =	sadd.s32 $0x3C00, s22;
	s25 =	sadd.s32 $0x5000, s22;
	[dreg:$0x5] =	wrdreg s6  }
0x11: {  	s26 =	sadd.s32 $0x6400, s22;
	s13 =	sadd.s32 $0x7800, s22;
	[dreg:$0x6] =	wrdreg s23  }
0x12: {  	s14 =	sadd.s32 $0x8C00, s22;
	s15 =	sadd.s32 $0x50C00, s0;
	[dreg:$0x7] =	wrdreg s24  }
0x13: {  	s22 =	simm.s32 $0x6;
	s0 =	simm.s32 $0x7;
	[dreg:$0x8] =	wrdreg s25  }
0x14: {  	s7 =	sadd.s32 s5, s2;
	[dreg:$0x9] =	wrdreg s26;
	s20 =	simm.s32 $0x6220  }
0x15: {  	s23 =	simm.s32 $0x8A20;
	s24 =	simm.s32 $0x4E20;
	s26 =	simm.s32 $0x9E20  }
0x16: {  	v0 =	vimm.f32 $0.0e+00;
	s25 =	simm.s32 $0x3;
	s5 =	simm.s32 $0x5;
	s6 =	simm.s32 $0x9  }
.LBB2_1:
0x17: {  	s10 =	rddreg [dreg:$0x3]  }
0x18: {  	[tilespmem:s3], [sflag:$0xB] =	stream.linear.gather [hbm4b:s10+s3], $0x2710, $0x38;
	[tilespmem:$0x16620] =	vst v63  }
0x19: {  	_ =	swait.ge [sflag:s17], $0x2710  }
0x1a: {  	[sflag:s17] =	ssyncset.done $0x0  }
0x1b: {  	s11 =	rddreg [dreg:$0x4];
	[sflag:s17] =	ssyncadd.s32 $0xFFFFD8F0  }
0x1c: {  	[tilespmem:s18], [sflag:$0xB] =	stream.linear.gather [hbm4b:s11+s3], $0x2710, $0x38;
	[tilespmem:$0x16620] =	vst v63  }
0x1d: {  	_ =	swait.ge [sflag:s17], $0x2710  }
0x1e: {  	[sflag:s17] =	ssyncset.done $0x0  }
0x1f: {  	[sflag:s17] =	ssyncadd.s32 $0xFFFFD8F0  }
0x20: {  	[tilespmem:s20], [sflag:$0x1] =	stream.indirect.gather [hbm4b:s4+s19], $0x40, s3, s19, $0xb8;
	[tilespmem:$0x16620] =	vst v63  }
0x21: {  	_ = 	snop  }
0x22: {  	[tilespmem:s21], [sflag:$0x2] =	stream.indirect.gather [hbm4b:s4+s19], $0x40, s19, s19, $0xb8;
	[tilespmem:$0x16620] =	vst v63  }
0x23: {  	s12 =	simm.s32 $0xA0;
	s10 =	simm.s32 $0x0;
	s11 =	simm.s32 $0x100  }
0x24: {  	[tilespmem:s23], [sflag:$0x3] =	stream.indirect.gather [hbm4b:s4+s19], $0x40, s12, s19, $0xb8;
	[tilespmem:$0x16620] =	vst v63  }
.LBB2_2:
0x25: {  	p0 =	sne.s32 s11, $0x4F00;
	[tilespmem:s10+$0x4E50] =	vst v0;
	s12 =	smov.u32 s11;
	s11 =	sadd.s32 $0x100, s11  }
.Ltmp0:
0x26: {  	[tilespmem:s10+$0x4E40] =	vst v0;
	(pc) =	sbr.rel @p0 .LBB2_2-.Ltmp0, $3  }
0x27: {  	[tilespmem:s10+$0x4E20] =	vst v0  }
0x28: {  	[tilespmem:s10+$0x4E30] =	vst v0;
	_ =	sdelay $0x1  }
0x29: {  	s10 =	sshra.s32 s12, $0x2  }
0x2a: {  	[tilespmem:s10+$0x4E50] =	vst v0  }
0x2b: {  	[tilespmem:s10+$0x4E40] =	vst v0  }
0x2c: {  	[tilespmem:s10+$0x4E20] =	vst v0  }
0x2d: {  	[tilespmem:s10+$0x4E30] =	vst v0  }
0x2e: {  	[spmem:s7] =	stream.linear.scatter [tilespmem:s24], [sflag:$0xB], $0x1400, $0x38;
	[tilespmem:$0x16620] =	vst v63  }
0x2f: {  	_ =	swait.ge [sflag:s17], $0x1400  }
0x30: {  	[sflag:s17] =	ssyncset.done $0x0  }
0x31: {  	s12 =	rddreg [dreg:$0x5];
	[sflag:s17] =	ssyncadd.s32 $0xFFFFEC00  }
0x32: {  	[spmem:s12] =	stream.linear.scatter [tilespmem:s24], [sflag:$0xB], $0x1400, $0x38;
	[tilespmem:$0x16620] =	vst v63  }
0x33: {  	_ =	swait.ge [sflag:s17], $0x1400  }
0x34: {  	[sflag:s17] =	ssyncset.done $0x0  }
0x35: {  	s11 =	rddreg [dreg:$0x6];
	[sflag:s17] =	ssyncadd.s32 $0xFFFFEC00  }
0x36: {  	[spmem:s11] =	stream.linear.scatter [tilespmem:s24], [sflag:$0xB], $0x1400, $0x38;
	[tilespmem:$0x16620] =	vst v63  }
0x37: {  	_ =	swait.ge [sflag:s17], $0x1400  }
0x38: {  	[sflag:s17] =	ssyncset.done $0x0  }
0x39: {  	s12 =	rddreg [dreg:$0x7];
	[sflag:s17] =	ssyncadd.s32 $0xFFFFEC00  }
0x3a: {  	[spmem:s12] =	stream.linear.scatter [tilespmem:s24], [sflag:$0xB], $0x1400, $0x38;
	[tilespmem:$0x16620] =	vst v63  }
0x3b: {  	_ =	swait.ge [sflag:s17], $0x1400  }
0x3c: {  	[sflag:s17] =	ssyncset.done $0x0  }
0x3d: {  	s11 =	rddreg [dreg:$0x8];
	[sflag:s17] =	ssyncadd.s32 $0xFFFFEC00  }
0x3e: {  	[spmem:s11] =	stream.linear.scatter [tilespmem:s24], [sflag:$0xB], $0x1400, $0x38;
	[tilespmem:$0x16620] =	vst v63  }
0x3f: {  	_ =	swait.ge [sflag:s17], $0x1400  }
0x40: {  	[sflag:s17] =	ssyncset.done $0x0  }
0x41: {  	s12 =	rddreg [dreg:$0x9];
	[sflag:s17] =	ssyncadd.s32 $0xFFFFEC00  }
0x42: {  	[spmem:s12] =	stream.linear.scatter [tilespmem:s24], [sflag:$0xB], $0x1400, $0x38;
	[tilespmem:$0x16620] =	vst v63  }
0x43: {  	_ =	swait.ge [sflag:s17], $0x1400  }
0x44: {  	[sflag:s17] =	ssyncset.done $0x0  }
0x45: {  	[sflag:s17] =	ssyncadd.s32 $0xFFFFEC00  }
0x46: {  	[spmem:s13] =	stream.linear.scatter [tilespmem:s24], [sflag:$0xB], $0x1400, $0x38;
	[tilespmem:$0x16620] =	vst v63  }
0x47: {  	_ =	swait.ge [sflag:s17], $0x1400  }
0x48: {  	[sflag:s17] =	ssyncset.done $0x0  }
0x49: {  	[sflag:s17] =	ssyncadd.s32 $0xFFFFEC00  }
0x4a: {  	[spmem:s14] =	stream.linear.scatter [tilespmem:s24], [sflag:$0xB], $0x1400, $0x38;
	[tilespmem:$0x16620] =	vst v63  }
0x4b: {  	_ =	swait.ge [sflag:s17], $0x1400  }
0x4c: {  	[sflag:s17] =	ssyncset.done $0x0  }
0x4d: {  	[sflag:s17] =	ssyncadd.s32 $0xFFFFEC00  }
0x4e: {  	s11 =	simm.s32 $0xF0;
	[bflag:$0x0] =	sbarrier.arrive $0xFFFF  }
0x4f: {  	[tilespmem:s26], [sflag:$0x4] =	stream.indirect.gather [hbm4b:s4+s19], $0x40, s11, s19, $0xb8;
	[tilespmem:$0x16620] =	vst v63  }
0x50: {  	_ =	swait.ge [sflag:s28], $0x1400  }
0x51: {  	[sflag:s28] =	ssyncset.done $0x0  }
0x52: {  	[sflag:s28] =	ssyncadd.s32 $0xFFFFEC00  }
0x53: {  	[spmem:s2] =	stream.indirect.scatter.add.f32 [tilespmem:s20], [sflag:$0x6], $0x40, s18, s19, $0xb8;
	[tilespmem:$0x16620] =	vst v63  }
0x54: {  	s12 =	simm.s32 $0x140  }
0x55: {  	[tilespmem:s30], [sflag:$0x5] =	stream.indirect.gather [hbm4b:s4+s19], $0x40, s12, s19, $0xb8;
	[tilespmem:$0x16620] =	vst v63  }
0x56: {  	_ =	swait.ge [sflag:s31], $0x1400  }
0x57: {  	[sflag:s31] =	ssyncset.done $0x0  }
0x58: {  	s11 =	simm.s32 $0x2760;
	[sflag:s31] =	ssyncadd.s32 $0xFFFFEC00  }
0x59: {  	[spmem:s2] =	stream.indirect.scatter.add.f32 [tilespmem:s21], [sflag:$0x7], $0x40, s11, s19, $0xb8;
	[tilespmem:$0x16620] =	vst v63  }
0x5a: {  	_ =	swait.ge [sflag:s22], $0x1400  }
0x5b: {  	[sflag:s22] =	ssyncset.done $0x0  }
0x5c: {  	s12 =	simm.s32 $0x190;
	[sflag:s22] =	ssyncadd.s32 $0xFFFFEC00  }
0x5d: {  	[tilespmem:s20], [sflag:$0x1] =	stream.indirect.gather [hbm4b:s4+s19], $0x40, s12, s19, $0xb8;
	[tilespmem:$0x16620] =	vst v63  }
0x5e: {  	_ =	swait.ge [sflag:s25], $0x1400  }
0x5f: {  	[sflag:s25] =	ssyncset.done $0x0  }
0x60: {  	s11 =	simm.s32 $0x27B0;
	[sflag:s25] =	ssyncadd.s32 $0xFFFFEC00  }
0x61: {  	[spmem:s2] =	stream.indirect.scatter.add.f32 [tilespmem:s23], [sflag:$0x8], $0x40, s11, s19, $0xb8;
	[tilespmem:$0x16620] =	vst v63  }
0x62: {  	_ =	swait.ge [sflag:s0], $0x1400  }
0x63: {  	[sflag:s0] =	ssyncset.done $0x0  }
0x64: {  	s12 =	simm.s32 $0x1E0;
	[sflag:s0] =	ssyncadd.s32 $0xFFFFEC00  }
0x65: {  	[tilespmem:s21], [sflag:$0x2] =	stream.indirect.gather [hbm4b:s4+s19], $0x40, s12, s19, $0xb8;
	[tilespmem:$0x16620] =	vst v63  }
0x66: {  	_ =	swait.ge [sflag:s29], $0x1400  }
0x67: {  	[sflag:s29] =	ssyncset.done $0x0  }
0x68: {  	s11 =	simm.s32 $0x2800;
	[sflag:s29] =	ssyncadd.s32 $0xFFFFEC00  }
0x69: {  	[spmem:s2] =	stream.indirect.scatter.add.f32 [tilespmem:s26], [sflag:$0x9], $0x40, s11, s19, $0xb8;
	[tilespmem:$0x16620] =	vst v63  }
0x6a: {  	_ =	swait.ge [sflag:s1], $0x1400  }
0x6b: {  	[sflag:s1] =	ssyncset.done $0x0  }
0x6c: {  	s12 =	simm.s32 $0x230;
	[sflag:s1] =	ssyncadd.s32 $0xFFFFEC00  }
0x6d: {  	[tilespmem:s23], [sflag:$0x3] =	stream.indirect.gather [hbm4b:s4+s19], $0x40, s12, s19, $0xb8;
	[tilespmem:$0x16620] =	vst v63  }
0x6e: {  	_ =	swait.ge [sflag:s5], $0x1400  }
0x6f: {  	[sflag:s5] =	ssyncset.done $0x0  }
0x70: {  	s11 =	simm.s32 $0x2850;
	[sflag:s5] =	ssyncadd.s32 $0xFFFFEC00  }
0x71: {  	[spmem:s2] =	stream.indirect.scatter.add.f32 [tilespmem:s30], [sflag:$0xA], $0x40, s11, s19, $0xb8;
	[tilespmem:$0x16620] =	vst v63  }
0x72: {  	_ =	swait.ge [sflag:s6], $0x1400  }
0x73: {  	[sflag:s6] =	ssyncset.done $0x0  }
0x74: {  	s12 =	simm.s32 $0x280;
	[sflag:s6] =	ssyncadd.s32 $0xFFFFEC00  }
0x75: {  	[tilespmem:s26], [sflag:$0x4] =	stream.indirect.gather [hbm4b:s4+s19], $0x40, s12, s19, $0xb8;
	[tilespmem:$0x16620] =	vst v63  }
0x76: {  	_ =	swait.ge [sflag:s28], $0x1400  }
0x77: {  	[sflag:s28] =	ssyncset.done $0x0  }
0x78: {  	s11 =	simm.s32 $0x28A0;
	[sflag:s28] =	ssyncadd.s32 $0xFFFFEC00  }
0x79: {  	[spmem:s2] =	stream.indirect.scatter.add.f32 [tilespmem:s20], [sflag:$0x6], $0x40, s11, s19, $0xb8;
	[tilespmem:$0x16620] =	vst v63  }
0x7a: {  	_ =	swait.ge [sflag:s8], $0x1400  }
0x7b: {  	[sflag:s8] =	ssyncset.done $0x0  }
0x7c: {  	s12 =	simm.s32 $0x2D0;
	[sflag:s8] =	ssyncadd.s32 $0xFFFFEC00  }
0x7d: {  	[tilespmem:s30], [sflag:$0x5] =	stream.indirect.gather [hbm4b:s4+s19], $0x40, s12, s19, $0xb8;
	[tilespmem:$0x16620] =	vst v63  }
0x7e: {  	_ =	swait.ge [sflag:s31], $0x1400  }
0x7f: {  	[sflag:s31] =	ssyncset.done $0x0  }
0x80: {  	s11 =	simm.s32 $0x28F0;
	[sflag:s31] =	ssyncadd.s32 $0xFFFFEC00  }
0x81: {  	[spmem:s2] =	stream.indirect.scatter.add.f32 [tilespmem:s21], [sflag:$0x7], $0x40, s11, s19, $0xb8;
	[tilespmem:$0x16620] =	vst v63  }
0x82: {  	_ =	swait.ge [sflag:s22], $0x1400  }
0x83: {  	[sflag:s22] =	ssyncset.done $0x0  }
0x84: {  	s12 =	simm.s32 $0x320;
	[sflag:s22] =	ssyncadd.s32 $0xFFFFEC00  }
0x85: {  	[tilespmem:s20], [sflag:$0x1] =	stream.indirect.gather [hbm4b:s4+s19], $0x40, s12, s19, $0xb8;
	[tilespmem:$0x16620] =	vst v63  }
0x86: {  	_ =	swait.ge [sflag:s25], $0x1400  }
0x87: {  	[sflag:s25] =	ssyncset.done $0x0  }
0x88: {  	s11 =	simm.s32 $0x2940;
	[sflag:s25] =	ssyncadd.s32 $0xFFFFEC00  }
0x89: {  	[spmem:s2] =	stream.indirect.scatter.add.f32 [tilespmem:s23], [sflag:$0x8], $0x40, s11, s19, $0xb8;
	[tilespmem:$0x16620] =	vst v63  }
0x8a: {  	_ =	swait.ge [sflag:s0], $0x1400  }
0x8b: {  	[sflag:s0] =	ssyncset.done $0x0  }
0x8c: {  	s12 =	simm.s32 $0x370;
	[sflag:s0] =	ssyncadd.s32 $0xFFFFEC00  }
0x8d: {  	[tilespmem:s21], [sflag:$0x2] =	stream.indirect.gather [hbm4b:s4+s19], $0x40, s12, s19, $0xb8;
	[tilespmem:$0x16620] =	vst v63  }
0x8e: {  	_ =	swait.ge [sflag:s29], $0x1400  }
0x8f: {  	[sflag:s29] =	ssyncset.done $0x0  }
0x90: {  	s11 =	simm.s32 $0x2990;
	[sflag:s29] =	ssyncadd.s32 $0xFFFFEC00  }
0x91: {  	[spmem:s2] =	stream.indirect.scatter.add.f32 [tilespmem:s26], [sflag:$0x9], $0x40, s11, s19, $0xb8;
	[tilespmem:$0x16620] =	vst v63  }
0x92: {  	_ =	swait.ge [sflag:s1], $0x1400  }
0x93: {  	[sflag:s1] =	ssyncset.done $0x0  }
0x94: {  	s12 =	simm.s32 $0x3C0;
	[sflag:s1] =	ssyncadd.s32 $0xFFFFEC00  }
0x95: {  	[tilespmem:s23], [sflag:$0x3] =	stream.indirect.gather [hbm4b:s4+s19], $0x40, s12, s19, $0xb8;
	[tilespmem:$0x16620] =	vst v63  }
0x96: {  	_ =	swait.ge [sflag:s5], $0x1400  }
0x97: {  	[sflag:s5] =	ssyncset.done $0x0  }
0x98: {  	s10 =	simm.s32 $0x640;
	s11 =	simm.s32 $0x29E0;
	[sflag:s5] =	ssyncadd.s32 $0xFFFFEC00  }
.LBB2_4:
0x99: {  	[spmem:s2] =	stream.indirect.scatter.add.f32 [tilespmem:s30], [sflag:$0xA], $0x40, s11, s19, $0xb8;
	[tilespmem:$0x16620] =	vst v63  }
0x9a: {  	s11 =	smov.u32 s10;
	s10 =	sadd.s32 $0x640, s10;
	_ =	swait.ge [sflag:s6], $0x1400  }
0x9b: {  	s11 =	sshra.s32 s11, $0x2;
	p0 =	sne.s32 s10, $0x8FC0;
	[sflag:s6] =	ssyncset.done $0x0  }
0x9c: {  	s12 =	sadd.s32 $0x280, s11;
	[sflag:s6] =	ssyncadd.s32 $0xFFFFEC00  }
0x9d: {  	[tilespmem:s26], [sflag:$0x4] =	stream.indirect.gather [hbm4b:s4+s19], $0x40, s12, s19, $0xb8;
	[tilespmem:$0x16620] =	vst v63  }
0x9e: {  	_ =	swait.ge [sflag:s28], $0x1400  }
0x9f: {  	[sflag:s28] =	ssyncset.done $0x0  }
0xa0: {  	s12 =	sadd.s32 $0x28A0, s11;
	[sflag:s28] =	ssyncadd.s32 $0xFFFFEC00  }
0xa1: {  	[spmem:s2] =	stream.indirect.scatter.add.f32 [tilespmem:s20], [sflag:$0x6], $0x40, s12, s19, $0xb8;
	[tilespmem:$0x16620] =	vst v63  }
0xa2: {  	_ =	swait.ge [sflag:s8], $0x1400  }
0xa3: {  	[sflag:s8] =	ssyncset.done $0x0  }
0xa4: {  	s12 =	sadd.s32 $0x2D0, s11;
	[sflag:s8] =	ssyncadd.s32 $0xFFFFEC00  }
0xa5: {  	[tilespmem:s30], [sflag:$0x5] =	stream.indirect.gather [hbm4b:s4+s19], $0x40, s12, s19, $0xb8;
	[tilespmem:$0x16620] =	vst v63  }
0xa6: {  	_ =	swait.ge [sflag:s31], $0x1400  }
0xa7: {  	[sflag:s31] =	ssyncset.done $0x0  }
0xa8: {  	s12 =	sadd.s32 $0x28F0, s11;
	[sflag:s31] =	ssyncadd.s32 $0xFFFFEC00  }
0xa9: {  	[spmem:s2] =	stream.indirect.scatter.add.f32 [tilespmem:s21], [sflag:$0x7], $0x40, s12, s19, $0xb8;
	[tilespmem:$0x16620] =	vst v63  }
0xaa: {  	_ =	swait.ge [sflag:s22], $0x1400  }
0xab: {  	[sflag:s22] =	ssyncset.done $0x0  }
0xac: {  	s12 =	sadd.s32 $0x320, s11;
	[sflag:s22] =	ssyncadd.s32 $0xFFFFEC00  }
0xad: {  	[tilespmem:s20], [sflag:$0x1] =	stream.indirect.gather [hbm4b:s4+s19], $0x40, s12, s19, $0xb8;
	[tilespmem:$0x16620] =	vst v63  }
0xae: {  	_ =	swait.ge [sflag:s25], $0x1400  }
0xaf: {  	[sflag:s25] =	ssyncset.done $0x0  }
0xb0: {  	s12 =	sadd.s32 $0x2940, s11;
	[sflag:s25] =	ssyncadd.s32 $0xFFFFEC00  }
0xb1: {  	[spmem:s2] =	stream.indirect.scatter.add.f32 [tilespmem:s23], [sflag:$0x8], $0x40, s12, s19, $0xb8;
	[tilespmem:$0x16620] =	vst v63  }
0xb2: {  	_ =	swait.ge [sflag:s0], $0x1400  }
0xb3: {  	[sflag:s0] =	ssyncset.done $0x0  }
0xb4: {  	s12 =	sadd.s32 $0x370, s11;
	[sflag:s0] =	ssyncadd.s32 $0xFFFFEC00  }
0xb5: {  	[tilespmem:s21], [sflag:$0x2] =	stream.indirect.gather [hbm4b:s4+s19], $0x40, s12, s19, $0xb8;
	[tilespmem:$0x16620] =	vst v63  }
0xb6: {  	_ =	swait.ge [sflag:s29], $0x1400  }
0xb7: {  	[sflag:s29] =	ssyncset.done $0x0  }
0xb8: {  	s12 =	sadd.s32 $0x2990, s11;
	[sflag:s29] =	ssyncadd.s32 $0xFFFFEC00  }
0xb9: {  	[spmem:s2] =	stream.indirect.scatter.add.f32 [tilespmem:s26], [sflag:$0x9], $0x40, s12, s19, $0xb8;
	[tilespmem:$0x16620] =	vst v63  }
0xba: {  	_ =	swait.ge [sflag:s1], $0x1400  }
0xbb: {  	[sflag:s1] =	ssyncset.done $0x0  }
.Ltmp1:
0xbc: {  	s12 =	sadd.s32 $0x3C0, s11;
	[sflag:s1] =	ssyncadd.s32 $0xFFFFEC00;
	(pc) =	sbr.rel @p0 .LBB2_4-.Ltmp1, $4  }
0xbd: {  	[tilespmem:s23], [sflag:$0x3] =	stream.indirect.gather [hbm4b:s4+s19], $0x40, s12, s19, $0xb8;
	[tilespmem:$0x16620] =	vst v63  }
0xbe: {  	_ =	swait.ge [sflag:s5], $0x1400  }
0xbf: {  	[sflag:s5] =	ssyncset.done $0x0  }
0xc0: {  	s11 =	sadd.s32 $0x29E0, s11;
	[sflag:s5] =	ssyncadd.s32 $0xFFFFEC00  }
0xc1: {  	[spmem:s2] =	stream.indirect.scatter.add.f32 [tilespmem:s30], [sflag:$0xA], $0x40, s11, s19, $0xb8;
	[tilespmem:$0x16620] =	vst v63  }
0xc2: {  	_ =	swait.ge [sflag:s6], $0x1400  }
0xc3: {  	s10 =	sshra.s32 s10, $0x2;
	[sflag:s6] =	ssyncset.done $0x0  }
0xc4: {  	s12 =	sadd.s32 $0x280, s10;
	[sflag:s6] =	ssyncadd.s32 $0xFFFFEC00  }
0xc5: {  	[tilespmem:s26], [sflag:$0x4] =	stream.indirect.gather [hbm4b:s4+s19], $0x40, s12, s19, $0xb8;
	[tilespmem:$0x16620] =	vst v63  }
0xc6: {  	_ =	swait.ge [sflag:s28], $0x1400  }
0xc7: {  	[sflag:s28] =	ssyncset.done $0x0  }
0xc8: {  	s12 =	sadd.s32 $0x28A0, s10;
	[sflag:s28] =	ssyncadd.s32 $0xFFFFEC00  }
0xc9: {  	[spmem:s2] =	stream.indirect.scatter.add.f32 [tilespmem:s20], [sflag:$0x6], $0x40, s12, s19, $0xb8;
	[tilespmem:$0x16620] =	vst v63  }
0xca: {  	_ =	swait.ge [sflag:s8], $0x1400  }
0xcb: {  	[sflag:s8] =	ssyncset.done $0x0  }
0xcc: {  	s12 =	sadd.s32 $0x2D0, s10;
	[sflag:s8] =	ssyncadd.s32 $0xFFFFEC00  }
0xcd: {  	[tilespmem:s30], [sflag:$0x5] =	stream.indirect.gather [hbm4b:s4+s19], $0x40, s12, s19, $0xb8;
	[tilespmem:$0x16620] =	vst v63  }
0xce: {  	_ =	swait.ge [sflag:s31], $0x1400  }
0xcf: {  	[sflag:s31] =	ssyncset.done $0x0  }
0xd0: {  	s12 =	sadd.s32 $0x28F0, s10;
	[sflag:s31] =	ssyncadd.s32 $0xFFFFEC00  }
0xd1: {  	[spmem:s2] =	stream.indirect.scatter.add.f32 [tilespmem:s21], [sflag:$0x7], $0x40, s12, s19, $0xb8;
	[tilespmem:$0x16620] =	vst v63  }
0xd2: {  	_ =	swait.ge [sflag:s22], $0x1400  }
0xd3: {  	[sflag:s22] =	ssyncset.done $0x0  }
0xd4: {  	[sflag:s22] =	ssyncadd.s32 $0xFFFFEC00  }
0xd5: {  	_ =	swait.ge [sflag:s25], $0x1400  }
0xd6: {  	[sflag:s25] =	ssyncset.done $0x0  }
0xd7: {  	s12 =	sadd.s32 $0x2940, s10;
	[sflag:s25] =	ssyncadd.s32 $0xFFFFEC00  }
0xd8: {  	[spmem:s2] =	stream.indirect.scatter.add.f32 [tilespmem:s23], [sflag:$0x8], $0x40, s12, s19, $0xb8;
	[tilespmem:$0x16620] =	vst v63  }
0xd9: {  	_ =	swait.ge [sflag:s0], $0x1400  }
0xda: {  	[sflag:s0] =	ssyncset.done $0x0  }
0xdb: {  	[sflag:s0] =	ssyncadd.s32 $0xFFFFEC00  }
0xdc: {  	_ =	swait.ge [sflag:s29], $0x1400  }
0xdd: {  	[sflag:s29] =	ssyncset.done $0x0  }
0xde: {  	s12 =	sadd.s32 $0x2990, s10;
	[sflag:s29] =	ssyncadd.s32 $0xFFFFEC00  }
0xdf: {  	[spmem:s2] =	stream.indirect.scatter.add.f32 [tilespmem:s26], [sflag:$0x9], $0x40, s12, s19, $0xb8;
	[tilespmem:$0x16620] =	vst v63  }
0xe0: {  	_ =	swait.ge [sflag:s1], $0x1400  }
0xe1: {  	[sflag:s1] =	ssyncset.done $0x0  }
0xe2: {  	[sflag:s1] =	ssyncadd.s32 $0xFFFFEC00  }
0xe3: {  	_ =	swait.ge [sflag:s5], $0x1400  }
0xe4: {  	[sflag:s5] =	ssyncset.done $0x0  }
0xe5: {  	s10 =	sadd.s32 $0x29E0, s10;
	[sflag:s5] =	ssyncadd.s32 $0xFFFFEC00  }
0xe6: {  	[spmem:s2] =	stream.indirect.scatter.add.f32 [tilespmem:s30], [sflag:$0xA], $0x40, s10, s19, $0xb8;
	[tilespmem:$0x16620] =	vst v63  }
0xe7: {  	_ =	swait.ge [sflag:s6], $0x1400  }
0xe8: {  	[sflag:s6] =	ssyncset.done $0x0  }
0xe9: {  	[sflag:s6] =	ssyncadd.s32 $0xFFFFEC00  }
0xea: {  	s9 =	sadd.s32 $0x1, s9;
	_ =	swait.ge [sflag:s8], $0x1400  }
0xeb: {  	s11 =	stileid.u32;
	p0 =	sne.s32 s9, s16;
	[sflag:s8] =	ssyncset.done $0x0  }
0xec: {  	s12 =	sshrl.u32 s7, $0x3;
	s10 =	sshll.u32 s11, $0x6;
	[sflag:s8] =	ssyncadd.s32 $0xFFFFEC00  }
.Ltmp2:
0xed: {  	s10 =	sor.u32 $0x1C0B, s10;
	[bflag:$0x0] =	sbarrier.arrive $0xFFFF;
	(pc) =	sbr.rel @p0 .LBB2_1-.Ltmp2, $4  }
0xee: {  	[hbm:s15], [sflag:s10] =	dma.local [spmem:s12], $0x1400  }
0xef: {  	_ =	swait.ge [sflag:s17], $0x1400  }
0xf0: {  	[sflag:s17] =	ssyncset.done $0x0  }
0xf1: {  	[sflag:s17] =	ssyncadd.s32 $0xFFFFEC00  }
0xf2: {  	_ =	sfence.sel $0x180000  }
0xf3: {  	[bflag:$0x0] =	sbarrier.arrive $0xFFFF  }
0xf4: {  	_ =	strace $0x9000004A  }
0xf5: {  	s0 =	stileid.u32;
	[bflag:$0x2] =	sbarrier.arrive $0xFFFF  }
0xf6: {  	p0 =	sne.s32 s0, $0x0;
	s0 =	rddreg [dreg:$0x2]  }
0xf7: {  	s0 =	sadd.s32 @!p0 $0x100000, s0  }
0xf8: {  	[sflag:s0] =	ssyncadd.tile.s32 @!p0 $0x1;
	_ =	shalt  }
.Lfunc_end2:
_tile_overlayer_lowered:
.L_overlay_start_2:
0xf9: {  	(tag) =	ssettag $0x2  }
0xfa: {  	s0 =	rddreg [dreg:$0x0];
	s2 =	stileid.u32  }
0xfb: {  	s1 =	rddreg [dreg:$0x1];
	p0 =	sne.s32 s2, $0x0  }
0xfc: {  	s3 =	rddreg [dreg:$0x2];
	[bflag:$0x3] =	sbarrier.arrive $0xFFFF;
	s2 =	simm.s32 @!p0 $0x1C0B  }
0xfd: {  	[timem:s3], [sflag:s2] =	dma.local @!p0 [hbm:s0], s1  }
0xfe: {  	s0 =	simm.s32 @!p0 $0xB  }
0xff: {  	_ =	swait.ge @!p0 [sflag:s0], s1  }
0x100: {  	s1 =	ssub.s32 @!p0 $0x0, s1;
	[sflag:s0] =	ssyncset.done @!p0 $0x0  }
0x101: {  	[sflag:s0] =	ssyncadd.s32 @!p0 s1  }
0x102: {  	[bflag:$0x3] =	sbarrier.arrive $0xFFFF  }
0x103: {  	_ =	shalt  }

// kernel: kernel.15.cloned.1.call-start
scs
__scs_entry_jumppad:
0x0: {  	(pc) =	sbr.rel $0x88, $3  }
0x1: {  	(tag) =	ssettag $0x0;
	lr =	simm.s32 $0x1  }
0x2: {  	[smem:$0x3F9A] =	sst lr;
	_ =	strace $0xD0000000  }
0x3: {  	_ = 	snop  }
0x4: {  	_ = 	snop  }
0x5: {  	_ = 	snop  }
0x6: {  	_ = 	snop  }
0x7: {  	_ = 	snop  }
__scs_overlays_trampoline_lowered:
0x8: {  	[smem:$0x3FA9] =	sst s0  }
0x9: {  	[smem:$0x3FAA] =	sst s1  }
0xa: {  	[smem:$0x3FAB] =	sst s2  }
0xb: {  	[smem:$0x3FAC] =	sst s3  }
0xc: {  	[smem:$0x3FAD] =	sst s4  }
0xd: {  	[smem:$0x3FAE] =	sst s5  }
0xe: {  	[smem:$0x3FAF] =	sst s6  }
0xf: {  	[smem:$0x3FB0] =	sst s7  }
0x10: {  	[smem:$0x3FB1] =	sst s8  }
0x11: {  	[smem:$0x3FB2] =	sst s9;
	s0 =	simm.s32 @!p0 $0x0  }
0x12: {  	s1 =	sld [smem:$0x3F98];
	s0 =	simm.s32 @p0 $0x1  }
0x13: {  	[smem:$0x3FB3] =	sst s0;
	s0 =	simm.s32 @!p1 $0x0  }
0x14: {  	s2 =	sld [smem:$0x3F97];
	s0 =	simm.s32 @p1 $0x1  }
0x15: {  	[smem:$0x3FB4] =	sst s0;
	s0 =	simm.s32 @!p2 $0x0  }
0x16: {  	s3 =	sld [smem:$0x3FDB];
	s0 =	simm.s32 @p2 $0x1  }
0x17: {  	s4 =	simm.s32 $0x1BF5;
	[smem:$0x3FB6] =	sst s0  }
0x18: {  	s0 =	sld [smem:$0x3F99];
	_ =	swait.ge [sflag:s4], $0x0  }
0x19: {  	s7 =	sld [smem:$0x3F9A]  }
0x1a: {  	s8 =	sadd.s32 $0xFFFFE003, lr  }
0x1b: {  	s9 =	sadd.s32 $0xFFFFFEF7, lr;
	s5 =	simm.s32 $0xFFFFFFFF;
	p2 =	slt.u32 s8, $0xFFFFF086  }
0x1c: {  	p1 =	slt.u32 s9, $0xF7A;
	s5 =	simm.s32 @!p2 $0x0  }
0x1d: {  	s5 =	simm.s32 @p1 $0x1;
	p0 =	seq.s32 s7, s2  }
0x1e: {  	s7 =	smul.u32 @!p0 $0xF7A, s2;
	p2 =	seq.s32 @!p0 s5, $0x0  }
0x1f: {  	s9 =	smul.u32 $0xF7A, s1;
	s8 =	simm.s32 @!p0 $0x1BF5;
	p2 =	por !p2, p0  }
0x20: {  	[sflag:s8] =	ssyncset.s32 @!p0 $0xFFFFF086;
	s6 =	sadd.s32 @!p0 s3, s7;
	s7 =	simm.s32 @!p0 $0x108  }
0x21: {  	s3 =	sadd.s32 s3, s9;
	s6 =	sadd.s32 @!p0 $0x88, s6;
	s7 =	simm.s32 @p2 $0x1082  }
0x22: {  	[simem:s7], [sflag:s8] =	dma.local @!p0 [hbm:s6], $0xF7A  }
0x23: {  	s9 =	sor.u32 $0xD0000000, s2;
	s6 =	simm.s32 $0x108;
	_ =	swait.ge @!p0 [sflag:s8], $0x0  }
0x24: {  	s3 =	sadd.s32 $0x88, s3;
	s6 =	simm.s32 @!p1 $0x1082;
	[sflag:s4] =	ssyncset.s32 $0xFFFFF086  }
0x25: {  	[simem:s6], [sflag:s4] =	dma.local [hbm:s3], $0xF7A  }
0x26: {  	[smem:$0x3F9A] =	sst s1;
	(tag) =	ssettag s2;
	_ =	strace s9  }
0x27: {  	s1 =	sld [smem:$0x3FAA]  }
0x28: {  	s2 =	sld [smem:$0x3FAB]  }
0x29: {  	s4 =	sld [smem:$0x3FAD]  }
0x2a: {  	p0 =	seq.s32 s5, $0x0;
	s5 =	sld [smem:$0x3FAE]  }
0x2b: {  	s6 =	sld [smem:$0x3FAF]  }
0x2c: {  	s7 =	sld [smem:$0x3FB0]  }
0x2d: {  	s3 =	simm.s32 $0x108;
	s8 =	sld [smem:$0x3FB1]  }
0x2e: {  	s3 =	simm.s32 @!p0 $0x1082;
	s9 =	sld [smem:$0x3FB2]  }
0x2f: {  	lr =	sadd.s32 s0, s3;
	s0 =	sld [smem:$0x3FA9]  }
0x30: {  	s3 =	sld [smem:$0x3FAC]  }
0x31: {  	[smem:$0x3FB5] =	sst s10  }
0x32: {  	s10 =	sld [smem:$0x3FB3];
	_ =	sdelay $0x3  }
0x33: {  	p0 =	seq.s32 s10, $0x1;
	s10 =	sld [smem:$0x3FB5];
	_ =	sdelay $0x3  }
0x34: {  	[smem:$0x3FB5] =	sst s10  }
0x35: {  	s10 =	sld [smem:$0x3FB4];
	_ =	sdelay $0x3  }
0x36: {  	p1 =	seq.s32 s10, $0x1;
	s10 =	sld [smem:$0x3FB5];
	_ =	sdelay $0x3  }
0x37: {  	[smem:$0x3FB5] =	sst s10  }
0x38: {  	s10 =	sld [smem:$0x3FB6]  }
0x39: {  	_ = 	snop;
	(pc) =	sbr.ind lr, $3  }
0x3a: {  	_ = 	snop  }
0x3b: {  	_ = 	snop  }
0x3c: {  	p2 =	seq.s32 s10, $0x1;
	s10 =	sld [smem:$0x3FB5]  }
0x3d: {  	_ =	shalt  }
0x3e: {  	_ =	shalt  }
0x3f: {  	_ =	shalt  }
0x40: {  	_ =	shalt  }
0x41: {  	_ =	shalt  }
0x42: {  	_ =	shalt  }
0x43: {  	_ =	shalt  }
0x44: {  	_ =	shalt  }
0x45: {  	_ =	shalt  }
0x46: {  	_ =	shalt  }
0x47: {  	_ =	shalt  }
0x48: {  	_ =	shalt  }
0x49: {  	_ =	shalt  }
0x4a: {  	_ =	shalt  }
0x4b: {  	_ =	shalt  }
0x4c: {  	_ =	shalt  }
0x4d: {  	_ =	shalt  }
0x4e: {  	_ =	shalt  }
0x4f: {  	_ =	shalt  }
0x50: {  	_ =	shalt  }
0x51: {  	_ =	shalt  }
0x52: {  	_ =	shalt  }
0x53: {  	_ =	shalt  }
0x54: {  	_ =	shalt  }
0x55: {  	_ =	shalt  }
0x56: {  	_ =	shalt  }
0x57: {  	_ =	shalt  }
0x58: {  	_ =	shalt  }
0x59: {  	_ =	shalt  }
0x5a: {  	_ =	shalt  }
0x5b: {  	_ =	shalt  }
0x5c: {  	_ =	shalt  }
0x5d: {  	_ =	shalt  }
0x5e: {  	_ =	shalt  }
0x5f: {  	_ =	shalt  }
0x60: {  	_ =	shalt  }
0x61: {  	_ =	shalt  }
0x62: {  	_ =	shalt  }
0x63: {  	_ =	shalt  }
0x64: {  	_ =	shalt  }
0x65: {  	_ =	shalt  }
0x66: {  	_ =	shalt  }
0x67: {  	_ =	shalt  }
0x68: {  	_ =	shalt  }
0x69: {  	_ =	shalt  }
0x6a: {  	_ =	shalt  }
0x6b: {  	_ =	shalt  }
0x6c: {  	_ =	shalt  }
0x6d: {  	_ =	shalt  }
0x6e: {  	_ =	shalt  }
0x6f: {  	_ =	shalt  }
0x70: {  	_ =	shalt  }
0x71: {  	_ =	shalt  }
0x72: {  	_ =	shalt  }
0x73: {  	_ =	shalt  }
0x74: {  	_ =	shalt  }
0x75: {  	_ =	shalt  }
0x76: {  	_ =	shalt  }
0x77: {  	_ =	shalt  }
0x78: {  	_ =	shalt  }
0x79: {  	_ =	shalt  }
0x7a: {  	_ =	shalt  }
0x7b: {  	_ =	shalt  }
0x7c: {  	_ =	shalt  }
0x7d: {  	_ =	shalt  }
0x7e: {  	_ =	shalt  }
0x7f: {  	_ =	shalt  }
0x80: {  	_ =	shalt  }
0x81: {  	_ =	shalt  }
0x82: {  	_ =	shalt  }
0x83: {  	_ =	shalt  }
0x84: {  	_ =	shalt  }
0x85: {  	_ =	shalt  }
0x86: {  	_ =	shalt  }
0x87: {  	_ =	shalt  }
.Lfunc_end0:
.L_simem_size_0:
called_computation.2_lowered:
.L_overlay_start_0:
0x88: {  	s2 =	sld [smem:$0x3FD9]  }
0x89: {  	s3 =	sld [smem:$0x3FFE];
	_ =	sdelay $0x1  }
0x8a: {  	s1 =	srdreg.scid  }
0x8b: {  	s0 =	sand.u32 $0x1, s1  }
0x8c: {  	s16 =	sshll.u32 s0, $0xA;
	s2 =	sadd.s32 s3, s2  }
0x8d: {  	s2 =	sadd.s32 s2, s16  }
0x8e: {  	[smem:$0x3FC1] =	sst s2  }
0x8f: {  	_ = 	snop  }
0x90: {  	(tm) =	ssettm $0x1  }
0x91: {  	s17 =	sld [smem:$0x3FFB];
	_ =	sdelay $0x3  }
0x92: {  	_ =	strace s17  }
0x93: {  	s2 =	sld [smem:$0x3FFC];
	_ =	sdelay $0x3  }
0x94: {  	_ =	strace s2  }
0x95: {  	s2 =	sld [smem:$0x3FFD];
	_ =	sdelay $0x3  }
0x96: {  	_ =	strace s2  }
0x97: {  	_ =	strace $0x8FFFFFFF  }
0x98: {  	s18 =	sld [smem:$0x3FDB];
	_ =	sdelay $0x1  }
0x99: {  	s19 =	simm.s32 $_scs_section_size  }
0x9a: {  	s4 =	simm.s32 $_size__tile_overlayer_lowered;
	s5 =	simm.s32 $_tile_overlayer_lowered  }
0x9b: {  	s22 =	simm.s32 $0x1BFF;
	s21 =	sshll.u32 s5, $0x1;
	s2 =	sadd.s32 s19, s18  }
0x9c: {  	s6 =	simm.s32 $0x0;
	s20 =	sshll.u32 s4, $0x1;
	s4 =	sadd.s32 s21, s2  }
0x9d: {  	[timem:s6], [sflag:s22] =	dma.local [hbm:s4], s20  }
0x9e: {  	_ =	swait.ge [sflag:s22], s20  }
0x9f: {  	s3 =	ssub.s32 $0x0, s20;
	[sflag:s22] =	ssyncset.done $0x0  }
0xa0: {  	[sflag:s22] =	ssyncadd.s32 s3;
	_ =	sdelay $0x1  }
0xa1: {  	s23 =	simm.s32 $0x1B8B  }
0xa2: {  	_ =	swait.ge [sflag:s23], $0x1  }
0xa3: {  	[sflag:s23] =	ssyncset.done $0x0  }
0xa4: {  	s25 =	simm.s32 $0x1B8E;
	s24 =	sld [smem:$0x3FFE];
	[sflag:s23] =	ssyncadd.s32 $0xFFFFFFFF  }
0xa5: {  	s26 =	simm.s32 $execute0_lowered;
	[smem:$0x3FD2] =	sst s25  }
0xa6: {  	s4 =	sshll.u32 s26, $0x1;
	_ =	strace $0x8000004C;
	[dreg:$0x1] =	wrdreg $0xFFFFFFFF  }
0xa7: {  	s28 =	simm.s32 $_size_execute0_lowered;
	s2 =	sadd.s32 s2, s4;
	[dreg:$0x0] =	wrdreg $0x0  }
0xa8: {  	s4 =	sshll.u32 s28, $0x1;
	[dreg:$0x2] =	wrdreg s2  }
0xa9: {  	[dreg:$0x3] =	wrdreg s4  }
0xaa: {  	[dreg:$0x4] =	wrdreg $0xC0  }
0xab: {  	_ =	task [dreg:s6], $0x5FFFF  }
0xac: {  	[dreg:$0x1] =	wrdreg $0xFFFFFFFF  }
0xad: {  	[dreg:$0x0] =	wrdreg $0x60  }
0xae: {  	[dreg:$0x2] =	wrdreg s24  }
0xaf: {  	[dreg:$0x3] =	wrdreg $0xC6200  }
0xb0: {  	[dreg:$0x4] =	wrdreg $0x9  }
0xb1: {  	_ =	task.clear_ibuf [dreg:s6], $0x5FFFF;
	_ =	strace $0x9000004C  }
0xb2: {  	s29 =	simm.s32 $0x9;
	_ =	strace $0x8000004E  }
0xb3: {  	_ =	swait.ge [sflag:s29], $0x1  }
0xb4: {  	[sflag:s29] =	ssyncadd.s32 $0xFFFFFFFF  }
0xb5: {  	_ =	strace $0x9000004E  }
0xb6: {  	_ =	sfence  }
0xb7: {  	s30 =	sld [smem:$0x0];
	_ =	sdelay $0x2  }
0xb8: {  	s31 =	sshll.u32 s1, $0xD;
	s1 =	sshrl.u32 s1, $0x2  }
0xb9: {  	s3 =	sand.u32 $0x4000, s31;
	s1 =	sadd.s32 s1, s30  }
0xba: {  	s0 =	sor.u32 s3, s0;
	s1 =	sshll.u32 s1, $0x11  }
0xbb: {  	s0 =	sor.u32 s1, s0  }
0xbc: {  	s0 =	sadd.s32 $0x8F2B, s0  }
0xbd: {  	[sflag:s0] =	ssyncadd.remote.s32 $0x1  }
0xbe: {  	_ =	sfence.sel $0xFFFF  }
0xbf: {  	[dreg:$0x0] =	wrdreg $0xFFFFFFFF;
	(pc) =	sbr.abs _section_cstart, $3  }
0xc0: {  	[dreg:$0x1] =	wrdreg $0xFFFFFFFF  }
0xc1: {  	_ =	task.clear_ibuf [dreg:s6], $0x2FFFF;
	_ =	strace $0x9FFFFFFF  }
0xc2: {  	(tm) =	ssettm $0x7FFFFFFF  }
0xc3: {  	_ =	shalt  }
tec
execute0_lowered:
.L_overlay_start_1:
0x0: {  	(tag) =	ssettag $0x1  }
0x1: {  	s0 =	rddreg [dreg:$0x0]  }
0x2: {  	s2 =	rddreg [dreg:$0x1];
	s1 =	srdreg.scid  }
0x3: {  	s8 =	stileid.u32;
	s3 =	simm.s32 $0x0;
	s17 =	simm.s32 $0xB  }
0x4: {  	s18 =	simm.s32 $0x2710;
	s28 =	simm.s32 $0x1;
	s30 =	simm.s32 $0xB220  }
0x5: {  	s31 =	simm.s32 $0x2;
	s29 =	simm.s32 $0x4;
	s9 =	simm.s32 $0x0  }
0x6: {  	s1 =	sand.u32 $0x1, s1;
	s5 =	smul.u32 $0xA000, s8;
	[smem:$0x7FF] =	sst s3  }
0x7: {  	s4 =	sshll.u32 s1, $0x4;
	s6 =	smul.u32 $0xA0000, s1;
	_ =	strace $0x8000004D  }
0x8: {  	s1 =	ssub.s32 $0x2, s1;
	s7 =	sor.u32 s8, s4;
	s8 =	smul.u32 $0x28000, s8  }
0x9: {  	s4 =	sadd.s32 $0x3D200, s0;
	s19 =	sshrl.u32 s1, $0x1;
	s7 =	smul.u32 $0x4E2, s7  }
0xa: {  	s6 =	sadd.s32 s5, s6;
	s1 =	ssub.s32 s1, s19;
	s19 =	simm.s32 $0x50  }
0xb: {  	s6 =	sshrl.u32 s6, $0x3;
	s21 =	sshrl.u32 s8, $0x2;
	s16 =	smax.u32 s1, $0x1  }
0xc: {  	s1 =	simm.s32 $0x8;
	s8 =	simm.s32 $0xA;
	s7 =	sadd.s32 s7, s0  }
0xd: {  	s0 =	sadd.s32 s6, s0;
	s22 =	sadd.s32 s21, s2;
	s20 =	sadd.s32 $0x2400, s7  }
0xe: {  	s21 =	simm.s32 $0x7620;
	s7 =	sadd.s32 $0xC200, s7;
	[dreg:$0x3] =	wrdreg s20  }
0xf: {  	s6 =	sadd.s32 $0x1400, s22;
	s23 =	sadd.s32 $0x2800, s22;
	[dreg:$0x4] =	wrdreg s7  }
0x10: {  	s24 =	sadd.s32 $0x3C00, s22;
	s25 =	sadd.s32 $0x5000, s22;
	[dreg:$0x5] =	wrdreg s6  }
0x11: {  	s26 =	sadd.s32 $0x6400, s22;
	s13 =	sadd.s32 $0x7800, s22;
	[dreg:$0x6] =	wrdreg s23  }
0x12: {  	s14 =	sadd.s32 $0x8C00, s22;
	s15 =	sadd.s32 $0x50C00, s0;
	[dreg:$0x7] =	wrdreg s24  }
0x13: {  	s22 =	simm.s32 $0x6;
	s0 =	simm.s32 $0x7;
	[dreg:$0x8] =	wrdreg s25  }
0x14: {  	s7 =	sadd.s32 s5, s2;
	[dreg:$0x9] =	wrdreg s26;
	s20 =	simm.s32 $0x6220  }
0x15: {  	s23 =	simm.s32 $0x8A20;
	s24 =	simm.s32 $0x4E20;
	s26 =	simm.s32 $0x9E20  }
0x16: {  	v0 =	vimm.f32 $0.0e+00;
	s25 =	simm.s32 $0x3;
	s5 =	simm.s32 $0x5;
	s6 =	simm.s32 $0x9  }
.LBB2_1:
0x17: {  	s10 =	rddreg [dreg:$0x3]  }
0x18: {  	[tilespmem:s3], [sflag:$0xB] =	stream.linear.gather [hbm4b:s10+s3], $0x2710, $0x38;
	[tilespmem:$0x16620] =	vst v63  }
0x19: {  	_ =	swait.ge [sflag:s17], $0x2710  }
0x1a: {  	[sflag:s17] =	ssyncset.done $0x0  }
0x1b: {  	s11 =	rddreg [dreg:$0x4];
	[sflag:s17] =	ssyncadd.s32 $0xFFFFD8F0  }
0x1c: {  	[tilespmem:s18], [sflag:$0xB] =	stream.linear.gather [hbm4b:s11+s3], $0x2710, $0x38;
	[tilespmem:$0x16620] =	vst v63  }
0x1d: {  	_ =	swait.ge [sflag:s17], $0x2710  }
0x1e: {  	[sflag:s17] =	ssyncset.done $0x0  }
0x1f: {  	[sflag:s17] =	ssyncadd.s32 $0xFFFFD8F0  }
0x20: {  	[tilespmem:s20], [sflag:$0x1] =	stream.indirect.gather [hbm4b:s4+s19], $0x40, s3, s19, $0xb8;
	[tilespmem:$0x16620] =	vst v63  }
0x21: {  	_ = 	snop  }
0x22: {  	[tilespmem:s21], [sflag:$0x2] =	stream.indirect.gather [hbm4b:s4+s19], $0x40, s19, s19, $0xb8;
	[tilespmem:$0x16620] =	vst v63  }
0x23: {  	s12 =	simm.s32 $0xA0;
	s10 =	simm.s32 $0x0;
	s11 =	simm.s32 $0x100  }
0x24: {  	[tilespmem:s23], [sflag:$0x3] =	stream.indirect.gather [hbm4b:s4+s19], $0x40, s12, s19, $0xb8;
	[tilespmem:$0x16620] =	vst v63  }
.LBB2_2:
0x25: {  	p0 =	sne.s32 s11, $0x4F00;
	[tilespmem:s10+$0x4E50] =	vst v0;
	s12 =	smov.u32 s11;
	s11 =	sadd.s32 $0x100, s11  }
.Ltmp0:
0x26: {  	[tilespmem:s10+$0x4E40] =	vst v0;
	(pc) =	sbr.rel @p0 .LBB2_2-.Ltmp0, $3  }
0x27: {  	[tilespmem:s10+$0x4E20] =	vst v0  }
0x28: {  	[tilespmem:s10+$0x4E30] =	vst v0;
	_ =	sdelay $0x1  }
0x29: {  	s10 =	sshra.s32 s12, $0x2  }
0x2a: {  	[tilespmem:s10+$0x4E50] =	vst v0  }
0x2b: {  	[tilespmem:s10+$0x4E40] =	vst v0  }
0x2c: {  	[tilespmem:s10+$0x4E20] =	vst v0  }
0x2d: {  	[tilespmem:s10+$0x4E30] =	vst v0  }
0x2e: {  	[spmem:s7] =	stream.linear.scatter [tilespmem:s24], [sflag:$0xB], $0x1400, $0x38;
	[tilespmem:$0x16620] =	vst v63  }
0x2f: {  	_ =	swait.ge [sflag:s17], $0x1400  }
0x30: {  	[sflag:s17] =	ssyncset.done $0x0  }
0x31: {  	s12 =	rddreg [dreg:$0x5];
	[sflag:s17] =	ssyncadd.s32 $0xFFFFEC00  }
0x32: {  	[spmem:s12] =	stream.linear.scatter [tilespmem:s24], [sflag:$0xB], $0x1400, $0x38;
	[tilespmem:$0x16620] =	vst v63  }
0x33: {  	_ =	swait.ge [sflag:s17], $0x1400  }
0x34: {  	[sflag:s17] =	ssyncset.done $0x0  }
0x35: {  	s11 =	rddreg [dreg:$0x6];
	[sflag:s17] =	ssyncadd.s32 $0xFFFFEC00  }
0x36: {  	[spmem:s11] =	stream.linear.scatter [tilespmem:s24], [sflag:$0xB], $0x1400, $0x38;
	[tilespmem:$0x16620] =	vst v63  }
0x37: {  	_ =	swait.ge [sflag:s17], $0x1400  }
0x38: {  	[sflag:s17] =	ssyncset.done $0x0  }
0x39: {  	s12 =	rddreg [dreg:$0x7];
	[sflag:s17] =	ssyncadd.s32 $0xFFFFEC00  }
0x3a: {  	[spmem:s12] =	stream.linear.scatter [tilespmem:s24], [sflag:$0xB], $0x1400, $0x38;
	[tilespmem:$0x16620] =	vst v63  }
0x3b: {  	_ =	swait.ge [sflag:s17], $0x1400  }
0x3c: {  	[sflag:s17] =	ssyncset.done $0x0  }
0x3d: {  	s11 =	rddreg [dreg:$0x8];
	[sflag:s17] =	ssyncadd.s32 $0xFFFFEC00  }
0x3e: {  	[spmem:s11] =	stream.linear.scatter [tilespmem:s24], [sflag:$0xB], $0x1400, $0x38;
	[tilespmem:$0x16620] =	vst v63  }
0x3f: {  	_ =	swait.ge [sflag:s17], $0x1400  }
0x40: {  	[sflag:s17] =	ssyncset.done $0x0  }
0x41: {  	s12 =	rddreg [dreg:$0x9];
	[sflag:s17] =	ssyncadd.s32 $0xFFFFEC00  }
0x42: {  	[spmem:s12] =	stream.linear.scatter [tilespmem:s24], [sflag:$0xB], $0x1400, $0x38;
	[tilespmem:$0x16620] =	vst v63  }
0x43: {  	_ =	swait.ge [sflag:s17], $0x1400  }
0x44: {  	[sflag:s17] =	ssyncset.done $0x0  }
0x45: {  	[sflag:s17] =	ssyncadd.s32 $0xFFFFEC00  }
0x46: {  	[spmem:s13] =	stream.linear.scatter [tilespmem:s24], [sflag:$0xB], $0x1400, $0x38;
	[tilespmem:$0x16620] =	vst v63  }
0x47: {  	_ =	swait.ge [sflag:s17], $0x1400  }
0x48: {  	[sflag:s17] =	ssyncset.done $0x0  }
0x49: {  	[sflag:s17] =	ssyncadd.s32 $0xFFFFEC00  }
0x4a: {  	[spmem:s14] =	stream.linear.scatter [tilespmem:s24], [sflag:$0xB], $0x1400, $0x38;
	[tilespmem:$0x16620] =	vst v63  }
0x4b: {  	_ =	swait.ge [sflag:s17], $0x1400  }
0x4c: {  	[sflag:s17] =	ssyncset.done $0x0  }
0x4d: {  	[sflag:s17] =	ssyncadd.s32 $0xFFFFEC00  }
0x4e: {  	s11 =	simm.s32 $0xF0;
	[bflag:$0x0] =	sbarrier.arrive $0xFFFF  }
0x4f: {  	[tilespmem:s26], [sflag:$0x4] =	stream.indirect.gather [hbm4b:s4+s19], $0x40, s11, s19, $0xb8;
	[tilespmem:$0x16620] =	vst v63  }
0x50: {  	_ =	swait.ge [sflag:s28], $0x1400  }
0x51: {  	[sflag:s28] =	ssyncset.done $0x0  }
0x52: {  	[sflag:s28] =	ssyncadd.s32 $0xFFFFEC00  }
0x53: {  	[spmem:s2] =	stream.indirect.scatter.add.f32 [tilespmem:s20], [sflag:$0x6], $0x40, s18, s19, $0xb8;
	[tilespmem:$0x16620] =	vst v63  }
0x54: {  	s12 =	simm.s32 $0x140  }
0x55: {  	[tilespmem:s30], [sflag:$0x5] =	stream.indirect.gather [hbm4b:s4+s19], $0x40, s12, s19, $0xb8;
	[tilespmem:$0x16620] =	vst v63  }
0x56: {  	_ =	swait.ge [sflag:s31], $0x1400  }
0x57: {  	[sflag:s31] =	ssyncset.done $0x0  }
0x58: {  	s11 =	simm.s32 $0x2760;
	[sflag:s31] =	ssyncadd.s32 $0xFFFFEC00  }
0x59: {  	[spmem:s2] =	stream.indirect.scatter.add.f32 [tilespmem:s21], [sflag:$0x7], $0x40, s11, s19, $0xb8;
	[tilespmem:$0x16620] =	vst v63  }
0x5a: {  	_ =	swait.ge [sflag:s22], $0x1400  }
0x5b: {  	[sflag:s22] =	ssyncset.done $0x0  }
0x5c: {  	s12 =	simm.s32 $0x190;
	[sflag:s22] =	ssyncadd.s32 $0xFFFFEC00  }
0x5d: {  	[tilespmem:s20], [sflag:$0x1] =	stream.indirect.gather [hbm4b:s4+s19], $0x40, s12, s19, $0xb8;
	[tilespmem:$0x16620] =	vst v63  }
0x5e: {  	_ =	swait.ge [sflag:s25], $0x1400  }
0x5f: {  	[sflag:s25] =	ssyncset.done $0x0  }
0x60: {  	s11 =	simm.s32 $0x27B0;
	[sflag:s25] =	ssyncadd.s32 $0xFFFFEC00  }
0x61: {  	[spmem:s2] =	stream.indirect.scatter.add.f32 [tilespmem:s23], [sflag:$0x8], $0x40, s11, s19, $0xb8;
	[tilespmem:$0x16620] =	vst v63  }
0x62: {  	_ =	swait.ge [sflag:s0], $0x1400  }
0x63: {  	[sflag:s0] =	ssyncset.done $0x0  }
0x64: {  	s12 =	simm.s32 $0x1E0;
	[sflag:s0] =	ssyncadd.s32 $0xFFFFEC00  }
0x65: {  	[tilespmem:s21], [sflag:$0x2] =	stream.indirect.gather [hbm4b:s4+s19], $0x40, s12, s19, $0xb8;
	[tilespmem:$0x16620] =	vst v63  }
0x66: {  	_ =	swait.ge [sflag:s29], $0x1400  }
0x67: {  	[sflag:s29] =	ssyncset.done $0x0  }
0x68: {  	s11 =	simm.s32 $0x2800;
	[sflag:s29] =	ssyncadd.s32 $0xFFFFEC00  }
0x69: {  	[spmem:s2] =	stream.indirect.scatter.add.f32 [tilespmem:s26], [sflag:$0x9], $0x40, s11, s19, $0xb8;
	[tilespmem:$0x16620] =	vst v63  }
0x6a: {  	_ =	swait.ge [sflag:s1], $0x1400  }
0x6b: {  	[sflag:s1] =	ssyncset.done $0x0  }
0x6c: {  	s12 =	simm.s32 $0x230;
	[sflag:s1] =	ssyncadd.s32 $0xFFFFEC00  }
0x6d: {  	[tilespmem:s23], [sflag:$0x3] =	stream.indirect.gather [hbm4b:s4+s19], $0x40, s12, s19, $0xb8;
	[tilespmem:$0x16620] =	vst v63  }
0x6e: {  	_ =	swait.ge [sflag:s5], $0x1400  }
0x6f: {  	[sflag:s5] =	ssyncset.done $0x0  }
0x70: {  	s11 =	simm.s32 $0x2850;
	[sflag:s5] =	ssyncadd.s32 $0xFFFFEC00  }
0x71: {  	[spmem:s2] =	stream.indirect.scatter.add.f32 [tilespmem:s30], [sflag:$0xA], $0x40, s11, s19, $0xb8;
	[tilespmem:$0x16620] =	vst v63  }
0x72: {  	_ =	swait.ge [sflag:s6], $0x1400  }
0x73: {  	[sflag:s6] =	ssyncset.done $0x0  }
0x74: {  	s12 =	simm.s32 $0x280;
	[sflag:s6] =	ssyncadd.s32 $0xFFFFEC00  }
0x75: {  	[tilespmem:s26], [sflag:$0x4] =	stream.indirect.gather [hbm4b:s4+s19], $0x40, s12, s19, $0xb8;
	[tilespmem:$0x16620] =	vst v63  }
0x76: {  	_ =	swait.ge [sflag:s28], $0x1400  }
0x77: {  	[sflag:s28] =	ssyncset.done $0x0  }
0x78: {  	s11 =	simm.s32 $0x28A0;
	[sflag:s28] =	ssyncadd.s32 $0xFFFFEC00  }
0x79: {  	[spmem:s2] =	stream.indirect.scatter.add.f32 [tilespmem:s20], [sflag:$0x6], $0x40, s11, s19, $0xb8;
	[tilespmem:$0x16620] =	vst v63  }
0x7a: {  	_ =	swait.ge [sflag:s8], $0x1400  }
0x7b: {  	[sflag:s8] =	ssyncset.done $0x0  }
0x7c: {  	s12 =	simm.s32 $0x2D0;
	[sflag:s8] =	ssyncadd.s32 $0xFFFFEC00  }
0x7d: {  	[tilespmem:s30], [sflag:$0x5] =	stream.indirect.gather [hbm4b:s4+s19], $0x40, s12, s19, $0xb8;
	[tilespmem:$0x16620] =	vst v63  }
0x7e: {  	_ =	swait.ge [sflag:s31], $0x1400  }
0x7f: {  	[sflag:s31] =	ssyncset.done $0x0  }
0x80: {  	s11 =	simm.s32 $0x28F0;
	[sflag:s31] =	ssyncadd.s32 $0xFFFFEC00  }
0x81: {  	[spmem:s2] =	stream.indirect.scatter.add.f32 [tilespmem:s21], [sflag:$0x7], $0x40, s11, s19, $0xb8;
	[tilespmem:$0x16620] =	vst v63  }
0x82: {  	_ =	swait.ge [sflag:s22], $0x1400  }
0x83: {  	[sflag:s22] =	ssyncset.done $0x0  }
0x84: {  	s12 =	simm.s32 $0x320;
	[sflag:s22] =	ssyncadd.s32 $0xFFFFEC00  }
0x85: {  	[tilespmem:s20], [sflag:$0x1] =	stream.indirect.gather [hbm4b:s4+s19], $0x40, s12, s19, $0xb8;
	[tilespmem:$0x16620] =	vst v63  }
0x86: {  	_ =	swait.ge [sflag:s25], $0x1400  }
0x87: {  	[sflag:s25] =	ssyncset.done $0x0  }
0x88: {  	s11 =	simm.s32 $0x2940;
	[sflag:s25] =	ssyncadd.s32 $0xFFFFEC00  }
0x89: {  	[spmem:s2] =	stream.indirect.scatter.add.f32 [tilespmem:s23], [sflag:$0x8], $0x40, s11, s19, $0xb8;
	[tilespmem:$0x16620] =	vst v63  }
0x8a: {  	_ =	swait.ge [sflag:s0], $0x1400  }
0x8b: {  	[sflag:s0] =	ssyncset.done $0x0  }
0x8c: {  	s12 =	simm.s32 $0x370;
	[sflag:s0] =	ssyncadd.s32 $0xFFFFEC00  }
0x8d: {  	[tilespmem:s21], [sflag:$0x2] =	stream.indirect.gather [hbm4b:s4+s19], $0x40, s12, s19, $0xb8;
	[tilespmem:$0x16620] =	vst v63  }
0x8e: {  	_ =	swait.ge [sflag:s29], $0x1400  }
0x8f: {  	[sflag:s29] =	ssyncset.done $0x0  }
0x90: {  	s11 =	simm.s32 $0x2990;
	[sflag:s29] =	ssyncadd.s32 $0xFFFFEC00  }
0x91: {  	[spmem:s2] =	stream.indirect.scatter.add.f32 [tilespmem:s26], [sflag:$0x9], $0x40, s11, s19, $0xb8;
	[tilespmem:$0x16620] =	vst v63  }
0x92: {  	_ =	swait.ge [sflag:s1], $0x1400  }
0x93: {  	[sflag:s1] =	ssyncset.done $0x0  }
0x94: {  	s12 =	simm.s32 $0x3C0;
	[sflag:s1] =	ssyncadd.s32 $0xFFFFEC00  }
0x95: {  	[tilespmem:s23], [sflag:$0x3] =	stream.indirect.gather [hbm4b:s4+s19], $0x40, s12, s19, $0xb8;
	[tilespmem:$0x16620] =	vst v63  }
0x96: {  	_ =	swait.ge [sflag:s5], $0x1400  }
0x97: {  	[sflag:s5] =	ssyncset.done $0x0  }
0x98: {  	s10 =	simm.s32 $0x640;
	s11 =	simm.s32 $0x29E0;
	[sflag:s5] =	ssyncadd.s32 $0xFFFFEC00  }
.LBB2_4:
0x99: {  	[spmem:s2] =	stream.indirect.scatter.add.f32 [tilespmem:s30], [sflag:$0xA], $0x40, s11, s19, $0xb8;
	[tilespmem:$0x16620] =	vst v63  }
0x9a: {  	s11 =	smov.u32 s10;
	s10 =	sadd.s32 $0x640, s10;
	_ =	swait.ge [sflag:s6], $0x1400  }
0x9b: {  	s11 =	sshra.s32 s11, $0x2;
	p0 =	sne.s32 s10, $0x8FC0;
	[sflag:s6] =	ssyncset.done $0x0  }
0x9c: {  	s12 =	sadd.s32 $0x280, s11;
	[sflag:s6] =	ssyncadd.s32 $0xFFFFEC00  }
0x9d: {  	[tilespmem:s26], [sflag:$0x4] =	stream.indirect.gather [hbm4b:s4+s19], $0x40, s12, s19, $0xb8;
	[tilespmem:$0x16620] =	vst v63  }
0x9e: {  	_ =	swait.ge [sflag:s28], $0x1400  }
0x9f: {  	[sflag:s28] =	ssyncset.done $0x0  }
0xa0: {  	s12 =	sadd.s32 $0x28A0, s11;
	[sflag:s28] =	ssyncadd.s32 $0xFFFFEC00  }
0xa1: {  	[spmem:s2] =	stream.indirect.scatter.add.f32 [tilespmem:s20], [sflag:$0x6], $0x40, s12, s19, $0xb8;
	[tilespmem:$0x16620] =	vst v63  }
0xa2: {  	_ =	swait.ge [sflag:s8], $0x1400  }
0xa3: {  	[sflag:s8] =	ssyncset.done $0x0  }
0xa4: {  	s12 =	sadd.s32 $0x2D0, s11;
	[sflag:s8] =	ssyncadd.s32 $0xFFFFEC00  }
0xa5: {  	[tilespmem:s30], [sflag:$0x5] =	stream.indirect.gather [hbm4b:s4+s19], $0x40, s12, s19, $0xb8;
	[tilespmem:$0x16620] =	vst v63  }
0xa6: {  	_ =	swait.ge [sflag:s31], $0x1400  }
0xa7: {  	[sflag:s31] =	ssyncset.done $0x0  }
0xa8: {  	s12 =	sadd.s32 $0x28F0, s11;
	[sflag:s31] =	ssyncadd.s32 $0xFFFFEC00  }
0xa9: {  	[spmem:s2] =	stream.indirect.scatter.add.f32 [tilespmem:s21], [sflag:$0x7], $0x40, s12, s19, $0xb8;
	[tilespmem:$0x16620] =	vst v63  }
0xaa: {  	_ =	swait.ge [sflag:s22], $0x1400  }
0xab: {  	[sflag:s22] =	ssyncset.done $0x0  }
0xac: {  	s12 =	sadd.s32 $0x320, s11;
	[sflag:s22] =	ssyncadd.s32 $0xFFFFEC00  }
0xad: {  	[tilespmem:s20], [sflag:$0x1] =	stream.indirect.gather [hbm4b:s4+s19], $0x40, s12, s19, $0xb8;
	[tilespmem:$0x16620] =	vst v63  }
0xae: {  	_ =	swait.ge [sflag:s25], $0x1400  }
0xaf: {  	[sflag:s25] =	ssyncset.done $0x0  }
0xb0: {  	s12 =	sadd.s32 $0x2940, s11;
	[sflag:s25] =	ssyncadd.s32 $0xFFFFEC00  }
0xb1: {  	[spmem:s2] =	stream.indirect.scatter.add.f32 [tilespmem:s23], [sflag:$0x8], $0x40, s12, s19, $0xb8;
	[tilespmem:$0x16620] =	vst v63  }
0xb2: {  	_ =	swait.ge [sflag:s0], $0x1400  }
0xb3: {  	[sflag:s0] =	ssyncset.done $0x0  }
0xb4: {  	s12 =	sadd.s32 $0x370, s11;
	[sflag:s0] =	ssyncadd.s32 $0xFFFFEC00  }
0xb5: {  	[tilespmem:s21], [sflag:$0x2] =	stream.indirect.gather [hbm4b:s4+s19], $0x40, s12, s19, $0xb8;
	[tilespmem:$0x16620] =	vst v63  }
0xb6: {  	_ =	swait.ge [sflag:s29], $0x1400  }
0xb7: {  	[sflag:s29] =	ssyncset.done $0x0  }
0xb8: {  	s12 =	sadd.s32 $0x2990, s11;
	[sflag:s29] =	ssyncadd.s32 $0xFFFFEC00  }
0xb9: {  	[spmem:s2] =	stream.indirect.scatter.add.f32 [tilespmem:s26], [sflag:$0x9], $0x40, s12, s19, $0xb8;
	[tilespmem:$0x16620] =	vst v63  }
0xba: {  	_ =	swait.ge [sflag:s1], $0x1400  }
0xbb: {  	[sflag:s1] =	ssyncset.done $0x0  }
.Ltmp1:
0xbc: {  	s12 =	sadd.s32 $0x3C0, s11;
	[sflag:s1] =	ssyncadd.s32 $0xFFFFEC00;
	(pc) =	sbr.rel @p0 .LBB2_4-.Ltmp1, $4  }
0xbd: {  	[tilespmem:s23], [sflag:$0x3] =	stream.indirect.gather [hbm4b:s4+s19], $0x40, s12, s19, $0xb8;
	[tilespmem:$0x16620] =	vst v63  }
0xbe: {  	_ =	swait.ge [sflag:s5], $0x1400  }
0xbf: {  	[sflag:s5] =	ssyncset.done $0x0  }
0xc0: {  	s11 =	sadd.s32 $0x29E0, s11;
	[sflag:s5] =	ssyncadd.s32 $0xFFFFEC00  }
0xc1: {  	[spmem:s2] =	stream.indirect.scatter.add.f32 [tilespmem:s30], [sflag:$0xA], $0x40, s11, s19, $0xb8;
	[tilespmem:$0x16620] =	vst v63  }
0xc2: {  	_ =	swait.ge [sflag:s6], $0x1400  }
0xc3: {  	s10 =	sshra.s32 s10, $0x2;
	[sflag:s6] =	ssyncset.done $0x0  }
0xc4: {  	s12 =	sadd.s32 $0x280, s10;
	[sflag:s6] =	ssyncadd.s32 $0xFFFFEC00  }
0xc5: {  	[tilespmem:s26], [sflag:$0x4] =	stream.indirect.gather [hbm4b:s4+s19], $0x40, s12, s19, $0xb8;
	[tilespmem:$0x16620] =	vst v63  }
0xc6: {  	_ =	swait.ge [sflag:s28], $0x1400  }
0xc7: {  	[sflag:s28] =	ssyncset.done $0x0  }
0xc8: {  	s12 =	sadd.s32 $0x28A0, s10;
	[sflag:s28] =	ssyncadd.s32 $0xFFFFEC00  }
0xc9: {  	[spmem:s2] =	stream.indirect.scatter.add.f32 [tilespmem:s20], [sflag:$0x6], $0x40, s12, s19, $0xb8;
	[tilespmem:$0x16620] =	vst v63  }
0xca: {  	_ =	swait.ge [sflag:s8], $0x1400  }
0xcb: {  	[sflag:s8] =	ssyncset.done $0x0  }
0xcc: {  	s12 =	sadd.s32 $0x2D0, s10;
	[sflag:s8] =	ssyncadd.s32 $0xFFFFEC00  }
0xcd: {  	[tilespmem:s30], [sflag:$0x5] =	stream.indirect.gather [hbm4b:s4+s19], $0x40, s12, s19, $0xb8;
	[tilespmem:$0x16620] =	vst v63  }
0xce: {  	_ =	swait.ge [sflag:s31], $0x1400  }
0xcf: {  	[sflag:s31] =	ssyncset.done $0x0  }
0xd0: {  	s12 =	sadd.s32 $0x28F0, s10;
	[sflag:s31] =	ssyncadd.s32 $0xFFFFEC00  }
0xd1: {  	[spmem:s2] =	stream.indirect.scatter.add.f32 [tilespmem:s21], [sflag:$0x7], $0x40, s12, s19, $0xb8;
	[tilespmem:$0x16620] =	vst v63  }
0xd2: {  	_ =	swait.ge [sflag:s22], $0x1400  }
0xd3: {  	[sflag:s22] =	ssyncset.done $0x0  }
0xd4: {  	[sflag:s22] =	ssyncadd.s32 $0xFFFFEC00  }
0xd5: {  	_ =	swait.ge [sflag:s25], $0x1400  }
0xd6: {  	[sflag:s25] =	ssyncset.done $0x0  }
0xd7: {  	s12 =	sadd.s32 $0x2940, s10;
	[sflag:s25] =	ssyncadd.s32 $0xFFFFEC00  }
0xd8: {  	[spmem:s2] =	stream.indirect.scatter.add.f32 [tilespmem:s23], [sflag:$0x8], $0x40, s12, s19, $0xb8;
	[tilespmem:$0x16620] =	vst v63  }
0xd9: {  	_ =	swait.ge [sflag:s0], $0x1400  }
0xda: {  	[sflag:s0] =	ssyncset.done $0x0  }
0xdb: {  	[sflag:s0] =	ssyncadd.s32 $0xFFFFEC00  }
0xdc: {  	_ =	swait.ge [sflag:s29], $0x1400  }
0xdd: {  	[sflag:s29] =	ssyncset.done $0x0  }
0xde: {  	s12 =	sadd.s32 $0x2990, s10;
	[sflag:s29] =	ssyncadd.s32 $0xFFFFEC00  }
0xdf: {  	[spmem:s2] =	stream.indirect.scatter.add.f32 [tilespmem:s26], [sflag:$0x9], $0x40, s12, s19, $0xb8;
	[tilespmem:$0x16620] =	vst v63  }
0xe0: {  	_ =	swait.ge [sflag:s1], $0x1400  }
0xe1: {  	[sflag:s1] =	ssyncset.done $0x0  }
0xe2: {  	[sflag:s1] =	ssyncadd.s32 $0xFFFFEC00  }
0xe3: {  	_ =	swait.ge [sflag:s5], $0x1400  }
0xe4: {  	[sflag:s5] =	ssyncset.done $0x0  }
0xe5: {  	s10 =	sadd.s32 $0x29E0, s10;
	[sflag:s5] =	ssyncadd.s32 $0xFFFFEC00  }
0xe6: {  	[spmem:s2] =	stream.indirect.scatter.add.f32 [tilespmem:s30], [sflag:$0xA], $0x40, s10, s19, $0xb8;
	[tilespmem:$0x16620] =	vst v63  }
0xe7: {  	_ =	swait.ge [sflag:s6], $0x1400  }
0xe8: {  	[sflag:s6] =	ssyncset.done $0x0  }
0xe9: {  	[sflag:s6] =	ssyncadd.s32 $0xFFFFEC00  }
0xea: {  	s9 =	sadd.s32 $0x1, s9;
	_ =	swait.ge [sflag:s8], $0x1400  }
0xeb: {  	s11 =	stileid.u32;
	p0 =	sne.s32 s9, s16;
	[sflag:s8] =	ssyncset.done $0x0  }
0xec: {  	s12 =	sshrl.u32 s7, $0x3;
	s10 =	sshll.u32 s11, $0x6;
	[sflag:s8] =	ssyncadd.s32 $0xFFFFEC00  }
.Ltmp2:
0xed: {  	s10 =	sor.u32 $0x1C0B, s10;
	[bflag:$0x0] =	sbarrier.arrive $0xFFFF;
	(pc) =	sbr.rel @p0 .LBB2_1-.Ltmp2, $4  }
0xee: {  	[hbm:s15], [sflag:s10] =	dma.local [spmem:s12], $0x1400  }
0xef: {  	_ =	swait.ge [sflag:s17], $0x1400  }
0xf0: {  	[sflag:s17] =	ssyncset.done $0x0  }
0xf1: {  	[sflag:s17] =	ssyncadd.s32 $0xFFFFEC00  }
0xf2: {  	_ =	sfence.sel $0x180000  }
0xf3: {  	[bflag:$0x0] =	sbarrier.arrive $0xFFFF  }
0xf4: {  	_ =	strace $0x9000004D  }
0xf5: {  	s0 =	stileid.u32;
	[bflag:$0x2] =	sbarrier.arrive $0xFFFF  }
0xf6: {  	p0 =	sne.s32 s0, $0x0;
	s0 =	rddreg [dreg:$0x2]  }
0xf7: {  	s0 =	sadd.s32 @!p0 $0x100000, s0  }
0xf8: {  	[sflag:s0] =	ssyncadd.tile.s32 @!p0 $0x1;
	_ =	shalt  }
.Lfunc_end2:
_tile_overlayer_lowered:
.L_overlay_start_2:
0xf9: {  	(tag) =	ssettag $0x2  }
0xfa: {  	s0 =	rddreg [dreg:$0x0];
	s2 =	stileid.u32  }
0xfb: {  	s1 =	rddreg [dreg:$0x1];
	p0 =	sne.s32 s2, $0x0  }
0xfc: {  	s3 =	rddreg [dreg:$0x2];
	[bflag:$0x3] =	sbarrier.arrive $0xFFFF;
	s2 =	simm.s32 @!p0 $0x1C0B  }
0xfd: {  	[timem:s3], [sflag:s2] =	dma.local @!p0 [hbm:s0], s1  }
0xfe: {  	s0 =	simm.s32 @!p0 $0xB  }
0xff: {  	_ =	swait.ge @!p0 [sflag:s0], s1  }
0x100: {  	s1 =	ssub.s32 @!p0 $0x0, s1;
	[sflag:s0] =	ssyncset.done @!p0 $0x0  }
0x101: {  	[sflag:s0] =	ssyncadd.s32 @!p0 s1  }
0x102: {  	[bflag:$0x3] =	sbarrier.arrive $0xFFFF  }
0x103: {  	_ =	shalt  }

// kernel: kernel.9.cloned.1.call-start
scs
__scs_entry_jumppad:
0x0: {  	(pc) =	sbr.rel $0x88, $3  }
0x1: {  	(tag) =	ssettag $0x0;
	lr =	simm.s32 $0x1  }
0x2: {  	[smem:$0x3F9A] =	sst lr;
	_ =	strace $0xD0000000  }
0x3: {  	_ = 	snop  }
0x4: {  	_ = 	snop  }
0x5: {  	_ = 	snop  }
0x6: {  	_ = 	snop  }
0x7: {  	_ = 	snop  }
__scs_overlays_trampoline_lowered:
0x8: {  	[smem:$0x3FA9] =	sst s0  }
0x9: {  	[smem:$0x3FAA] =	sst s1  }
0xa: {  	[smem:$0x3FAB] =	sst s2  }
0xb: {  	[smem:$0x3FAC] =	sst s3  }
0xc: {  	[smem:$0x3FAD] =	sst s4  }
0xd: {  	[smem:$0x3FAE] =	sst s5  }
0xe: {  	[smem:$0x3FAF] =	sst s6  }
0xf: {  	[smem:$0x3FB0] =	sst s7  }
0x10: {  	[smem:$0x3FB1] =	sst s8  }
0x11: {  	[smem:$0x3FB2] =	sst s9;
	s0 =	simm.s32 @!p0 $0x0  }
0x12: {  	s1 =	sld [smem:$0x3F98];
	s0 =	simm.s32 @p0 $0x1  }
0x13: {  	[smem:$0x3FB3] =	sst s0;
	s0 =	simm.s32 @!p1 $0x0  }
0x14: {  	s2 =	sld [smem:$0x3F97];
	s0 =	simm.s32 @p1 $0x1  }
0x15: {  	[smem:$0x3FB4] =	sst s0;
	s0 =	simm.s32 @!p2 $0x0  }
0x16: {  	s3 =	sld [smem:$0x3FDB];
	s0 =	simm.s32 @p2 $0x1  }
0x17: {  	s4 =	simm.s32 $0x1BF5;
	[smem:$0x3FB6] =	sst s0  }
0x18: {  	s0 =	sld [smem:$0x3F99];
	_ =	swait.ge [sflag:s4], $0x0  }
0x19: {  	s7 =	sld [smem:$0x3F9A]  }
0x1a: {  	s8 =	sadd.s32 $0xFFFFE003, lr  }
0x1b: {  	s9 =	sadd.s32 $0xFFFFFEF7, lr;
	s5 =	simm.s32 $0xFFFFFFFF;
	p2 =	slt.u32 s8, $0xFFFFF086  }
0x1c: {  	p1 =	slt.u32 s9, $0xF7A;
	s5 =	simm.s32 @!p2 $0x0  }
0x1d: {  	s5 =	simm.s32 @p1 $0x1;
	p0 =	seq.s32 s7, s2  }
0x1e: {  	s7 =	smul.u32 @!p0 $0xF7A, s2;
	p2 =	seq.s32 @!p0 s5, $0x0  }
0x1f: {  	s9 =	smul.u32 $0xF7A, s1;
	s8 =	simm.s32 @!p0 $0x1BF5;
	p2 =	por !p2, p0  }
0x20: {  	[sflag:s8] =	ssyncset.s32 @!p0 $0xFFFFF086;
	s6 =	sadd.s32 @!p0 s3, s7;
	s7 =	simm.s32 @!p0 $0x108  }
0x21: {  	s3 =	sadd.s32 s3, s9;
	s6 =	sadd.s32 @!p0 $0x88, s6;
	s7 =	simm.s32 @p2 $0x1082  }
0x22: {  	[simem:s7], [sflag:s8] =	dma.local @!p0 [hbm:s6], $0xF7A  }
0x23: {  	s9 =	sor.u32 $0xD0000000, s2;
	s6 =	simm.s32 $0x108;
	_ =	swait.ge @!p0 [sflag:s8], $0x0  }
0x24: {  	s3 =	sadd.s32 $0x88, s3;
	s6 =	simm.s32 @!p1 $0x1082;
	[sflag:s4] =	ssyncset.s32 $0xFFFFF086  }
0x25: {  	[simem:s6], [sflag:s4] =	dma.local [hbm:s3], $0xF7A  }
0x26: {  	[smem:$0x3F9A] =	sst s1;
	(tag) =	ssettag s2;
	_ =	strace s9  }
0x27: {  	s1 =	sld [smem:$0x3FAA]  }
0x28: {  	s2 =	sld [smem:$0x3FAB]  }
0x29: {  	s4 =	sld [smem:$0x3FAD]  }
0x2a: {  	p0 =	seq.s32 s5, $0x0;
	s5 =	sld [smem:$0x3FAE]  }
0x2b: {  	s6 =	sld [smem:$0x3FAF]  }
0x2c: {  	s7 =	sld [smem:$0x3FB0]  }
0x2d: {  	s3 =	simm.s32 $0x108;
	s8 =	sld [smem:$0x3FB1]  }
0x2e: {  	s3 =	simm.s32 @!p0 $0x1082;
	s9 =	sld [smem:$0x3FB2]  }
0x2f: {  	lr =	sadd.s32 s0, s3;
	s0 =	sld [smem:$0x3FA9]  }
0x30: {  	s3 =	sld [smem:$0x3FAC]  }
0x31: {  	[smem:$0x3FB5] =	sst s10  }
0x32: {  	s10 =	sld [smem:$0x3FB3];
	_ =	sdelay $0x3  }
0x33: {  	p0 =	seq.s32 s10, $0x1;
	s10 =	sld [smem:$0x3FB5];
	_ =	sdelay $0x3  }
0x34: {  	[smem:$0x3FB5] =	sst s10  }
0x35: {  	s10 =	sld [smem:$0x3FB4];
	_ =	sdelay $0x3  }
0x36: {  	p1 =	seq.s32 s10, $0x1;
	s10 =	sld [smem:$0x3FB5];
	_ =	sdelay $0x3  }
0x37: {  	[smem:$0x3FB5] =	sst s10  }
0x38: {  	s10 =	sld [smem:$0x3FB6]  }
0x39: {  	_ = 	snop;
	(pc) =	sbr.ind lr, $3  }
0x3a: {  	_ = 	snop  }
0x3b: {  	_ = 	snop  }
0x3c: {  	p2 =	seq.s32 s10, $0x1;
	s10 =	sld [smem:$0x3FB5]  }
0x3d: {  	_ =	shalt  }
0x3e: {  	_ =	shalt  }
0x3f: {  	_ =	shalt  }
0x40: {  	_ =	shalt  }
0x41: {  	_ =	shalt  }
0x42: {  	_ =	shalt  }
0x43: {  	_ =	shalt  }
0x44: {  	_ =	shalt  }
0x45: {  	_ =	shalt  }
0x46: {  	_ =	shalt  }
0x47: {  	_ =	shalt  }
0x48: {  	_ =	shalt  }
0x49: {  	_ =	shalt  }
0x4a: {  	_ =	shalt  }
0x4b: {  	_ =	shalt  }
0x4c: {  	_ =	shalt  }
0x4d: {  	_ =	shalt  }
0x4e: {  	_ =	shalt  }
0x4f: {  	_ =	shalt  }
0x50: {  	_ =	shalt  }
0x51: {  	_ =	shalt  }
0x52: {  	_ =	shalt  }
0x53: {  	_ =	shalt  }
0x54: {  	_ =	shalt  }
0x55: {  	_ =	shalt  }
0x56: {  	_ =	shalt  }
0x57: {  	_ =	shalt  }
0x58: {  	_ =	shalt  }
0x59: {  	_ =	shalt  }
0x5a: {  	_ =	shalt  }
0x5b: {  	_ =	shalt  }
0x5c: {  	_ =	shalt  }
0x5d: {  	_ =	shalt  }
0x5e: {  	_ =	shalt  }
0x5f: {  	_ =	shalt  }
0x60: {  	_ =	shalt  }
0x61: {  	_ =	shalt  }
0x62: {  	_ =	shalt  }
0x63: {  	_ =	shalt  }
0x64: {  	_ =	shalt  }
0x65: {  	_ =	shalt  }
0x66: {  	_ =	shalt  }
0x67: {  	_ =	shalt  }
0x68: {  	_ =	shalt  }
0x69: {  	_ =	shalt  }
0x6a: {  	_ =	shalt  }
0x6b: {  	_ =	shalt  }
0x6c: {  	_ =	shalt  }
0x6d: {  	_ =	shalt  }
0x6e: {  	_ =	shalt  }
0x6f: {  	_ =	shalt  }
0x70: {  	_ =	shalt  }
0x71: {  	_ =	shalt  }
0x72: {  	_ =	shalt  }
0x73: {  	_ =	shalt  }
0x74: {  	_ =	shalt  }
0x75: {  	_ =	shalt  }
0x76: {  	_ =	shalt  }
0x77: {  	_ =	shalt  }
0x78: {  	_ =	shalt  }
0x79: {  	_ =	shalt  }
0x7a: {  	_ =	shalt  }
0x7b: {  	_ =	shalt  }
0x7c: {  	_ =	shalt  }
0x7d: {  	_ =	shalt  }
0x7e: {  	_ =	shalt  }
0x7f: {  	_ =	shalt  }
0x80: {  	_ =	shalt  }
0x81: {  	_ =	shalt  }
0x82: {  	_ =	shalt  }
0x83: {  	_ =	shalt  }
0x84: {  	_ =	shalt  }
0x85: {  	_ =	shalt  }
0x86: {  	_ =	shalt  }
0x87: {  	_ =	shalt  }
.Lfunc_end0:
.L_simem_size_0:
called_computation_lowered:
.L_overlay_start_0:
0x88: {  	s2 =	sld [smem:$0x3FD9]  }
0x89: {  	s3 =	sld [smem:$0x3FFE];
	_ =	sdelay $0x1  }
0x8a: {  	s1 =	srdreg.scid  }
0x8b: {  	s0 =	sand.u32 $0x1, s1  }
0x8c: {  	s16 =	sshll.u32 s0, $0xA;
	s2 =	sadd.s32 s3, s2  }
0x8d: {  	s2 =	sadd.s32 s2, s16  }
0x8e: {  	[smem:$0x3FC1] =	sst s2  }
0x8f: {  	_ = 	snop  }
0x90: {  	(tm) =	ssettm $0x1  }
0x91: {  	s17 =	sld [smem:$0x3FFB];
	_ =	sdelay $0x3  }
0x92: {  	_ =	strace s17  }
0x93: {  	s2 =	sld [smem:$0x3FFC];
	_ =	sdelay $0x3  }
0x94: {  	_ =	strace s2  }
0x95: {  	s2 =	sld [smem:$0x3FFD];
	_ =	sdelay $0x3  }
0x96: {  	_ =	strace s2  }
0x97: {  	_ =	strace $0x8FFFFFFF  }
0x98: {  	s18 =	sld [smem:$0x3FDB];
	_ =	sdelay $0x1  }
0x99: {  	s19 =	simm.s32 $_scs_section_size  }
0x9a: {  	s4 =	simm.s32 $_size__tile_overlayer_lowered;
	s5 =	simm.s32 $_tile_overlayer_lowered  }
0x9b: {  	s22 =	simm.s32 $0x1BFF;
	s21 =	sshll.u32 s5, $0x1;
	s2 =	sadd.s32 s19, s18  }
0x9c: {  	s6 =	simm.s32 $0x0;
	s20 =	sshll.u32 s4, $0x1;
	s4 =	sadd.s32 s21, s2  }
0x9d: {  	[timem:s6], [sflag:s22] =	dma.local [hbm:s4], s20  }
0x9e: {  	_ =	swait.ge [sflag:s22], s20  }
0x9f: {  	s3 =	ssub.s32 $0x0, s20;
	[sflag:s22] =	ssyncset.done $0x0  }
0xa0: {  	[sflag:s22] =	ssyncadd.s32 s3;
	_ =	sdelay $0x1  }
0xa1: {  	s23 =	simm.s32 $0x1B8B  }
0xa2: {  	_ =	swait.ge [sflag:s23], $0x1  }
0xa3: {  	[sflag:s23] =	ssyncset.done $0x0  }
0xa4: {  	s25 =	simm.s32 $0x1B8E;
	s24 =	sld [smem:$0x3FFE];
	[sflag:s23] =	ssyncadd.s32 $0xFFFFFFFF  }
0xa5: {  	s26 =	simm.s32 $execute0_lowered;
	[smem:$0x3FD2] =	sst s25  }
0xa6: {  	s4 =	sshll.u32 s26, $0x1;
	_ =	strace $0x80000046;
	[dreg:$0x1] =	wrdreg $0xFFFFFFFF  }
0xa7: {  	s28 =	simm.s32 $_size_execute0_lowered;
	s2 =	sadd.s32 s2, s4;
	[dreg:$0x0] =	wrdreg $0x0  }
0xa8: {  	s4 =	sshll.u32 s28, $0x1;
	[dreg:$0x2] =	wrdreg s2  }
0xa9: {  	[dreg:$0x3] =	wrdreg s4  }
0xaa: {  	[dreg:$0x4] =	wrdreg $0xC0  }
0xab: {  	_ =	task [dreg:s6], $0x5FFFF  }
0xac: {  	[dreg:$0x1] =	wrdreg $0xFFFFFFFF  }
0xad: {  	[dreg:$0x0] =	wrdreg $0x60  }
0xae: {  	[dreg:$0x2] =	wrdreg s24  }
0xaf: {  	[dreg:$0x3] =	wrdreg $0x31100  }
0xb0: {  	[dreg:$0x4] =	wrdreg $0x9  }
0xb1: {  	_ =	task.clear_ibuf [dreg:s6], $0x5FFFF;
	_ =	strace $0x90000046  }
0xb2: {  	s29 =	simm.s32 $0x9;
	_ =	strace $0x80000048  }
0xb3: {  	_ =	swait.ge [sflag:s29], $0x1  }
0xb4: {  	[sflag:s29] =	ssyncadd.s32 $0xFFFFFFFF  }
0xb5: {  	_ =	strace $0x90000048  }
0xb6: {  	_ =	sfence  }
0xb7: {  	s30 =	sld [smem:$0x0];
	_ =	sdelay $0x2  }
0xb8: {  	s31 =	sshll.u32 s1, $0xD;
	s1 =	sshrl.u32 s1, $0x2  }
0xb9: {  	s3 =	sand.u32 $0x4000, s31;
	s1 =	sadd.s32 s1, s30  }
0xba: {  	s0 =	sor.u32 s3, s0;
	s1 =	sshll.u32 s1, $0x11  }
0xbb: {  	s0 =	sor.u32 s1, s0  }
0xbc: {  	s0 =	sadd.s32 $0x8F2B, s0  }
0xbd: {  	[sflag:s0] =	ssyncadd.remote.s32 $0x1  }
0xbe: {  	_ =	sfence.sel $0xFFFF  }
0xbf: {  	[dreg:$0x0] =	wrdreg $0xFFFFFFFF;
	(pc) =	sbr.abs _section_cstart, $3  }
0xc0: {  	[dreg:$0x1] =	wrdreg $0xFFFFFFFF  }
0xc1: {  	_ =	task.clear_ibuf [dreg:s6], $0x2FFFF;
	_ =	strace $0x9FFFFFFF  }
0xc2: {  	(tm) =	ssettm $0x7FFFFFFF  }
0xc3: {  	_ =	shalt  }
tec
execute0_lowered:
.L_overlay_start_1:
0x0: {  	(tag) =	ssettag $0x1  }
0x1: {  	s0 =	srdreg.scid;
	s5 =	rddreg [dreg:$0x0]  }
0x2: {  	s2 =	rddreg [dreg:$0x1];
	s3 =	simm.s32 $0x0;
	s15 =	simm.s32 $0x2C10  }
0x3: {  	s16 =	simm.s32 $0x3;
	s17 =	simm.s32 $0x50;
	s18 =	simm.s32 $0x2710  }
0x4: {  	s19 =	simm.s32 $0x2;
	s4 =	sand.u32 $0x1, s0;
	s0 =	stileid.u32  }
0x5: {  	s20 =	simm.s32 $0x1;
	[smem:$0x7FF] =	sst s3;
	s7 =	smul.u32 $0x2800, s0  }
0x6: {  	s1 =	sshll.u32 s4, $0x4;
	s8 =	smul.u32 $0x28000, s4;
	s4 =	ssub.s32 $0x2, s4  }
0x7: {  	s9 =	smul.u32 $0xA000, s0;
	s1 =	sor.u32 s0, s1;
	s31 =	sshrl.u32 s4, $0x1  }
0x8: {  	s6 =	smul.u32 $0x4E2, s1;
	s1 =	rddreg [dreg:$0x2];
	_ =	strace $0x80000047  }
0x9: {  	s29 =	sadd.s32 s7, s8;
	s30 =	sshrl.u32 s9, $0x2;
	s14 =	ssub.s32 s4, s31  }
0xa: {  	s4 =	sadd.s32 s7, s2;
	s11 =	sadd.s32 s30, s2;
	s14 =	smax.u32 s14, $0x1  }
0xb: {  	s12 =	sadd.s32 s6, s5;
	s6 =	sshrl.u32 s29, $0x3;
	s7 =	sadd.s32 $0xF00, s11  }
0xc: {  	s8 =	sadd.s32 $0x1400, s11;
	s9 =	sadd.s32 $0x1900, s11;
	s10 =	sadd.s32 $0x1E00, s11  }
0xd: {  	s13 =	sadd.s32 s6, s5;
	s5 =	sadd.s32 $0x500, s11;
	s6 =	sadd.s32 $0xA00, s11  }
0xe: {  	v0 =	vimm.f32 $1.000000000e+00;
	v1 =	vimm.f32 $0.0e+00;
	s11 =	sadd.s32 $0x2300, s11;
	s12 =	sadd.s32 $0xC200, s12;
	s13 =	sadd.s32 $0x16000, s13  }
.LBB2_1:
0xf: {  	s21 =	simm.s32 $0x40;
	s22 =	simm.s32 $0x0  }
.LBB2_2:
0x10: {  	p0 =	sne.s32 s21, $0x13C0;
	[tilespmem:s22+$0x2710] =	vst v0;
	s23 =	smov.u32 s21;
	s21 =	sadd.s32 $0x40, s21  }
.Ltmp0:
0x11: {  	[tilespmem:s22+$0x2C10] =	vst v1;
	(pc) =	sbr.rel @p0 .LBB2_2-.Ltmp0, $2  }
0x12: {  	_ =	sdelay $0x2  }
0x13: {  	s22 =	sshra.s32 s23, $0x2  }
0x14: {  	[tilespmem:s22+$0x2710] =	vst v0  }
0x15: {  	[tilespmem:s22+$0x2C10] =	vst v1  }
0x16: {  	[spmem:s4] =	stream.linear.scatter [tilespmem:s15], [sflag:$0x3], $0x500, $0x38;
	[tilespmem:$0x5910] =	vst v63  }
0x17: {  	_ =	swait.ge [sflag:s16], $0x500  }
0x18: {  	[sflag:s16] =	ssyncset.done $0x0  }
0x19: {  	[sflag:s16] =	ssyncadd.s32 $0xFFFFFB00  }
0x1a: {  	[spmem:s5] =	stream.linear.scatter [tilespmem:s15], [sflag:$0x3], $0x500, $0x38;
	[tilespmem:$0x5910] =	vst v63  }
0x1b: {  	_ =	swait.ge [sflag:s16], $0x500  }
0x1c: {  	[sflag:s16] =	ssyncset.done $0x0  }
0x1d: {  	[sflag:s16] =	ssyncadd.s32 $0xFFFFFB00  }
0x1e: {  	[spmem:s6] =	stream.linear.scatter [tilespmem:s15], [sflag:$0x3], $0x500, $0x38;
	[tilespmem:$0x5910] =	vst v63  }
0x1f: {  	_ =	swait.ge [sflag:s16], $0x500  }
0x20: {  	[sflag:s16] =	ssyncset.done $0x0  }
0x21: {  	[sflag:s16] =	ssyncadd.s32 $0xFFFFFB00  }
0x22: {  	[spmem:s7] =	stream.linear.scatter [tilespmem:s15], [sflag:$0x3], $0x500, $0x38;
	[tilespmem:$0x5910] =	vst v63  }
0x23: {  	_ =	swait.ge [sflag:s16], $0x500  }
0x24: {  	[sflag:s16] =	ssyncset.done $0x0  }
0x25: {  	[sflag:s16] =	ssyncadd.s32 $0xFFFFFB00  }
0x26: {  	[spmem:s8] =	stream.linear.scatter [tilespmem:s15], [sflag:$0x3], $0x500, $0x38;
	[tilespmem:$0x5910] =	vst v63  }
0x27: {  	_ =	swait.ge [sflag:s16], $0x500  }
0x28: {  	[sflag:s16] =	ssyncset.done $0x0  }
0x29: {  	[sflag:s16] =	ssyncadd.s32 $0xFFFFFB00  }
0x2a: {  	[spmem:s9] =	stream.linear.scatter [tilespmem:s15], [sflag:$0x3], $0x500, $0x38;
	[tilespmem:$0x5910] =	vst v63  }
0x2b: {  	_ =	swait.ge [sflag:s16], $0x500  }
0x2c: {  	[sflag:s16] =	ssyncset.done $0x0  }
0x2d: {  	[sflag:s16] =	ssyncadd.s32 $0xFFFFFB00  }
0x2e: {  	[spmem:s10] =	stream.linear.scatter [tilespmem:s15], [sflag:$0x3], $0x500, $0x38;
	[tilespmem:$0x5910] =	vst v63  }
0x2f: {  	_ =	swait.ge [sflag:s16], $0x500  }
0x30: {  	[sflag:s16] =	ssyncset.done $0x0  }
0x31: {  	[sflag:s16] =	ssyncadd.s32 $0xFFFFFB00  }
0x32: {  	[spmem:s11] =	stream.linear.scatter [tilespmem:s15], [sflag:$0x3], $0x500, $0x38;
	[tilespmem:$0x5910] =	vst v63  }
0x33: {  	_ =	swait.ge [sflag:s16], $0x500  }
0x34: {  	[sflag:s16] =	ssyncset.done $0x0  }
0x35: {  	s21 =	simm.s32 $0x0;
	[sflag:s16] =	ssyncadd.s32 $0xFFFFFB00  }
0x36: {  	[tilespmem:s21], [sflag:$0x3] =	stream.linear.gather [hbm4b:s12+s21], $0x2710, $0x38;
	[tilespmem:$0x5910] =	vst v63  }
0x37: {  	_ =	swait.ge [sflag:s16], $0x2710  }
0x38: {  	[sflag:s16] =	ssyncset.done $0x0  }
0x39: {  	[sflag:s16] =	ssyncadd.s32 $0xFFFFD8F0  }
0x3a: {  	[bflag:$0x0] =	sbarrier.arrive $0xFFFF  }
0x3b: {  	[spmem:s2] =	stream.indirect.scatter.add.f32 [tilespmem:s18], [sflag:$0x1], $0x10, s21, s17, $0xb8;
	[tilespmem:$0x5910] =	vst v63  }
0x3c: {  	s21 =	sand.u32 $0x1, s21  }
0x3d: {  	s23 =	simm.s32 $0x2;
	p0 =	seq.s32 s21, $0x1  }
0x3e: {  	[spmem:s2] =	stream.indirect.scatter.add.f32 [tilespmem:s18], [sflag:$0x2], $0x10, s17, s17, $0xb8;
	[tilespmem:$0x5910] =	vst v63  }
0x3f: {  	s31 =	simm.s32 $0x1;
	s23 =	simm.s32 @!p0 $0x1  }
0x40: {  	s22 =	sand.u32 $0x1, s31;
	_ =	swait.ge [sflag:s23], $0x500  }
0x41: {  	p0 =	seq.s32 s22, $0x1;
	s22 =	simm.s32 $0x2;
	[sflag:s23] =	ssyncset.done $0x0  }
0x42: {  	s21 =	simm.s32 $0xA0;
	s22 =	simm.s32 @!p0 $0x1;
	[sflag:s23] =	ssyncadd.s32 $0xFFFFFB00  }
0x43: {  	[spmem:s2] =	stream.indirect.scatter.add.f32 [tilespmem:s18], [sflag:s23], $0x10, s21, s17, $0xb8;
	[tilespmem:$0x5910] =	vst v63  }
0x44: {  	s23 =	simm.s32 $0x2;
	_ =	swait.ge [sflag:s22], $0x500  }
.LBB2_4:
0x45: {  	s24 =	sand.u32 $0x1, s23  }
0x46: {  	p0 =	seq.s32 s24, $0x1;
	s24 =	simm.s32 $0x2  }
0x47: {  	s24 =	simm.s32 @!p0 $0x1;
	p0 =	sne.s32 s23, $0x7A  }
.Ltmp1:
0x48: {  	[sflag:s22] =	ssyncset.done $0x0;
	(pc) =	sbr.rel @p0 .LBB2_4-.Ltmp1, $4  }
0x49: {  	s21 =	sadd.s32 $0x50, s21;
	[sflag:s22] =	ssyncadd.s32 $0xFFFFFB00  }
0x4a: {  	[spmem:s2] =	stream.indirect.scatter.add.f32 [tilespmem:s18], [sflag:s22], $0x10, s21, s17, $0xb8;
	[tilespmem:$0x5910] =	vst v63  }
0x4b: {  	s22 =	smov.u32 s24;
	_ =	swait.ge [sflag:s24], $0x500  }
0x4c: {  	s23 =	sadd.s32 $0x1, s23  }
0x4d: {  	[sflag:s22] =	ssyncset.done $0x0  }
0x4e: {  	s21 =	sadd.s32 $0x50, s21;
	[sflag:s22] =	ssyncadd.s32 $0xFFFFFB00  }
0x4f: {  	[spmem:s2] =	stream.indirect.scatter.add.f32 [tilespmem:s18], [sflag:s22], $0x10, s21, s17, $0xb8;
	[tilespmem:$0x5910] =	vst v63  }
0x50: {  	_ =	swait.ge [sflag:s19], $0x500  }
0x51: {  	[sflag:s19] =	ssyncset.done $0x0  }
0x52: {  	[sflag:s19] =	ssyncadd.s32 $0xFFFFFB00  }
0x53: {  	_ =	swait.ge [sflag:s20], $0x500  }
0x54: {  	s30 =	sshll.u32 s0, $0x6;
	s3 =	sadd.s32 $0x1, s3;
	[sflag:s20] =	ssyncset.done $0x0  }
0x55: {  	s31 =	sshrl.u32 s4, $0x3;
	p0 =	sne.s32 s3, s14;
	[sflag:s20] =	ssyncadd.s32 $0xFFFFFB00  }
.Ltmp2:
0x56: {  	s21 =	sor.u32 $0x1C03, s30;
	[bflag:$0x0] =	sbarrier.arrive $0xFFFF;
	(pc) =	sbr.rel @p0 .LBB2_1-.Ltmp2, $4  }
0x57: {  	[hbm:s13], [sflag:s21] =	dma.local [spmem:s31], $0x500  }
0x58: {  	_ =	swait.ge [sflag:s16], $0x500  }
0x59: {  	[sflag:s16] =	ssyncset.done $0x0  }
0x5a: {  	[sflag:s16] =	ssyncadd.s32 $0xFFFFFB00  }
0x5b: {  	_ =	sfence.sel $0x180000  }
0x5c: {  	[bflag:$0x0] =	sbarrier.arrive $0xFFFF  }
0x5d: {  	p0 =	sne.s32 s0, $0x0;
	_ =	strace $0x90000047  }
0x5e: {  	s0 =	sadd.s32 @!p0 $0x100000, s1;
	[bflag:$0x2] =	sbarrier.arrive $0xFFFF  }
0x5f: {  	[sflag:s0] =	ssyncadd.tile.s32 @!p0 $0x1;
	_ =	shalt  }
.Lfunc_end2:
_tile_overlayer_lowered:
.L_overlay_start_2:
0x60: {  	(tag) =	ssettag $0x2  }
0x61: {  	s0 =	rddreg [dreg:$0x0];
	s2 =	stileid.u32  }
0x62: {  	s1 =	rddreg [dreg:$0x1];
	p0 =	sne.s32 s2, $0x0  }
0x63: {  	s3 =	rddreg [dreg:$0x2];
	[bflag:$0x3] =	sbarrier.arrive $0xFFFF;
	s2 =	simm.s32 @!p0 $0x1C03  }
0x64: {  	[timem:s3], [sflag:s2] =	dma.local @!p0 [hbm:s0], s1  }
0x65: {  	s0 =	simm.s32 @!p0 $0x3  }
0x66: {  	_ =	swait.ge @!p0 [sflag:s0], s1  }
0x67: {  	s1 =	ssub.s32 @!p0 $0x0, s1;
	[sflag:s0] =	ssyncset.done @!p0 $0x0  }
0x68: {  	[sflag:s0] =	ssyncadd.s32 @!p0 s1  }
0x69: {  	[bflag:$0x3] =	sbarrier.arrive $0xFFFF  }
0x6a: {  	_ =	shalt  }

</sc_bundles>
